<compile_context>
chip_gen: v7x
topology: tpu7x:2x2x1
jax: 0.10.2.dev20260603
libtpu: 0.0.44.dev20260713+nightly
codegen_flags: <defaults>
</compile_context>

<pallas_src>
import functools

import jax
import jax.numpy as jnp
from jax import lax
from jax.experimental import pallas as pl
from jax.experimental.pallas import tpu as pltpu
from jax.experimental.pallas import tpu_sc as plsc

T, B, H, N = 4, 4, 4, 512
S = 64
NB = N // S
NPAIR = NB * (NB + 1) // 2
NUNITS = NPAIR * B
NW = 32
UPW = -(-NUNITS // NW)
OFF = [0, 8, 15, 21, 26, 30, 33, 35]

_LANES = 16
_NC = S // _LANES


def _sc_body(adj_set_hbm, adj_static_hbm, out_static_hbm, out_set_hbm,
             a_buf, g_buf, set_buf):
    wid = lax.axis_index("s") * 2 + lax.axis_index("c")
    lanes = lax.broadcasted_iota(jnp.int32, (_LANES,), 0)

    def unit_body(k, _):
        u = wid + k * NW

        @pl.when(u < NUNITS)
        def _unit():
            _unit_inner(u)
        return 0

    def _unit_inner(u):
        b = u & 3
        p = u >> 2
        i = jnp.int32(0)
        off_sel = jnp.int32(0)
        for ii in range(1, NB):
            ge = p >= OFF[ii]
            i = jnp.where(ge, jnp.int32(ii), i)
            off_sel = jnp.where(ge, jnp.int32(OFF[ii]), off_sel)
        j = i + (p - off_sel)
        is_diag = i == j
        r0 = i * S
        c0 = j * S

        pltpu.sync_copy(adj_static_hbm.at[b, :, pl.ds(r0, S), pl.ds(c0, S)],
                        g_buf.at[0, :, :, pl.ds(0, S)])
        @pl.when(jnp.logical_not(is_diag))
        def _():
            pltpu.sync_copy(adj_static_hbm.at[b, :, pl.ds(c0, S), pl.ds(r0, S)],
                            g_buf.at[1, :, :, pl.ds(0, S)])

        for t in range(T):
            pltpu.sync_copy(adj_set_hbm.at[t, b, :, pl.ds(r0, S), pl.ds(c0, S)],
                            a_buf.at[0])
            @pl.when(jnp.logical_not(is_diag))
            def _():
                pltpu.sync_copy(
                    adj_set_hbm.at[t, b, :, pl.ds(c0, S), pl.ds(r0, S)],
                    a_buf.at[1])

            def p1(n, _):
                for blk in range(2):
                    src_blk = jnp.where(is_diag, jnp.int32(0),
                                        jnp.int32(1 - blk))
                    def do_blk(blk=blk, src_blk=src_blk):
                        for h in range(H):
                            for c in range(_NC):
                                m = c * _LANES + lanes
                                a = a_buf[blk, h, n, pl.ds(c * _LANES, _LANES)]
                                g = g_buf[blk, h, n, pl.ds(c * _LANES, _LANES)]
                                gt = g
                                eye = jnp.where(
                                    jnp.logical_and(is_diag, m == n),
                                    jnp.float32(1.0), jnp.float32(0.0))
                                ssum = g + gt + eye
                                setv = jnp.where(ssum > 0, a, jnp.float32(0.0))
                                set_buf[blk, h, n,
                                        pl.ds(c * _LANES, _LANES)] = setv
                    if blk == 0:
                        do_blk()
                    else:
                        pl.when(jnp.logical_not(is_diag))(do_blk)
                return 0
            del p1

            pltpu.sync_copy(set_buf.at[0],
                            out_set_hbm.at[t, b, :, pl.ds(r0, S), pl.ds(c0, S)])
            @pl.when(jnp.logical_not(is_diag))
            def _():
                pltpu.sync_copy(
                    set_buf.at[1],
                    out_set_hbm.at[t, b, :, pl.ds(c0, S), pl.ds(r0, S)])

            def p2(n, _):
                for blk in range(2):
                    def do_blk(blk=blk):
                        for c in range(_NC):
                            sl = pl.ds(c * _LANES, _LANES)
                            av = [a_buf[blk, h, n, sl] for h in range(H)]
                            maxa = av[0]
                            for h in range(1, H):
                                maxa = jnp.maximum(maxa, av[h])
                            for h in range(H):
                                keep = av[h] <= maxa
                                g = g_buf[blk, h, n, sl]
                                g_buf[blk, h, n, sl] = jnp.where(
                                    keep, g, jnp.float32(0.0))
                    if blk == 0:
                        do_blk()
                    else:
                        pl.when(jnp.logical_not(is_diag))(do_blk)
                return 0
            del p2

            pltpu.sync_copy(g_buf.at[0, :, :, pl.ds(0, S)],
                            out_static_hbm.at[t, b, :,
                                              pl.ds(r0, S), pl.ds(c0, S)])
            @pl.when(jnp.logical_not(is_diag))
            def _():
                pltpu.sync_copy(
                    g_buf.at[1, :, :, pl.ds(0, S)],
                    out_static_hbm.at[t, b, :, pl.ds(c0, S), pl.ds(r0, S)])

    lax.fori_loop(0, UPW, unit_body, 0)


@jax.jit
def kernel(adj_set, adj_static):
    out = jax.ShapeDtypeStruct((T, B, H, N, N), jnp.float32)
    mesh = plsc.VectorSubcoreMesh(core_axis_name="c", subcore_axis_name="s")
    f = functools.partial(
        pl.kernel, mesh=mesh,
        compiler_params=pltpu.CompilerParams(use_tc_tiling_on_sc=False,
                                             needs_layout_passes=False),
        out_type=[out, out],
        scratch_types=[
            pltpu.VMEM((2, H, S, S), jnp.float32),
            pltpu.VMEM((2, H, S, S + 1), jnp.float32),
            pltpu.VMEM((2, H, S, S), jnp.float32),
        ],
    )(_sc_body)
    return tuple(f(adj_set, adj_static))

# --- scband reference (transcript-rebuilt; emitter-appended) ---
"""Pipeline reference for scband-graph-interation-65266323030683 (READ-ONLY COPY).

The authoritative reference and input builder live on the scoring server;
editing this copy changes nothing except your own understanding.
"""

import jax, jax.numpy as jnp
import numpy as np

K = 16

def setup_inputs(seed: int = 0):
    key = jax.random.key(seed)
    k1, k2 = jax.random.split(key)
    adj_set = jax.random.normal(k1, (4, 4, 4, 512, 512), dtype=jnp.float32)
    adj_static = jax.random.normal(k2, (4, 4, 512, 512), dtype=jnp.float32)
    return {"adj_set": adj_set, "adj_static": adj_static}

def reference(adj_set, adj_static):
    T = adj_set.shape[0]
    B, H, N, _ = adj_static.shape
    bi = jnp.arange(B)[:, None, None, None]
    hi = jnp.arange(H)[None, :, None, None]
    ni = jnp.arange(N)[None, None, :, None]
    eye = jnp.eye(N, dtype=adj_static.dtype)[None, None, :, :]
    static_list = []
    set_list = []
    for i in range(T):
        a = adj_set[i]
        adj_sum = adj_static + jnp.swapaxes(adj_static, 2, 3)
        adj_sum = adj_sum + eye
        mask_d = jnp.where(adj_sum > 0, jnp.ones_like(adj_sum), jnp.zeros_like(adj_sum))
        # topk with largest=False -> top_k of negated values
        _, topk_idx = jax.lax.top_k(-a, K)
        # scatter-overwrite of ones at topk indices along dim 3 (dead in original code,
        # kept for faithfulness)
        mask_s = jnp.zeros_like(a).at[bi, hi, ni, topk_idx].set(1.0)
        max_adj = jnp.max(a, axis=1)
        mask_s = jnp.where(a <= max_adj[:, None, :, :], jnp.ones_like(a), jnp.zeros_like(a))
        adj_static = adj_static * mask_s
        static_list.append(adj_static)
        set_list.append(a * mask_d)
    return (jnp.stack(static_list, axis=0), jnp.stack(set_list, axis=0))

if __name__ == "__main__":
    import jax
    _d = setup_inputs()
    print(jax.jit(kernel)(*tuple(_d.values())))

</pallas_src>

<mosaic_0001>
#map = affine_map<(d0, d1) -> (0, 0, 0, 0, 0)>
#map1 = affine_map<(d0, d1) -> (0, 0, 0, 0)>
module attributes {stable_mosaic.version = 14 : i64} {
  func.func @_sc_body(%arg0: i32, %arg1: i32, %arg2: memref<4x4x4x512x512xf32, #tpu.memory_space<hbm>>, %arg3: memref<4x4x512x512xf32, #tpu.memory_space<hbm>>, %arg4: memref<4x4x4x512x512xf32, #tpu.memory_space<hbm>>, %arg5: memref<4x4x4x512x512xf32, #tpu.memory_space<hbm>>, %arg6: memref<2x4x64x64xf32, #tpu.memory_space<vmem>>, %arg7: memref<2x4x64x65xf32, #tpu.memory_space<vmem>>, %arg8: memref<2x4x64x64xf32, #tpu.memory_space<vmem>>) attributes {dimension_semantics = [#tpu.dimension_semantics<core_parallel>, #tpu.dimension_semantics<subcore_parallel>], iteration_bounds = array<i64: 2, 16>, scalar_prefetch = 0 : i64, scratch_operands = 3 : i64, tpu.core_type = #tpu.core_type<sc_vector_subcore>, window_params = [{transform_indices = #map}, {transform_indices = #map1}, {transform_indices = #map}, {transform_indices = #map}]} {
    %mul3A = arith.constant 2 : i32
    %mul3A_0 = arith.muli %arg1, %mul3A : i32
    %add3A = arith.addi %mul3A_0, %arg0 : i32
    %iota3A = tpu.iota {dimensions = array<i32: 0>} : vector<16xi32>
    %scan3A = arith.constant 0 : i32
    %scan3A_1 = arith.constant 0 : i32
    %scan3A_2 = arith.constant 5 : i32
    %scan3A_3 = arith.addi %scan3A_1, %scan3A_2 : i32
    %scan3A_4 = arith.constant 1 : i32
    %scan3A_5 = scf.for %scan3A_7 = %scan3A_1 to %scan3A_3 step %scan3A_4 iter_args(%scan3A_8 = %scan3A) -> (i32)  : i32 {
      %mul3A_9 = arith.constant 32 : i32
      %mul3A_10 = arith.muli %scan3A_7, %mul3A_9 : i32
      %add3A_11 = arith.addi %add3A, %mul3A_10 : i32
      %lt3A = arith.constant 144 : i32
      %lt3A_12 = arith.cmpi slt, %add3A_11, %lt3A : i32
      %convert_element_type3A = arith.extui %lt3A_12 : i1 to i32
      %cond3A = arith.constant 0 : i32
      %cond3A_13 = arith.cmpi ne, %convert_element_type3A, %cond3A : i32
      scf.if %cond3A_13 {
        %and3A = arith.constant 3 : i32
        %and3A_15 = arith.andi %add3A_11, %and3A : i32
        %shift_right_arithmetic3A = arith.constant 2 : i32
        %shift_right_arithmetic3A_16 = arith.shrsi %add3A_11, %shift_right_arithmetic3A : i32
        %ge3A = arith.constant 8 : i32
        %ge3A_17 = arith.cmpi sge, %shift_right_arithmetic3A_16, %ge3A : i32
        %jit3A = arith.constant 1 : i32
        %jit3A_18 = arith.constant 0 : i32
        %select_n3A = arith.select %ge3A_17, %jit3A, %jit3A_18 : i32
        %jit3A_19 = arith.constant 8 : i32
        %jit3A_20 = arith.constant 0 : i32
        %select_n3A_21 = arith.select %ge3A_17, %jit3A_19, %jit3A_20 : i32
        %ge3A_22 = arith.constant 15 : i32
        %ge3A_23 = arith.cmpi sge, %shift_right_arithmetic3A_16, %ge3A_22 : i32
        %jit3A_24 = arith.constant 2 : i32
        %select_n3A_25 = arith.select %ge3A_23, %jit3A_24, %select_n3A : i32
        %jit3A_26 = arith.constant 15 : i32
        %select_n3A_27 = arith.select %ge3A_23, %jit3A_26, %select_n3A_21 : i32
        %ge3A_28 = arith.constant 21 : i32
        %ge3A_29 = arith.cmpi sge, %shift_right_arithmetic3A_16, %ge3A_28 : i32
        %jit3A_30 = arith.constant 3 : i32
        %select_n3A_31 = arith.select %ge3A_29, %jit3A_30, %select_n3A_25 : i32
        %jit3A_32 = arith.constant 21 : i32
        %select_n3A_33 = arith.select %ge3A_29, %jit3A_32, %select_n3A_27 : i32
        %ge3A_34 = arith.constant 26 : i32
        %ge3A_35 = arith.cmpi sge, %shift_right_arithmetic3A_16, %ge3A_34 : i32
        %jit3A_36 = arith.constant 4 : i32
        %select_n3A_37 = arith.select %ge3A_35, %jit3A_36, %select_n3A_31 : i32
        %jit3A_38 = arith.constant 26 : i32
        %select_n3A_39 = arith.select %ge3A_35, %jit3A_38, %select_n3A_33 : i32
        %ge3A_40 = arith.constant 30 : i32
        %ge3A_41 = arith.cmpi sge, %shift_right_arithmetic3A_16, %ge3A_40 : i32
        %jit3A_42 = arith.constant 5 : i32
        %select_n3A_43 = arith.select %ge3A_41, %jit3A_42, %select_n3A_37 : i32
        %jit3A_44 = arith.constant 30 : i32
        %select_n3A_45 = arith.select %ge3A_41, %jit3A_44, %select_n3A_39 : i32
        %ge3A_46 = arith.constant 33 : i32
        %ge3A_47 = arith.cmpi sge, %shift_right_arithmetic3A_16, %ge3A_46 : i32
        %jit3A_48 = arith.constant 6 : i32
        %select_n3A_49 = arith.select %ge3A_47, %jit3A_48, %select_n3A_43 : i32
        %jit3A_50 = arith.constant 33 : i32
        %select_n3A_51 = arith.select %ge3A_47, %jit3A_50, %select_n3A_45 : i32
        %ge3A_52 = arith.constant 35 : i32
        %ge3A_53 = arith.cmpi sge, %shift_right_arithmetic3A_16, %ge3A_52 : i32
        %jit3A_54 = arith.constant 7 : i32
        %select_n3A_55 = arith.select %ge3A_53, %jit3A_54, %select_n3A_49 : i32
        %jit3A_56 = arith.constant 35 : i32
        %select_n3A_57 = arith.select %ge3A_53, %jit3A_56, %select_n3A_51 : i32
        %sub3A = arith.subi %shift_right_arithmetic3A_16, %select_n3A_57 : i32
        %add3A_58 = arith.addi %select_n3A_55, %sub3A : i32
        %eq3A = arith.cmpi eq, %select_n3A_55, %add3A_58 : i32
        %mul3A_59 = arith.constant 64 : i32
        %mul3A_60 = arith.muli %select_n3A_55, %mul3A_59 : i32
        %mul3A_61 = arith.constant 64 : i32
        %mul3A_62 = arith.muli %add3A_58, %mul3A_61 : i32
        %run_scoped3A = arith.constant 0 : i32
        "tpu.region"() ({
          %run_scoped3A_151 = tpu.sem_alloc : memref<!tpu.dma_semaphore, #tpu.memory_space<semaphore_mem>>
          %dma_start3A = arith.constant 0 : i32
          %dma_start3A_152 = arith.constant 0 : i32
          %dma_start3A_153 = arith.constant 0 : i32
          %dma_start3A_154 = tpu.memref_slice %arg7[%run_scoped3A, %dma_start3A, %dma_start3A_152, %dma_start3A_153] : memref<2x4x64x65xf32, #tpu.memory_space<vmem>> -> memref<1x4x64x64xf32, #tpu.memory_space<vmem>>
          %dma_start3A_155 = tpu.memref_squeeze %dma_start3A_154 : memref<1x4x64x64xf32, #tpu.memory_space<vmem>> -> memref<4x64x64xf32, #tpu.memory_space<vmem>>
          %dma_start3A_156 = arith.constant 0 : i32
          %dma_start3A_157 = tpu.memref_slice %arg3[%and3A_15, %dma_start3A_156, %mul3A_60, %mul3A_62] : memref<4x4x512x512xf32, #tpu.memory_space<hbm>> -> memref<1x4x64x64xf32, #tpu.memory_space<hbm>>
          %dma_start3A_158 = tpu.memref_squeeze %dma_start3A_157 : memref<1x4x64x64xf32, #tpu.memory_space<hbm>> -> memref<4x64x64xf32, #tpu.memory_space<hbm>>
          %dma_start3A_159 = arith.constant 0 : i32
          %dma_start3A_160 = arith.constant 0 : i32
          %dma_start3A_161 = arith.constant 0 : i32
          %dma_start3A_162 = tpu.memref_slice %arg7[%run_scoped3A, %dma_start3A_159, %dma_start3A_160, %dma_start3A_161] : memref<2x4x64x65xf32, #tpu.memory_space<vmem>> -> memref<1x4x64x64xf32, #tpu.memory_space<vmem>>
          %dma_start3A_163 = tpu.memref_squeeze %dma_start3A_162 : memref<1x4x64x64xf32, #tpu.memory_space<vmem>> -> memref<4x64x64xf32, #tpu.memory_space<vmem>>
          %dma_start3A_164 = arith.constant 0 : i32
          %dma_start3A_165 = tpu.memref_slice %arg3[%and3A_15, %dma_start3A_164, %mul3A_60, %mul3A_62] : memref<4x4x512x512xf32, #tpu.memory_space<hbm>> -> memref<1x4x64x64xf32, #tpu.memory_space<hbm>>
          %dma_start3A_166 = tpu.memref_squeeze %dma_start3A_165 : memref<1x4x64x64xf32, #tpu.memory_space<hbm>> -> memref<4x64x64xf32, #tpu.memory_space<hbm>>
          tpu.enqueue_dma source(%dma_start3A_166 : memref<4x64x64xf32, #tpu.memory_space<hbm>>) target(%dma_start3A_163 : memref<4x64x64xf32, #tpu.memory_space<vmem>>) target_semaphore(%run_scoped3A_151 : memref<!tpu.dma_semaphore, #tpu.memory_space<semaphore_mem>>)
          %dma_wait3A = arith.constant 0 : i32
          %dma_wait3A_167 = arith.constant 0 : i32
          %dma_wait3A_168 = arith.constant 0 : i32
          %dma_wait3A_169 = tpu.memref_slice %arg7[%run_scoped3A, %dma_wait3A, %dma_wait3A_167, %dma_wait3A_168] : memref<2x4x64x65xf32, #tpu.memory_space<vmem>> -> memref<1x4x64x64xf32, #tpu.memory_space<vmem>>
          %dma_wait3A_170 = tpu.memref_squeeze %dma_wait3A_169 : memref<1x4x64x64xf32, #tpu.memory_space<vmem>> -> memref<4x64x64xf32, #tpu.memory_space<vmem>>
          %dma_wait3A_171 = arith.constant 0 : i32
          %dma_wait3A_172 = tpu.memref_slice %arg3[%and3A_15, %dma_wait3A_171, %mul3A_60, %mul3A_62] : memref<4x4x512x512xf32, #tpu.memory_space<hbm>> -> memref<1x4x64x64xf32, #tpu.memory_space<hbm>>
          %dma_wait3A_173 = tpu.memref_squeeze %dma_wait3A_172 : memref<1x4x64x64xf32, #tpu.memory_space<hbm>> -> memref<4x64x64xf32, #tpu.memory_space<hbm>>
          %dma_wait3A_174 = arith.constant 0 : i32
          %dma_wait3A_175 = arith.constant 0 : i32
          %dma_wait3A_176 = arith.constant 0 : i32
          %dma_wait3A_177 = tpu.memref_slice %arg7[%run_scoped3A, %dma_wait3A_174, %dma_wait3A_175, %dma_wait3A_176] : memref<2x4x64x65xf32, #tpu.memory_space<vmem>> -> memref<1x4x64x64xf32, #tpu.memory_space<vmem>>
          %dma_wait3A_178 = tpu.memref_squeeze %dma_wait3A_177 : memref<1x4x64x64xf32, #tpu.memory_space<vmem>> -> memref<4x64x64xf32, #tpu.memory_space<vmem>>
          %dma_wait3A_179 = arith.constant 0 : i32
          %dma_wait3A_180 = tpu.memref_slice %arg3[%and3A_15, %dma_wait3A_179, %mul3A_60, %mul3A_62] : memref<4x4x512x512xf32, #tpu.memory_space<hbm>> -> memref<1x4x64x64xf32, #tpu.memory_space<hbm>>
          %dma_wait3A_181 = tpu.memref_squeeze %dma_wait3A_180 : memref<1x4x64x64xf32, #tpu.memory_space<hbm>> -> memref<4x64x64xf32, #tpu.memory_space<hbm>>
          tpu.wait_dma2 semaphore(%run_scoped3A_151 : memref<!tpu.dma_semaphore, #tpu.memory_space<semaphore_mem>>) src(%dma_wait3A_181 : memref<4x64x64xf32, #tpu.memory_space<hbm>>) dst(%dma_wait3A_178 : memref<4x64x64xf32, #tpu.memory_space<vmem>>)
          tpu.yield
        }) : () -> ()
        %not3A = arith.constant true
        %not3A_63 = arith.xori %eq3A, %not3A : i1
        %convert_element_type3A_64 = arith.extui %not3A_63 : i1 to i32
        %cond3A_65 = arith.constant 0 : i32
        %cond3A_66 = arith.cmpi ne, %convert_element_type3A_64, %cond3A_65 : i32
        scf.if %cond3A_66 {
          %run_scoped3A_151 = arith.constant 1 : i32
          "tpu.region"() ({
            %run_scoped3A_152 = tpu.sem_alloc : memref<!tpu.dma_semaphore, #tpu.memory_space<semaphore_mem>>
            %dma_start3A = arith.constant 0 : i32
            %dma_start3A_153 = arith.constant 0 : i32
            %dma_start3A_154 = arith.constant 0 : i32
            %dma_start3A_155 = tpu.memref_slice %arg7[%run_scoped3A_151, %dma_start3A, %dma_start3A_153, %dma_start3A_154] : memref<2x4x64x65xf32, #tpu.memory_space<vmem>> -> memref<1x4x64x64xf32, #tpu.memory_space<vmem>>
            %dma_start3A_156 = tpu.memref_squeeze %dma_start3A_155 : memref<1x4x64x64xf32, #tpu.memory_space<vmem>> -> memref<4x64x64xf32, #tpu.memory_space<vmem>>
            %dma_start3A_157 = arith.constant 0 : i32
            %dma_start3A_158 = tpu.memref_slice %arg3[%and3A_15, %dma_start3A_157, %mul3A_62, %mul3A_60] : memref<4x4x512x512xf32, #tpu.memory_space<hbm>> -> memref<1x4x64x64xf32, #tpu.memory_space<hbm>>
            %dma_start3A_159 = tpu.memref_squeeze %dma_start3A_158 : memref<1x4x64x64xf32, #tpu.memory_space<hbm>> -> memref<4x64x64xf32, #tpu.memory_space<hbm>>
            %dma_start3A_160 = arith.constant 0 : i32
            %dma_start3A_161 = arith.constant 0 : i32
            %dma_start3A_162 = arith.constant 0 : i32
            %dma_start3A_163 = tpu.memref_slice %arg7[%run_scoped3A_151, %dma_start3A_160, %dma_start3A_161, %dma_start3A_162] : memref<2x4x64x65xf32, #tpu.memory_space<vmem>> -> memref<1x4x64x64xf32, #tpu.memory_space<vmem>>
            %dma_start3A_164 = tpu.memref_squeeze %dma_start3A_163 : memref<1x4x64x64xf32, #tpu.memory_space<vmem>> -> memref<4x64x64xf32, #tpu.memory_space<vmem>>
            %dma_start3A_165 = arith.constant 0 : i32
            %dma_start3A_166 = tpu.memref_slice %arg3[%and3A_15, %dma_start3A_165, %mul3A_62, %mul3A_60] : memref<4x4x512x512xf32, #tpu.memory_space<hbm>> -> memref<1x4x64x64xf32, #tpu.memory_space<hbm>>
            %dma_start3A_167 = tpu.memref_squeeze %dma_start3A_166 : memref<1x4x64x64xf32, #tpu.memory_space<hbm>> -> memref<4x64x64xf32, #tpu.memory_space<hbm>>
            tpu.enqueue_dma source(%dma_start3A_167 : memref<4x64x64xf32, #tpu.memory_space<hbm>>) target(%dma_start3A_164 : memref<4x64x64xf32, #tpu.memory_space<vmem>>) target_semaphore(%run_scoped3A_152 : memref<!tpu.dma_semaphore, #tpu.memory_space<semaphore_mem>>)
            %dma_wait3A = arith.constant 0 : i32
            %dma_wait3A_168 = arith.constant 0 : i32
            %dma_wait3A_169 = arith.constant 0 : i32
            %dma_wait3A_170 = tpu.memref_slice %arg7[%run_scoped3A_151, %dma_wait3A, %dma_wait3A_168, %dma_wait3A_169] : memref<2x4x64x65xf32, #tpu.memory_space<vmem>> -> memref<1x4x64x64xf32, #tpu.memory_space<vmem>>
            %dma_wait3A_171 = tpu.memref_squeeze %dma_wait3A_170 : memref<1x4x64x64xf32, #tpu.memory_space<vmem>> -> memref<4x64x64xf32, #tpu.memory_space<vmem>>
            %dma_wait3A_172 = arith.constant 0 : i32
            %dma_wait3A_173 = tpu.memref_slice %arg3[%and3A_15, %dma_wait3A_172, %mul3A_62, %mul3A_60] : memref<4x4x512x512xf32, #tpu.memory_space<hbm>> -> memref<1x4x64x64xf32, #tpu.memory_space<hbm>>
            %dma_wait3A_174 = tpu.memref_squeeze %dma_wait3A_173 : memref<1x4x64x64xf32, #tpu.memory_space<hbm>> -> memref<4x64x64xf32, #tpu.memory_space<hbm>>
            %dma_wait3A_175 = arith.constant 0 : i32
            %dma_wait3A_176 = arith.constant 0 : i32
            %dma_wait3A_177 = arith.constant 0 : i32
            %dma_wait3A_178 = tpu.memref_slice %arg7[%run_scoped3A_151, %dma_wait3A_175, %dma_wait3A_176, %dma_wait3A_177] : memref<2x4x64x65xf32, #tpu.memory_space<vmem>> -> memref<1x4x64x64xf32, #tpu.memory_space<vmem>>
            %dma_wait3A_179 = tpu.memref_squeeze %dma_wait3A_178 : memref<1x4x64x64xf32, #tpu.memory_space<vmem>> -> memref<4x64x64xf32, #tpu.memory_space<vmem>>
            %dma_wait3A_180 = arith.constant 0 : i32
            %dma_wait3A_181 = tpu.memref_slice %arg3[%and3A_15, %dma_wait3A_180, %mul3A_62, %mul3A_60] : memref<4x4x512x512xf32, #tpu.memory_space<hbm>> -> memref<1x4x64x64xf32, #tpu.memory_space<hbm>>
            %dma_wait3A_182 = tpu.memref_squeeze %dma_wait3A_181 : memref<1x4x64x64xf32, #tpu.memory_space<hbm>> -> memref<4x64x64xf32, #tpu.memory_space<hbm>>
            tpu.wait_dma2 semaphore(%run_scoped3A_152 : memref<!tpu.dma_semaphore, #tpu.memory_space<semaphore_mem>>) src(%dma_wait3A_182 : memref<4x64x64xf32, #tpu.memory_space<hbm>>) dst(%dma_wait3A_179 : memref<4x64x64xf32, #tpu.memory_space<vmem>>)
            tpu.yield
          }) : () -> ()
        } else {
        }
        %run_scoped3A_67 = arith.constant 0 : i32
        %run_scoped3A_68 = arith.constant 0 : i32
        "tpu.region"() ({
          %run_scoped3A_151 = tpu.sem_alloc : memref<!tpu.dma_semaphore, #tpu.memory_space<semaphore_mem>>
          %dma_start3A = arith.constant 0 : i32
          %dma_start3A_152 = arith.constant 0 : i32
          %dma_start3A_153 = arith.constant 0 : i32
          %dma_start3A_154 = tpu.memref_slice %arg6[%run_scoped3A_68, %dma_start3A, %dma_start3A_152, %dma_start3A_153] : memref<2x4x64x64xf32, #tpu.memory_space<vmem>> -> memref<1x4x64x64xf32, #tpu.memory_space<vmem>>
          %dma_start3A_155 = tpu.memref_squeeze %dma_start3A_154 : memref<1x4x64x64xf32, #tpu.memory_space<vmem>> -> memref<4x64x64xf32, #tpu.memory_space<vmem>>
          %dma_start3A_156 = arith.constant 0 : i32
          %dma_start3A_157 = tpu.memref_slice %arg2[%run_scoped3A_67, %and3A_15, %dma_start3A_156, %mul3A_60, %mul3A_62] : memref<4x4x4x512x512xf32, #tpu.memory_space<hbm>> -> memref<1x1x4x64x64xf32, #tpu.memory_space<hbm>>
          %dma_start3A_158 = tpu.memref_squeeze %dma_start3A_157 : memref<1x1x4x64x64xf32, #tpu.memory_space<hbm>> -> memref<4x64x64xf32, #tpu.memory_space<hbm>>
          %dma_start3A_159 = arith.constant 0 : i32
          %dma_start3A_160 = arith.constant 0 : i32
          %dma_start3A_161 = arith.constant 0 : i32
          %dma_start3A_162 = tpu.memref_slice %arg6[%run_scoped3A_68, %dma_start3A_159, %dma_start3A_160, %dma_start3A_161] : memref<2x4x64x64xf32, #tpu.memory_space<vmem>> -> memref<1x4x64x64xf32, #tpu.memory_space<vmem>>
          %dma_start3A_163 = tpu.memref_squeeze %dma_start3A_162 : memref<1x4x64x64xf32, #tpu.memory_space<vmem>> -> memref<4x64x64xf32, #tpu.memory_space<vmem>>
          %dma_start3A_164 = arith.constant 0 : i32
          %dma_start3A_165 = tpu.memref_slice %arg2[%run_scoped3A_67, %and3A_15, %dma_start3A_164, %mul3A_60, %mul3A_62] : memref<4x4x4x512x512xf32, #tpu.memory_space<hbm>> -> memref<1x1x4x64x64xf32, #tpu.memory_space<hbm>>
          %dma_start3A_166 = tpu.memref_squeeze %dma_start3A_165 : memref<1x1x4x64x64xf32, #tpu.memory_space<hbm>> -> memref<4x64x64xf32, #tpu.memory_space<hbm>>
          tpu.enqueue_dma source(%dma_start3A_166 : memref<4x64x64xf32, #tpu.memory_space<hbm>>) target(%dma_start3A_163 : memref<4x64x64xf32, #tpu.memory_space<vmem>>) target_semaphore(%run_scoped3A_151 : memref<!tpu.dma_semaphore, #tpu.memory_space<semaphore_mem>>)
          %dma_wait3A = arith.constant 0 : i32
          %dma_wait3A_167 = arith.constant 0 : i32
          %dma_wait3A_168 = arith.constant 0 : i32
          %dma_wait3A_169 = tpu.memref_slice %arg6[%run_scoped3A_68, %dma_wait3A, %dma_wait3A_167, %dma_wait3A_168] : memref<2x4x64x64xf32, #tpu.memory_space<vmem>> -> memref<1x4x64x64xf32, #tpu.memory_space<vmem>>
          %dma_wait3A_170 = tpu.memref_squeeze %dma_wait3A_169 : memref<1x4x64x64xf32, #tpu.memory_space<vmem>> -> memref<4x64x64xf32, #tpu.memory_space<vmem>>
          %dma_wait3A_171 = arith.constant 0 : i32
          %dma_wait3A_172 = tpu.memref_slice %arg2[%run_scoped3A_67, %and3A_15, %dma_wait3A_171, %mul3A_60, %mul3A_62] : memref<4x4x4x512x512xf32, #tpu.memory_space<hbm>> -> memref<1x1x4x64x64xf32, #tpu.memory_space<hbm>>
          %dma_wait3A_173 = tpu.memref_squeeze %dma_wait3A_172 : memref<1x1x4x64x64xf32, #tpu.memory_space<hbm>> -> memref<4x64x64xf32, #tpu.memory_space<hbm>>
          %dma_wait3A_174 = arith.constant 0 : i32
          %dma_wait3A_175 = arith.constant 0 : i32
          %dma_wait3A_176 = arith.constant 0 : i32
          %dma_wait3A_177 = tpu.memref_slice %arg6[%run_scoped3A_68, %dma_wait3A_174, %dma_wait3A_175, %dma_wait3A_176] : memref<2x4x64x64xf32, #tpu.memory_space<vmem>> -> memref<1x4x64x64xf32, #tpu.memory_space<vmem>>
          %dma_wait3A_178 = tpu.memref_squeeze %dma_wait3A_177 : memref<1x4x64x64xf32, #tpu.memory_space<vmem>> -> memref<4x64x64xf32, #tpu.memory_space<vmem>>
          %dma_wait3A_179 = arith.constant 0 : i32
          %dma_wait3A_180 = tpu.memref_slice %arg2[%run_scoped3A_67, %and3A_15, %dma_wait3A_179, %mul3A_60, %mul3A_62] : memref<4x4x4x512x512xf32, #tpu.memory_space<hbm>> -> memref<1x1x4x64x64xf32, #tpu.memory_space<hbm>>
          %dma_wait3A_181 = tpu.memref_squeeze %dma_wait3A_180 : memref<1x1x4x64x64xf32, #tpu.memory_space<hbm>> -> memref<4x64x64xf32, #tpu.memory_space<hbm>>
          tpu.wait_dma2 semaphore(%run_scoped3A_151 : memref<!tpu.dma_semaphore, #tpu.memory_space<semaphore_mem>>) src(%dma_wait3A_181 : memref<4x64x64xf32, #tpu.memory_space<hbm>>) dst(%dma_wait3A_178 : memref<4x64x64xf32, #tpu.memory_space<vmem>>)
          tpu.yield
        }) : () -> ()
        %not3A_69 = arith.constant true
        %not3A_70 = arith.xori %eq3A, %not3A_69 : i1
        %convert_element_type3A_71 = arith.extui %not3A_70 : i1 to i32
        %cond3A_72 = arith.constant 0 : i32
        %cond3A_73 = arith.cmpi ne, %convert_element_type3A_71, %cond3A_72 : i32
        scf.if %cond3A_73 {
          %run_scoped3A_151 = arith.constant 0 : i32
          %run_scoped3A_152 = arith.constant 1 : i32
          "tpu.region"() ({
            %run_scoped3A_153 = tpu.sem_alloc : memref<!tpu.dma_semaphore, #tpu.memory_space<semaphore_mem>>
            %dma_start3A = arith.constant 0 : i32
            %dma_start3A_154 = arith.constant 0 : i32
            %dma_start3A_155 = arith.constant 0 : i32
            %dma_start3A_156 = tpu.memref_slice %arg6[%run_scoped3A_152, %dma_start3A, %dma_start3A_154, %dma_start3A_155] : memref<2x4x64x64xf32, #tpu.memory_space<vmem>> -> memref<1x4x64x64xf32, #tpu.memory_space<vmem>>
            %dma_start3A_157 = tpu.memref_squeeze %dma_start3A_156 : memref<1x4x64x64xf32, #tpu.memory_space<vmem>> -> memref<4x64x64xf32, #tpu.memory_space<vmem>>
            %dma_start3A_158 = arith.constant 0 : i32
            %dma_start3A_159 = tpu.memref_slice %arg2[%run_scoped3A_151, %and3A_15, %dma_start3A_158, %mul3A_62, %mul3A_60] : memref<4x4x4x512x512xf32, #tpu.memory_space<hbm>> -> memref<1x1x4x64x64xf32, #tpu.memory_space<hbm>>
            %dma_start3A_160 = tpu.memref_squeeze %dma_start3A_159 : memref<1x1x4x64x64xf32, #tpu.memory_space<hbm>> -> memref<4x64x64xf32, #tpu.memory_space<hbm>>
            %dma_start3A_161 = arith.constant 0 : i32
            %dma_start3A_162 = arith.constant 0 : i32
            %dma_start3A_163 = arith.constant 0 : i32
            %dma_start3A_164 = tpu.memref_slice %arg6[%run_scoped3A_152, %dma_start3A_161, %dma_start3A_162, %dma_start3A_163] : memref<2x4x64x64xf32, #tpu.memory_space<vmem>> -> memref<1x4x64x64xf32, #tpu.memory_space<vmem>>
            %dma_start3A_165 = tpu.memref_squeeze %dma_start3A_164 : memref<1x4x64x64xf32, #tpu.memory_space<vmem>> -> memref<4x64x64xf32, #tpu.memory_space<vmem>>
            %dma_start3A_166 = arith.constant 0 : i32
            %dma_start3A_167 = tpu.memref_slice %arg2[%run_scoped3A_151, %and3A_15, %dma_start3A_166, %mul3A_62, %mul3A_60] : memref<4x4x4x512x512xf32, #tpu.memory_space<hbm>> -> memref<1x1x4x64x64xf32, #tpu.memory_space<hbm>>
            %dma_start3A_168 = tpu.memref_squeeze %dma_start3A_167 : memref<1x1x4x64x64xf32, #tpu.memory_space<hbm>> -> memref<4x64x64xf32, #tpu.memory_space<hbm>>
            tpu.enqueue_dma source(%dma_start3A_168 : memref<4x64x64xf32, #tpu.memory_space<hbm>>) target(%dma_start3A_165 : memref<4x64x64xf32, #tpu.memory_space<vmem>>) target_semaphore(%run_scoped3A_153 : memref<!tpu.dma_semaphore, #tpu.memory_space<semaphore_mem>>)
            %dma_wait3A = arith.constant 0 : i32
            %dma_wait3A_169 = arith.constant 0 : i32
            %dma_wait3A_170 = arith.constant 0 : i32
            %dma_wait3A_171 = tpu.memref_slice %arg6[%run_scoped3A_152, %dma_wait3A, %dma_wait3A_169, %dma_wait3A_170] : memref<2x4x64x64xf32, #tpu.memory_space<vmem>> -> memref<1x4x64x64xf32, #tpu.memory_space<vmem>>
            %dma_wait3A_172 = tpu.memref_squeeze %dma_wait3A_171 : memref<1x4x64x64xf32, #tpu.memory_space<vmem>> -> memref<4x64x64xf32, #tpu.memory_space<vmem>>
            %dma_wait3A_173 = arith.constant 0 : i32
            %dma_wait3A_174 = tpu.memref_slice %arg2[%run_scoped3A_151, %and3A_15, %dma_wait3A_173, %mul3A_62, %mul3A_60] : memref<4x4x4x512x512xf32, #tpu.memory_space<hbm>> -> memref<1x1x4x64x64xf32, #tpu.memory_space<hbm>>
            %dma_wait3A_175 = tpu.memref_squeeze %dma_wait3A_174 : memref<1x1x4x64x64xf32, #tpu.memory_space<hbm>> -> memref<4x64x64xf32, #tpu.memory_space<hbm>>
            %dma_wait3A_176 = arith.constant 0 : i32
            %dma_wait3A_177 = arith.constant 0 : i32
            %dma_wait3A_178 = arith.constant 0 : i32
            %dma_wait3A_179 = tpu.memref_slice %arg6[%run_scoped3A_152, %dma_wait3A_176, %dma_wait3A_177, %dma_wait3A_178] : memref<2x4x64x64xf32, #tpu.memory_space<vmem>> -> memref<1x4x64x64xf32, #tpu.memory_space<vmem>>
            %dma_wait3A_180 = tpu.memref_squeeze %dma_wait3A_179 : memref<1x4x64x64xf32, #tpu.memory_space<vmem>> -> memref<4x64x64xf32, #tpu.memory_space<vmem>>
            %dma_wait3A_181 = arith.constant 0 : i32
            %dma_wait3A_182 = tpu.memref_slice %arg2[%run_scoped3A_151, %and3A_15, %dma_wait3A_181, %mul3A_62, %mul3A_60] : memref<4x4x4x512x512xf32, #tpu.memory_space<hbm>> -> memref<1x1x4x64x64xf32, #tpu.memory_space<hbm>>
            %dma_wait3A_183 = tpu.memref_squeeze %dma_wait3A_182 : memref<1x1x4x64x64xf32, #tpu.memory_space<hbm>> -> memref<4x64x64xf32, #tpu.memory_space<hbm>>
            tpu.wait_dma2 semaphore(%run_scoped3A_153 : memref<!tpu.dma_semaphore, #tpu.memory_space<semaphore_mem>>) src(%dma_wait3A_183 : memref<4x64x64xf32, #tpu.memory_space<hbm>>) dst(%dma_wait3A_180 : memref<4x64x64xf32, #tpu.memory_space<vmem>>)
            tpu.yield
          }) : () -> ()
        } else {
        }
        %run_scoped3A_74 = arith.constant 0 : i32
        %run_scoped3A_75 = arith.constant 0 : i32
        "tpu.region"() ({
          %run_scoped3A_151 = tpu.sem_alloc : memref<!tpu.dma_semaphore, #tpu.memory_space<semaphore_mem>>
          %dma_start3A = arith.constant 0 : i32
          %dma_start3A_152 = arith.constant 0 : i32
          %dma_start3A_153 = arith.constant 0 : i32
          %dma_start3A_154 = tpu.memref_slice %arg8[%run_scoped3A_74, %dma_start3A, %dma_start3A_152, %dma_start3A_153] : memref<2x4x64x64xf32, #tpu.memory_space<vmem>> -> memref<1x4x64x64xf32, #tpu.memory_space<vmem>>
          %dma_start3A_155 = tpu.memref_squeeze %dma_start3A_154 : memref<1x4x64x64xf32, #tpu.memory_space<vmem>> -> memref<4x64x64xf32, #tpu.memory_space<vmem>>
          %dma_start3A_156 = arith.constant 0 : i32
          %dma_start3A_157 = tpu.memref_slice %arg5[%run_scoped3A_75, %and3A_15, %dma_start3A_156, %mul3A_60, %mul3A_62] : memref<4x4x4x512x512xf32, #tpu.memory_space<hbm>> -> memref<1x1x4x64x64xf32, #tpu.memory_space<hbm>>
          %dma_start3A_158 = tpu.memref_squeeze %dma_start3A_157 : memref<1x1x4x64x64xf32, #tpu.memory_space<hbm>> -> memref<4x64x64xf32, #tpu.memory_space<hbm>>
          %dma_start3A_159 = arith.constant 0 : i32
          %dma_start3A_160 = tpu.memref_slice %arg5[%run_scoped3A_75, %and3A_15, %dma_start3A_159, %mul3A_60, %mul3A_62] : memref<4x4x4x512x512xf32, #tpu.memory_space<hbm>> -> memref<1x1x4x64x64xf32, #tpu.memory_space<hbm>>
          %dma_start3A_161 = tpu.memref_squeeze %dma_start3A_160 : memref<1x1x4x64x64xf32, #tpu.memory_space<hbm>> -> memref<4x64x64xf32, #tpu.memory_space<hbm>>
          %dma_start3A_162 = arith.constant 0 : i32
          %dma_start3A_163 = arith.constant 0 : i32
          %dma_start3A_164 = arith.constant 0 : i32
          %dma_start3A_165 = tpu.memref_slice %arg8[%run_scoped3A_74, %dma_start3A_162, %dma_start3A_163, %dma_start3A_164] : memref<2x4x64x64xf32, #tpu.memory_space<vmem>> -> memref<1x4x64x64xf32, #tpu.memory_space<vmem>>
          %dma_start3A_166 = tpu.memref_squeeze %dma_start3A_165 : memref<1x4x64x64xf32, #tpu.memory_space<vmem>> -> memref<4x64x64xf32, #tpu.memory_space<vmem>>
          tpu.enqueue_dma source(%dma_start3A_166 : memref<4x64x64xf32, #tpu.memory_space<vmem>>) target(%dma_start3A_161 : memref<4x64x64xf32, #tpu.memory_space<hbm>>) target_semaphore(%run_scoped3A_151 : memref<!tpu.dma_semaphore, #tpu.memory_space<semaphore_mem>>)
          %dma_wait3A = arith.constant 0 : i32
          %dma_wait3A_167 = arith.constant 0 : i32
          %dma_wait3A_168 = arith.constant 0 : i32
          %dma_wait3A_169 = tpu.memref_slice %arg8[%run_scoped3A_74, %dma_wait3A, %dma_wait3A_167, %dma_wait3A_168] : memref<2x4x64x64xf32, #tpu.memory_space<vmem>> -> memref<1x4x64x64xf32, #tpu.memory_space<vmem>>
          %dma_wait3A_170 = tpu.memref_squeeze %dma_wait3A_169 : memref<1x4x64x64xf32, #tpu.memory_space<vmem>> -> memref<4x64x64xf32, #tpu.memory_space<vmem>>
          %dma_wait3A_171 = arith.constant 0 : i32
          %dma_wait3A_172 = tpu.memref_slice %arg5[%run_scoped3A_75, %and3A_15, %dma_wait3A_171, %mul3A_60, %mul3A_62] : memref<4x4x4x512x512xf32, #tpu.memory_space<hbm>> -> memref<1x1x4x64x64xf32, #tpu.memory_space<hbm>>
          %dma_wait3A_173 = tpu.memref_squeeze %dma_wait3A_172 : memref<1x1x4x64x64xf32, #tpu.memory_space<hbm>> -> memref<4x64x64xf32, #tpu.memory_space<hbm>>
          %dma_wait3A_174 = arith.constant 0 : i32
          %dma_wait3A_175 = tpu.memref_slice %arg5[%run_scoped3A_75, %and3A_15, %dma_wait3A_174, %mul3A_60, %mul3A_62] : memref<4x4x4x512x512xf32, #tpu.memory_space<hbm>> -> memref<1x1x4x64x64xf32, #tpu.memory_space<hbm>>
          %dma_wait3A_176 = tpu.memref_squeeze %dma_wait3A_175 : memref<1x1x4x64x64xf32, #tpu.memory_space<hbm>> -> memref<4x64x64xf32, #tpu.memory_space<hbm>>
          %dma_wait3A_177 = arith.constant 0 : i32
          %dma_wait3A_178 = arith.constant 0 : i32
          %dma_wait3A_179 = arith.constant 0 : i32
          %dma_wait3A_180 = tpu.memref_slice %arg8[%run_scoped3A_74, %dma_wait3A_177, %dma_wait3A_178, %dma_wait3A_179] : memref<2x4x64x64xf32, #tpu.memory_space<vmem>> -> memref<1x4x64x64xf32, #tpu.memory_space<vmem>>
          %dma_wait3A_181 = tpu.memref_squeeze %dma_wait3A_180 : memref<1x4x64x64xf32, #tpu.memory_space<vmem>> -> memref<4x64x64xf32, #tpu.memory_space<vmem>>
          tpu.wait_dma2 semaphore(%run_scoped3A_151 : memref<!tpu.dma_semaphore, #tpu.memory_space<semaphore_mem>>) src(%dma_wait3A_181 : memref<4x64x64xf32, #tpu.memory_space<vmem>>) dst(%dma_wait3A_176 : memref<4x64x64xf32, #tpu.memory_space<hbm>>)
          tpu.yield
        }) : () -> ()
        %not3A_76 = arith.constant true
        %not3A_77 = arith.xori %eq3A, %not3A_76 : i1
        %convert_element_type3A_78 = arith.extui %not3A_77 : i1 to i32
        %cond3A_79 = arith.constant 0 : i32
        %cond3A_80 = arith.cmpi ne, %convert_element_type3A_78, %cond3A_79 : i32
        scf.if %cond3A_80 {
          %run_scoped3A_151 = arith.constant 1 : i32
          %run_scoped3A_152 = arith.constant 0 : i32
          "tpu.region"() ({
            %run_scoped3A_153 = tpu.sem_alloc : memref<!tpu.dma_semaphore, #tpu.memory_space<semaphore_mem>>
            %dma_start3A = arith.constant 0 : i32
            %dma_start3A_154 = arith.constant 0 : i32
            %dma_start3A_155 = arith.constant 0 : i32
            %dma_start3A_156 = tpu.memref_slice %arg8[%run_scoped3A_151, %dma_start3A, %dma_start3A_154, %dma_start3A_155] : memref<2x4x64x64xf32, #tpu.memory_space<vmem>> -> memref<1x4x64x64xf32, #tpu.memory_space<vmem>>
            %dma_start3A_157 = tpu.memref_squeeze %dma_start3A_156 : memref<1x4x64x64xf32, #tpu.memory_space<vmem>> -> memref<4x64x64xf32, #tpu.memory_space<vmem>>
            %dma_start3A_158 = arith.constant 0 : i32
            %dma_start3A_159 = tpu.memref_slice %arg5[%run_scoped3A_152, %and3A_15, %dma_start3A_158, %mul3A_62, %mul3A_60] : memref<4x4x4x512x512xf32, #tpu.memory_space<hbm>> -> memref<1x1x4x64x64xf32, #tpu.memory_space<hbm>>
            %dma_start3A_160 = tpu.memref_squeeze %dma_start3A_159 : memref<1x1x4x64x64xf32, #tpu.memory_space<hbm>> -> memref<4x64x64xf32, #tpu.memory_space<hbm>>
            %dma_start3A_161 = arith.constant 0 : i32
            %dma_start3A_162 = tpu.memref_slice %arg5[%run_scoped3A_152, %and3A_15, %dma_start3A_161, %mul3A_62, %mul3A_60] : memref<4x4x4x512x512xf32, #tpu.memory_space<hbm>> -> memref<1x1x4x64x64xf32, #tpu.memory_space<hbm>>
            %dma_start3A_163 = tpu.memref_squeeze %dma_start3A_162 : memref<1x1x4x64x64xf32, #tpu.memory_space<hbm>> -> memref<4x64x64xf32, #tpu.memory_space<hbm>>
            %dma_start3A_164 = arith.constant 0 : i32
            %dma_start3A_165 = arith.constant 0 : i32
            %dma_start3A_166 = arith.constant 0 : i32
            %dma_start3A_167 = tpu.memref_slice %arg8[%run_scoped3A_151, %dma_start3A_164, %dma_start3A_165, %dma_start3A_166] : memref<2x4x64x64xf32, #tpu.memory_space<vmem>> -> memref<1x4x64x64xf32, #tpu.memory_space<vmem>>
            %dma_start3A_168 = tpu.memref_squeeze %dma_start3A_167 : memref<1x4x64x64xf32, #tpu.memory_space<vmem>> -> memref<4x64x64xf32, #tpu.memory_space<vmem>>
            tpu.enqueue_dma source(%dma_start3A_168 : memref<4x64x64xf32, #tpu.memory_space<vmem>>) target(%dma_start3A_163 : memref<4x64x64xf32, #tpu.memory_space<hbm>>) target_semaphore(%run_scoped3A_153 : memref<!tpu.dma_semaphore, #tpu.memory_space<semaphore_mem>>)
            %dma_wait3A = arith.constant 0 : i32
            %dma_wait3A_169 = arith.constant 0 : i32
            %dma_wait3A_170 = arith.constant 0 : i32
            %dma_wait3A_171 = tpu.memref_slice %arg8[%run_scoped3A_151, %dma_wait3A, %dma_wait3A_169, %dma_wait3A_170] : memref<2x4x64x64xf32, #tpu.memory_space<vmem>> -> memref<1x4x64x64xf32, #tpu.memory_space<vmem>>
            %dma_wait3A_172 = tpu.memref_squeeze %dma_wait3A_171 : memref<1x4x64x64xf32, #tpu.memory_space<vmem>> -> memref<4x64x64xf32, #tpu.memory_space<vmem>>
            %dma_wait3A_173 = arith.constant 0 : i32
            %dma_wait3A_174 = tpu.memref_slice %arg5[%run_scoped3A_152, %and3A_15, %dma_wait3A_173, %mul3A_62, %mul3A_60] : memref<4x4x4x512x512xf32, #tpu.memory_space<hbm>> -> memref<1x1x4x64x64xf32, #tpu.memory_space<hbm>>
            %dma_wait3A_175 = tpu.memref_squeeze %dma_wait3A_174 : memref<1x1x4x64x64xf32, #tpu.memory_space<hbm>> -> memref<4x64x64xf32, #tpu.memory_space<hbm>>
            %dma_wait3A_176 = arith.constant 0 : i32
            %dma_wait3A_177 = tpu.memref_slice %arg5[%run_scoped3A_152, %and3A_15, %dma_wait3A_176, %mul3A_62, %mul3A_60] : memref<4x4x4x512x512xf32, #tpu.memory_space<hbm>> -> memref<1x1x4x64x64xf32, #tpu.memory_space<hbm>>
            %dma_wait3A_178 = tpu.memref_squeeze %dma_wait3A_177 : memref<1x1x4x64x64xf32, #tpu.memory_space<hbm>> -> memref<4x64x64xf32, #tpu.memory_space<hbm>>
            %dma_wait3A_179 = arith.constant 0 : i32
            %dma_wait3A_180 = arith.constant 0 : i32
            %dma_wait3A_181 = arith.constant 0 : i32
            %dma_wait3A_182 = tpu.memref_slice %arg8[%run_scoped3A_151, %dma_wait3A_179, %dma_wait3A_180, %dma_wait3A_181] : memref<2x4x64x64xf32, #tpu.memory_space<vmem>> -> memref<1x4x64x64xf32, #tpu.memory_space<vmem>>
            %dma_wait3A_183 = tpu.memref_squeeze %dma_wait3A_182 : memref<1x4x64x64xf32, #tpu.memory_space<vmem>> -> memref<4x64x64xf32, #tpu.memory_space<vmem>>
            tpu.wait_dma2 semaphore(%run_scoped3A_153 : memref<!tpu.dma_semaphore, #tpu.memory_space<semaphore_mem>>) src(%dma_wait3A_183 : memref<4x64x64xf32, #tpu.memory_space<vmem>>) dst(%dma_wait3A_178 : memref<4x64x64xf32, #tpu.memory_space<hbm>>)
            tpu.yield
          }) : () -> ()
        } else {
        }
        %run_scoped3A_81 = arith.constant 0 : i32
        %run_scoped3A_82 = arith.constant 0 : i32
        "tpu.region"() ({
          %run_scoped3A_151 = tpu.sem_alloc : memref<!tpu.dma_semaphore, #tpu.memory_space<semaphore_mem>>
          %dma_start3A = arith.constant 0 : i32
          %dma_start3A_152 = arith.constant 0 : i32
          %dma_start3A_153 = arith.constant 0 : i32
          %dma_start3A_154 = tpu.memref_slice %arg7[%run_scoped3A_81, %dma_start3A, %dma_start3A_152, %dma_start3A_153] : memref<2x4x64x65xf32, #tpu.memory_space<vmem>> -> memref<1x4x64x64xf32, #tpu.memory_space<vmem>>
          %dma_start3A_155 = tpu.memref_squeeze %dma_start3A_154 : memref<1x4x64x64xf32, #tpu.memory_space<vmem>> -> memref<4x64x64xf32, #tpu.memory_space<vmem>>
          %dma_start3A_156 = arith.constant 0 : i32
          %dma_start3A_157 = tpu.memref_slice %arg4[%run_scoped3A_82, %and3A_15, %dma_start3A_156, %mul3A_60, %mul3A_62] : memref<4x4x4x512x512xf32, #tpu.memory_space<hbm>> -> memref<1x1x4x64x64xf32, #tpu.memory_space<hbm>>
          %dma_start3A_158 = tpu.memref_squeeze %dma_start3A_157 : memref<1x1x4x64x64xf32, #tpu.memory_space<hbm>> -> memref<4x64x64xf32, #tpu.memory_space<hbm>>
          %dma_start3A_159 = arith.constant 0 : i32
          %dma_start3A_160 = tpu.memref_slice %arg4[%run_scoped3A_82, %and3A_15, %dma_start3A_159, %mul3A_60, %mul3A_62] : memref<4x4x4x512x512xf32, #tpu.memory_space<hbm>> -> memref<1x1x4x64x64xf32, #tpu.memory_space<hbm>>
          %dma_start3A_161 = tpu.memref_squeeze %dma_start3A_160 : memref<1x1x4x64x64xf32, #tpu.memory_space<hbm>> -> memref<4x64x64xf32, #tpu.memory_space<hbm>>
          %dma_start3A_162 = arith.constant 0 : i32
          %dma_start3A_163 = arith.constant 0 : i32
          %dma_start3A_164 = arith.constant 0 : i32
          %dma_start3A_165 = tpu.memref_slice %arg7[%run_scoped3A_81, %dma_start3A_162, %dma_start3A_163, %dma_start3A_164] : memref<2x4x64x65xf32, #tpu.memory_space<vmem>> -> memref<1x4x64x64xf32, #tpu.memory_space<vmem>>
          %dma_start3A_166 = tpu.memref_squeeze %dma_start3A_165 : memref<1x4x64x64xf32, #tpu.memory_space<vmem>> -> memref<4x64x64xf32, #tpu.memory_space<vmem>>
          tpu.enqueue_dma source(%dma_start3A_166 : memref<4x64x64xf32, #tpu.memory_space<vmem>>) target(%dma_start3A_161 : memref<4x64x64xf32, #tpu.memory_space<hbm>>) target_semaphore(%run_scoped3A_151 : memref<!tpu.dma_semaphore, #tpu.memory_space<semaphore_mem>>)
          %dma_wait3A = arith.constant 0 : i32
          %dma_wait3A_167 = arith.constant 0 : i32
          %dma_wait3A_168 = arith.constant 0 : i32
          %dma_wait3A_169 = tpu.memref_slice %arg7[%run_scoped3A_81, %dma_wait3A, %dma_wait3A_167, %dma_wait3A_168] : memref<2x4x64x65xf32, #tpu.memory_space<vmem>> -> memref<1x4x64x64xf32, #tpu.memory_space<vmem>>
          %dma_wait3A_170 = tpu.memref_squeeze %dma_wait3A_169 : memref<1x4x64x64xf32, #tpu.memory_space<vmem>> -> memref<4x64x64xf32, #tpu.memory_space<vmem>>
          %dma_wait3A_171 = arith.constant 0 : i32
          %dma_wait3A_172 = tpu.memref_slice %arg4[%run_scoped3A_82, %and3A_15, %dma_wait3A_171, %mul3A_60, %mul3A_62] : memref<4x4x4x512x512xf32, #tpu.memory_space<hbm>> -> memref<1x1x4x64x64xf32, #tpu.memory_space<hbm>>
          %dma_wait3A_173 = tpu.memref_squeeze %dma_wait3A_172 : memref<1x1x4x64x64xf32, #tpu.memory_space<hbm>> -> memref<4x64x64xf32, #tpu.memory_space<hbm>>
          %dma_wait3A_174 = arith.constant 0 : i32
          %dma_wait3A_175 = tpu.memref_slice %arg4[%run_scoped3A_82, %and3A_15, %dma_wait3A_174, %mul3A_60, %mul3A_62] : memref<4x4x4x512x512xf32, #tpu.memory_space<hbm>> -> memref<1x1x4x64x64xf32, #tpu.memory_space<hbm>>
          %dma_wait3A_176 = tpu.memref_squeeze %dma_wait3A_175 : memref<1x1x4x64x64xf32, #tpu.memory_space<hbm>> -> memref<4x64x64xf32, #tpu.memory_space<hbm>>
          %dma_wait3A_177 = arith.constant 0 : i32
          %dma_wait3A_178 = arith.constant 0 : i32
          %dma_wait3A_179 = arith.constant 0 : i32
          %dma_wait3A_180 = tpu.memref_slice %arg7[%run_scoped3A_81, %dma_wait3A_177, %dma_wait3A_178, %dma_wait3A_179] : memref<2x4x64x65xf32, #tpu.memory_space<vmem>> -> memref<1x4x64x64xf32, #tpu.memory_space<vmem>>
          %dma_wait3A_181 = tpu.memref_squeeze %dma_wait3A_180 : memref<1x4x64x64xf32, #tpu.memory_space<vmem>> -> memref<4x64x64xf32, #tpu.memory_space<vmem>>
          tpu.wait_dma2 semaphore(%run_scoped3A_151 : memref<!tpu.dma_semaphore, #tpu.memory_space<semaphore_mem>>) src(%dma_wait3A_181 : memref<4x64x64xf32, #tpu.memory_space<vmem>>) dst(%dma_wait3A_176 : memref<4x64x64xf32, #tpu.memory_space<hbm>>)
          tpu.yield
        }) : () -> ()
        %not3A_83 = arith.constant true
        %not3A_84 = arith.xori %eq3A, %not3A_83 : i1
        %convert_element_type3A_85 = arith.extui %not3A_84 : i1 to i32
        %cond3A_86 = arith.constant 0 : i32
        %cond3A_87 = arith.cmpi ne, %convert_element_type3A_85, %cond3A_86 : i32
        scf.if %cond3A_87 {
          %run_scoped3A_151 = arith.constant 1 : i32
          %run_scoped3A_152 = arith.constant 0 : i32
          "tpu.region"() ({
            %run_scoped3A_153 = tpu.sem_alloc : memref<!tpu.dma_semaphore, #tpu.memory_space<semaphore_mem>>
            %dma_start3A = arith.constant 0 : i32
            %dma_start3A_154 = arith.constant 0 : i32
            %dma_start3A_155 = arith.constant 0 : i32
            %dma_start3A_156 = tpu.memref_slice %arg7[%run_scoped3A_151, %dma_start3A, %dma_start3A_154, %dma_start3A_155] : memref<2x4x64x65xf32, #tpu.memory_space<vmem>> -> memref<1x4x64x64xf32, #tpu.memory_space<vmem>>
            %dma_start3A_157 = tpu.memref_squeeze %dma_start3A_156 : memref<1x4x64x64xf32, #tpu.memory_space<vmem>> -> memref<4x64x64xf32, #tpu.memory_space<vmem>>
            %dma_start3A_158 = arith.constant 0 : i32
            %dma_start3A_159 = tpu.memref_slice %arg4[%run_scoped3A_152, %and3A_15, %dma_start3A_158, %mul3A_62, %mul3A_60] : memref<4x4x4x512x512xf32, #tpu.memory_space<hbm>> -> memref<1x1x4x64x64xf32, #tpu.memory_space<hbm>>
            %dma_start3A_160 = tpu.memref_squeeze %dma_start3A_159 : memref<1x1x4x64x64xf32, #tpu.memory_space<hbm>> -> memref<4x64x64xf32, #tpu.memory_space<hbm>>
            %dma_start3A_161 = arith.constant 0 : i32
            %dma_start3A_162 = tpu.memref_slice %arg4[%run_scoped3A_152, %and3A_15, %dma_start3A_161, %mul3A_62, %mul3A_60] : memref<4x4x4x512x512xf32, #tpu.memory_space<hbm>> -> memref<1x1x4x64x64xf32, #tpu.memory_space<hbm>>
            %dma_start3A_163 = tpu.memref_squeeze %dma_start3A_162 : memref<1x1x4x64x64xf32, #tpu.memory_space<hbm>> -> memref<4x64x64xf32, #tpu.memory_space<hbm>>
            %dma_start3A_164 = arith.constant 0 : i32
            %dma_start3A_165 = arith.constant 0 : i32
            %dma_start3A_166 = arith.constant 0 : i32
            %dma_start3A_167 = tpu.memref_slice %arg7[%run_scoped3A_151, %dma_start3A_164, %dma_start3A_165, %dma_start3A_166] : memref<2x4x64x65xf32, #tpu.memory_space<vmem>> -> memref<1x4x64x64xf32, #tpu.memory_space<vmem>>
            %dma_start3A_168 = tpu.memref_squeeze %dma_start3A_167 : memref<1x4x64x64xf32, #tpu.memory_space<vmem>> -> memref<4x64x64xf32, #tpu.memory_space<vmem>>
            tpu.enqueue_dma source(%dma_start3A_168 : memref<4x64x64xf32, #tpu.memory_space<vmem>>) target(%dma_start3A_163 : memref<4x64x64xf32, #tpu.memory_space<hbm>>) target_semaphore(%run_scoped3A_153 : memref<!tpu.dma_semaphore, #tpu.memory_space<semaphore_mem>>)
            %dma_wait3A = arith.constant 0 : i32
            %dma_wait3A_169 = arith.constant 0 : i32
            %dma_wait3A_170 = arith.constant 0 : i32
            %dma_wait3A_171 = tpu.memref_slice %arg7[%run_scoped3A_151, %dma_wait3A, %dma_wait3A_169, %dma_wait3A_170] : memref<2x4x64x65xf32, #tpu.memory_space<vmem>> -> memref<1x4x64x64xf32, #tpu.memory_space<vmem>>
            %dma_wait3A_172 = tpu.memref_squeeze %dma_wait3A_171 : memref<1x4x64x64xf32, #tpu.memory_space<vmem>> -> memref<4x64x64xf32, #tpu.memory_space<vmem>>
            %dma_wait3A_173 = arith.constant 0 : i32
            %dma_wait3A_174 = tpu.memref_slice %arg4[%run_scoped3A_152, %and3A_15, %dma_wait3A_173, %mul3A_62, %mul3A_60] : memref<4x4x4x512x512xf32, #tpu.memory_space<hbm>> -> memref<1x1x4x64x64xf32, #tpu.memory_space<hbm>>
            %dma_wait3A_175 = tpu.memref_squeeze %dma_wait3A_174 : memref<1x1x4x64x64xf32, #tpu.memory_space<hbm>> -> memref<4x64x64xf32, #tpu.memory_space<hbm>>
            %dma_wait3A_176 = arith.constant 0 : i32
            %dma_wait3A_177 = tpu.memref_slice %arg4[%run_scoped3A_152, %and3A_15, %dma_wait3A_176, %mul3A_62, %mul3A_60] : memref<4x4x4x512x512xf32, #tpu.memory_space<hbm>> -> memref<1x1x4x64x64xf32, #tpu.memory_space<hbm>>
            %dma_wait3A_178 = tpu.memref_squeeze %dma_wait3A_177 : memref<1x1x4x64x64xf32, #tpu.memory_space<hbm>> -> memref<4x64x64xf32, #tpu.memory_space<hbm>>
            %dma_wait3A_179 = arith.constant 0 : i32
            %dma_wait3A_180 = arith.constant 0 : i32
            %dma_wait3A_181 = arith.constant 0 : i32
            %dma_wait3A_182 = tpu.memref_slice %arg7[%run_scoped3A_151, %dma_wait3A_179, %dma_wait3A_180, %dma_wait3A_181] : memref<2x4x64x65xf32, #tpu.memory_space<vmem>> -> memref<1x4x64x64xf32, #tpu.memory_space<vmem>>
            %dma_wait3A_183 = tpu.memref_squeeze %dma_wait3A_182 : memref<1x4x64x64xf32, #tpu.memory_space<vmem>> -> memref<4x64x64xf32, #tpu.memory_space<vmem>>
            tpu.wait_dma2 semaphore(%run_scoped3A_153 : memref<!tpu.dma_semaphore, #tpu.memory_space<semaphore_mem>>) src(%dma_wait3A_183 : memref<4x64x64xf32, #tpu.memory_space<vmem>>) dst(%dma_wait3A_178 : memref<4x64x64xf32, #tpu.memory_space<hbm>>)
            tpu.yield
          }) : () -> ()
        } else {
        }
        %run_scoped3A_88 = arith.constant 1 : i32
        %run_scoped3A_89 = arith.constant 0 : i32
        "tpu.region"() ({
          %run_scoped3A_151 = tpu.sem_alloc : memref<!tpu.dma_semaphore, #tpu.memory_space<semaphore_mem>>
          %dma_start3A = arith.constant 0 : i32
          %dma_start3A_152 = arith.constant 0 : i32
          %dma_start3A_153 = arith.constant 0 : i32
          %dma_start3A_154 = tpu.memref_slice %arg6[%run_scoped3A_89, %dma_start3A, %dma_start3A_152, %dma_start3A_153] : memref<2x4x64x64xf32, #tpu.memory_space<vmem>> -> memref<1x4x64x64xf32, #tpu.memory_space<vmem>>
          %dma_start3A_155 = tpu.memref_squeeze %dma_start3A_154 : memref<1x4x64x64xf32, #tpu.memory_space<vmem>> -> memref<4x64x64xf32, #tpu.memory_space<vmem>>
          %dma_start3A_156 = arith.constant 0 : i32
          %dma_start3A_157 = tpu.memref_slice %arg2[%run_scoped3A_88, %and3A_15, %dma_start3A_156, %mul3A_60, %mul3A_62] : memref<4x4x4x512x512xf32, #tpu.memory_space<hbm>> -> memref<1x1x4x64x64xf32, #tpu.memory_space<hbm>>
          %dma_start3A_158 = tpu.memref_squeeze %dma_start3A_157 : memref<1x1x4x64x64xf32, #tpu.memory_space<hbm>> -> memref<4x64x64xf32, #tpu.memory_space<hbm>>
          %dma_start3A_159 = arith.constant 0 : i32
          %dma_start3A_160 = arith.constant 0 : i32
          %dma_start3A_161 = arith.constant 0 : i32
          %dma_start3A_162 = tpu.memref_slice %arg6[%run_scoped3A_89, %dma_start3A_159, %dma_start3A_160, %dma_start3A_161] : memref<2x4x64x64xf32, #tpu.memory_space<vmem>> -> memref<1x4x64x64xf32, #tpu.memory_space<vmem>>
          %dma_start3A_163 = tpu.memref_squeeze %dma_start3A_162 : memref<1x4x64x64xf32, #tpu.memory_space<vmem>> -> memref<4x64x64xf32, #tpu.memory_space<vmem>>
          %dma_start3A_164 = arith.constant 0 : i32
          %dma_start3A_165 = tpu.memref_slice %arg2[%run_scoped3A_88, %and3A_15, %dma_start3A_164, %mul3A_60, %mul3A_62] : memref<4x4x4x512x512xf32, #tpu.memory_space<hbm>> -> memref<1x1x4x64x64xf32, #tpu.memory_space<hbm>>
          %dma_start3A_166 = tpu.memref_squeeze %dma_start3A_165 : memref<1x1x4x64x64xf32, #tpu.memory_space<hbm>> -> memref<4x64x64xf32, #tpu.memory_space<hbm>>
          tpu.enqueue_dma source(%dma_start3A_166 : memref<4x64x64xf32, #tpu.memory_space<hbm>>) target(%dma_start3A_163 : memref<4x64x64xf32, #tpu.memory_space<vmem>>) target_semaphore(%run_scoped3A_151 : memref<!tpu.dma_semaphore, #tpu.memory_space<semaphore_mem>>)
          %dma_wait3A = arith.constant 0 : i32
          %dma_wait3A_167 = arith.constant 0 : i32
          %dma_wait3A_168 = arith.constant 0 : i32
          %dma_wait3A_169 = tpu.memref_slice %arg6[%run_scoped3A_89, %dma_wait3A, %dma_wait3A_167, %dma_wait3A_168] : memref<2x4x64x64xf32, #tpu.memory_space<vmem>> -> memref<1x4x64x64xf32, #tpu.memory_space<vmem>>
          %dma_wait3A_170 = tpu.memref_squeeze %dma_wait3A_169 : memref<1x4x64x64xf32, #tpu.memory_space<vmem>> -> memref<4x64x64xf32, #tpu.memory_space<vmem>>
          %dma_wait3A_171 = arith.constant 0 : i32
          %dma_wait3A_172 = tpu.memref_slice %arg2[%run_scoped3A_88, %and3A_15, %dma_wait3A_171, %mul3A_60, %mul3A_62] : memref<4x4x4x512x512xf32, #tpu.memory_space<hbm>> -> memref<1x1x4x64x64xf32, #tpu.memory_space<hbm>>
          %dma_wait3A_173 = tpu.memref_squeeze %dma_wait3A_172 : memref<1x1x4x64x64xf32, #tpu.memory_space<hbm>> -> memref<4x64x64xf32, #tpu.memory_space<hbm>>
          %dma_wait3A_174 = arith.constant 0 : i32
          %dma_wait3A_175 = arith.constant 0 : i32
          %dma_wait3A_176 = arith.constant 0 : i32
          %dma_wait3A_177 = tpu.memref_slice %arg6[%run_scoped3A_89, %dma_wait3A_174, %dma_wait3A_175, %dma_wait3A_176] : memref<2x4x64x64xf32, #tpu.memory_space<vmem>> -> memref<1x4x64x64xf32, #tpu.memory_space<vmem>>
          %dma_wait3A_178 = tpu.memref_squeeze %dma_wait3A_177 : memref<1x4x64x64xf32, #tpu.memory_space<vmem>> -> memref<4x64x64xf32, #tpu.memory_space<vmem>>
          %dma_wait3A_179 = arith.constant 0 : i32
          %dma_wait3A_180 = tpu.memref_slice %arg2[%run_scoped3A_88, %and3A_15, %dma_wait3A_179, %mul3A_60, %mul3A_62] : memref<4x4x4x512x512xf32, #tpu.memory_space<hbm>> -> memref<1x1x4x64x64xf32, #tpu.memory_space<hbm>>
          %dma_wait3A_181 = tpu.memref_squeeze %dma_wait3A_180 : memref<1x1x4x64x64xf32, #tpu.memory_space<hbm>> -> memref<4x64x64xf32, #tpu.memory_space<hbm>>
          tpu.wait_dma2 semaphore(%run_scoped3A_151 : memref<!tpu.dma_semaphore, #tpu.memory_space<semaphore_mem>>) src(%dma_wait3A_181 : memref<4x64x64xf32, #tpu.memory_space<hbm>>) dst(%dma_wait3A_178 : memref<4x64x64xf32, #tpu.memory_space<vmem>>)
          tpu.yield
        }) : () -> ()
        %not3A_90 = arith.constant true
        %not3A_91 = arith.xori %eq3A, %not3A_90 : i1
        %convert_element_type3A_92 = arith.extui %not3A_91 : i1 to i32
        %cond3A_93 = arith.constant 0 : i32
        %cond3A_94 = arith.cmpi ne, %convert_element_type3A_92, %cond3A_93 : i32
        scf.if %cond3A_94 {
          %run_scoped3A_151 = arith.constant 1 : i32
          %run_scoped3A_152 = arith.constant 1 : i32
          "tpu.region"() ({
            %run_scoped3A_153 = tpu.sem_alloc : memref<!tpu.dma_semaphore, #tpu.memory_space<semaphore_mem>>
            %dma_start3A = arith.constant 0 : i32
            %dma_start3A_154 = arith.constant 0 : i32
            %dma_start3A_155 = arith.constant 0 : i32
            %dma_start3A_156 = tpu.memref_slice %arg6[%run_scoped3A_152, %dma_start3A, %dma_start3A_154, %dma_start3A_155] : memref<2x4x64x64xf32, #tpu.memory_space<vmem>> -> memref<1x4x64x64xf32, #tpu.memory_space<vmem>>
            %dma_start3A_157 = tpu.memref_squeeze %dma_start3A_156 : memref<1x4x64x64xf32, #tpu.memory_space<vmem>> -> memref<4x64x64xf32, #tpu.memory_space<vmem>>
            %dma_start3A_158 = arith.constant 0 : i32
            %dma_start3A_159 = tpu.memref_slice %arg2[%run_scoped3A_151, %and3A_15, %dma_start3A_158, %mul3A_62, %mul3A_60] : memref<4x4x4x512x512xf32, #tpu.memory_space<hbm>> -> memref<1x1x4x64x64xf32, #tpu.memory_space<hbm>>
            %dma_start3A_160 = tpu.memref_squeeze %dma_start3A_159 : memref<1x1x4x64x64xf32, #tpu.memory_space<hbm>> -> memref<4x64x64xf32, #tpu.memory_space<hbm>>
            %dma_start3A_161 = arith.constant 0 : i32
            %dma_start3A_162 = arith.constant 0 : i32
            %dma_start3A_163 = arith.constant 0 : i32
            %dma_start3A_164 = tpu.memref_slice %arg6[%run_scoped3A_152, %dma_start3A_161, %dma_start3A_162, %dma_start3A_163] : memref<2x4x64x64xf32, #tpu.memory_space<vmem>> -> memref<1x4x64x64xf32, #tpu.memory_space<vmem>>
            %dma_start3A_165 = tpu.memref_squeeze %dma_start3A_164 : memref<1x4x64x64xf32, #tpu.memory_space<vmem>> -> memref<4x64x64xf32, #tpu.memory_space<vmem>>
            %dma_start3A_166 = arith.constant 0 : i32
            %dma_start3A_167 = tpu.memref_slice %arg2[%run_scoped3A_151, %and3A_15, %dma_start3A_166, %mul3A_62, %mul3A_60] : memref<4x4x4x512x512xf32, #tpu.memory_space<hbm>> -> memref<1x1x4x64x64xf32, #tpu.memory_space<hbm>>
            %dma_start3A_168 = tpu.memref_squeeze %dma_start3A_167 : memref<1x1x4x64x64xf32, #tpu.memory_space<hbm>> -> memref<4x64x64xf32, #tpu.memory_space<hbm>>
            tpu.enqueue_dma source(%dma_start3A_168 : memref<4x64x64xf32, #tpu.memory_space<hbm>>) target(%dma_start3A_165 : memref<4x64x64xf32, #tpu.memory_space<vmem>>) target_semaphore(%run_scoped3A_153 : memref<!tpu.dma_semaphore, #tpu.memory_space<semaphore_mem>>)
            %dma_wait3A = arith.constant 0 : i32
            %dma_wait3A_169 = arith.constant 0 : i32
            %dma_wait3A_170 = arith.constant 0 : i32
            %dma_wait3A_171 = tpu.memref_slice %arg6[%run_scoped3A_152, %dma_wait3A, %dma_wait3A_169, %dma_wait3A_170] : memref<2x4x64x64xf32, #tpu.memory_space<vmem>> -> memref<1x4x64x64xf32, #tpu.memory_space<vmem>>
            %dma_wait3A_172 = tpu.memref_squeeze %dma_wait3A_171 : memref<1x4x64x64xf32, #tpu.memory_space<vmem>> -> memref<4x64x64xf32, #tpu.memory_space<vmem>>
            %dma_wait3A_173 = arith.constant 0 : i32
            %dma_wait3A_174 = tpu.memref_slice %arg2[%run_scoped3A_151, %and3A_15, %dma_wait3A_173, %mul3A_62, %mul3A_60] : memref<4x4x4x512x512xf32, #tpu.memory_space<hbm>> -> memref<1x1x4x64x64xf32, #tpu.memory_space<hbm>>
            %dma_wait3A_175 = tpu.memref_squeeze %dma_wait3A_174 : memref<1x1x4x64x64xf32, #tpu.memory_space<hbm>> -> memref<4x64x64xf32, #tpu.memory_space<hbm>>
            %dma_wait3A_176 = arith.constant 0 : i32
            %dma_wait3A_177 = arith.constant 0 : i32
            %dma_wait3A_178 = arith.constant 0 : i32
            %dma_wait3A_179 = tpu.memref_slice %arg6[%run_scoped3A_152, %dma_wait3A_176, %dma_wait3A_177, %dma_wait3A_178] : memref<2x4x64x64xf32, #tpu.memory_space<vmem>> -> memref<1x4x64x64xf32, #tpu.memory_space<vmem>>
            %dma_wait3A_180 = tpu.memref_squeeze %dma_wait3A_179 : memref<1x4x64x64xf32, #tpu.memory_space<vmem>> -> memref<4x64x64xf32, #tpu.memory_space<vmem>>
            %dma_wait3A_181 = arith.constant 0 : i32
            %dma_wait3A_182 = tpu.memref_slice %arg2[%run_scoped3A_151, %and3A_15, %dma_wait3A_181, %mul3A_62, %mul3A_60] : memref<4x4x4x512x512xf32, #tpu.memory_space<hbm>> -> memref<1x1x4x64x64xf32, #tpu.memory_space<hbm>>
            %dma_wait3A_183 = tpu.memref_squeeze %dma_wait3A_182 : memref<1x1x4x64x64xf32, #tpu.memory_space<hbm>> -> memref<4x64x64xf32, #tpu.memory_space<hbm>>
            tpu.wait_dma2 semaphore(%run_scoped3A_153 : memref<!tpu.dma_semaphore, #tpu.memory_space<semaphore_mem>>) src(%dma_wait3A_183 : memref<4x64x64xf32, #tpu.memory_space<hbm>>) dst(%dma_wait3A_180 : memref<4x64x64xf32, #tpu.memory_space<vmem>>)
            tpu.yield
          }) : () -> ()
        } else {
        }
        %run_scoped3A_95 = arith.constant 0 : i32
        %run_scoped3A_96 = arith.constant 1 : i32
        "tpu.region"() ({
          %run_scoped3A_151 = tpu.sem_alloc : memref<!tpu.dma_semaphore, #tpu.memory_space<semaphore_mem>>
          %dma_start3A = arith.constant 0 : i32
          %dma_start3A_152 = arith.constant 0 : i32
          %dma_start3A_153 = arith.constant 0 : i32
          %dma_start3A_154 = tpu.memref_slice %arg8[%run_scoped3A_95, %dma_start3A, %dma_start3A_152, %dma_start3A_153] : memref<2x4x64x64xf32, #tpu.memory_space<vmem>> -> memref<1x4x64x64xf32, #tpu.memory_space<vmem>>
          %dma_start3A_155 = tpu.memref_squeeze %dma_start3A_154 : memref<1x4x64x64xf32, #tpu.memory_space<vmem>> -> memref<4x64x64xf32, #tpu.memory_space<vmem>>
          %dma_start3A_156 = arith.constant 0 : i32
          %dma_start3A_157 = tpu.memref_slice %arg5[%run_scoped3A_96, %and3A_15, %dma_start3A_156, %mul3A_60, %mul3A_62] : memref<4x4x4x512x512xf32, #tpu.memory_space<hbm>> -> memref<1x1x4x64x64xf32, #tpu.memory_space<hbm>>
          %dma_start3A_158 = tpu.memref_squeeze %dma_start3A_157 : memref<1x1x4x64x64xf32, #tpu.memory_space<hbm>> -> memref<4x64x64xf32, #tpu.memory_space<hbm>>
          %dma_start3A_159 = arith.constant 0 : i32
          %dma_start3A_160 = tpu.memref_slice %arg5[%run_scoped3A_96, %and3A_15, %dma_start3A_159, %mul3A_60, %mul3A_62] : memref<4x4x4x512x512xf32, #tpu.memory_space<hbm>> -> memref<1x1x4x64x64xf32, #tpu.memory_space<hbm>>
          %dma_start3A_161 = tpu.memref_squeeze %dma_start3A_160 : memref<1x1x4x64x64xf32, #tpu.memory_space<hbm>> -> memref<4x64x64xf32, #tpu.memory_space<hbm>>
          %dma_start3A_162 = arith.constant 0 : i32
          %dma_start3A_163 = arith.constant 0 : i32
          %dma_start3A_164 = arith.constant 0 : i32
          %dma_start3A_165 = tpu.memref_slice %arg8[%run_scoped3A_95, %dma_start3A_162, %dma_start3A_163, %dma_start3A_164] : memref<2x4x64x64xf32, #tpu.memory_space<vmem>> -> memref<1x4x64x64xf32, #tpu.memory_space<vmem>>
          %dma_start3A_166 = tpu.memref_squeeze %dma_start3A_165 : memref<1x4x64x64xf32, #tpu.memory_space<vmem>> -> memref<4x64x64xf32, #tpu.memory_space<vmem>>
          tpu.enqueue_dma source(%dma_start3A_166 : memref<4x64x64xf32, #tpu.memory_space<vmem>>) target(%dma_start3A_161 : memref<4x64x64xf32, #tpu.memory_space<hbm>>) target_semaphore(%run_scoped3A_151 : memref<!tpu.dma_semaphore, #tpu.memory_space<semaphore_mem>>)
          %dma_wait3A = arith.constant 0 : i32
          %dma_wait3A_167 = arith.constant 0 : i32
          %dma_wait3A_168 = arith.constant 0 : i32
          %dma_wait3A_169 = tpu.memref_slice %arg8[%run_scoped3A_95, %dma_wait3A, %dma_wait3A_167, %dma_wait3A_168] : memref<2x4x64x64xf32, #tpu.memory_space<vmem>> -> memref<1x4x64x64xf32, #tpu.memory_space<vmem>>
          %dma_wait3A_170 = tpu.memref_squeeze %dma_wait3A_169 : memref<1x4x64x64xf32, #tpu.memory_space<vmem>> -> memref<4x64x64xf32, #tpu.memory_space<vmem>>
          %dma_wait3A_171 = arith.constant 0 : i32
          %dma_wait3A_172 = tpu.memref_slice %arg5[%run_scoped3A_96, %and3A_15, %dma_wait3A_171, %mul3A_60, %mul3A_62] : memref<4x4x4x512x512xf32, #tpu.memory_space<hbm>> -> memref<1x1x4x64x64xf32, #tpu.memory_space<hbm>>
          %dma_wait3A_173 = tpu.memref_squeeze %dma_wait3A_172 : memref<1x1x4x64x64xf32, #tpu.memory_space<hbm>> -> memref<4x64x64xf32, #tpu.memory_space<hbm>>
          %dma_wait3A_174 = arith.constant 0 : i32
          %dma_wait3A_175 = tpu.memref_slice %arg5[%run_scoped3A_96, %and3A_15, %dma_wait3A_174, %mul3A_60, %mul3A_62] : memref<4x4x4x512x512xf32, #tpu.memory_space<hbm>> -> memref<1x1x4x64x64xf32, #tpu.memory_space<hbm>>
          %dma_wait3A_176 = tpu.memref_squeeze %dma_wait3A_175 : memref<1x1x4x64x64xf32, #tpu.memory_space<hbm>> -> memref<4x64x64xf32, #tpu.memory_space<hbm>>
          %dma_wait3A_177 = arith.constant 0 : i32
          %dma_wait3A_178 = arith.constant 0 : i32
          %dma_wait3A_179 = arith.constant 0 : i32
          %dma_wait3A_180 = tpu.memref_slice %arg8[%run_scoped3A_95, %dma_wait3A_177, %dma_wait3A_178, %dma_wait3A_179] : memref<2x4x64x64xf32, #tpu.memory_space<vmem>> -> memref<1x4x64x64xf32, #tpu.memory_space<vmem>>
          %dma_wait3A_181 = tpu.memref_squeeze %dma_wait3A_180 : memref<1x4x64x64xf32, #tpu.memory_space<vmem>> -> memref<4x64x64xf32, #tpu.memory_space<vmem>>
          tpu.wait_dma2 semaphore(%run_scoped3A_151 : memref<!tpu.dma_semaphore, #tpu.memory_space<semaphore_mem>>) src(%dma_wait3A_181 : memref<4x64x64xf32, #tpu.memory_space<vmem>>) dst(%dma_wait3A_176 : memref<4x64x64xf32, #tpu.memory_space<hbm>>)
          tpu.yield
        }) : () -> ()
        %not3A_97 = arith.constant true
        %not3A_98 = arith.xori %eq3A, %not3A_97 : i1
        %convert_element_type3A_99 = arith.extui %not3A_98 : i1 to i32
        %cond3A_100 = arith.constant 0 : i32
        %cond3A_101 = arith.cmpi ne, %convert_element_type3A_99, %cond3A_100 : i32
        scf.if %cond3A_101 {
          %run_scoped3A_151 = arith.constant 1 : i32
          %run_scoped3A_152 = arith.constant 1 : i32
          "tpu.region"() ({
            %run_scoped3A_153 = tpu.sem_alloc : memref<!tpu.dma_semaphore, #tpu.memory_space<semaphore_mem>>
            %dma_start3A = arith.constant 0 : i32
            %dma_start3A_154 = arith.constant 0 : i32
            %dma_start3A_155 = arith.constant 0 : i32
            %dma_start3A_156 = tpu.memref_slice %arg8[%run_scoped3A_151, %dma_start3A, %dma_start3A_154, %dma_start3A_155] : memref<2x4x64x64xf32, #tpu.memory_space<vmem>> -> memref<1x4x64x64xf32, #tpu.memory_space<vmem>>
            %dma_start3A_157 = tpu.memref_squeeze %dma_start3A_156 : memref<1x4x64x64xf32, #tpu.memory_space<vmem>> -> memref<4x64x64xf32, #tpu.memory_space<vmem>>
            %dma_start3A_158 = arith.constant 0 : i32
            %dma_start3A_159 = tpu.memref_slice %arg5[%run_scoped3A_152, %and3A_15, %dma_start3A_158, %mul3A_62, %mul3A_60] : memref<4x4x4x512x512xf32, #tpu.memory_space<hbm>> -> memref<1x1x4x64x64xf32, #tpu.memory_space<hbm>>
            %dma_start3A_160 = tpu.memref_squeeze %dma_start3A_159 : memref<1x1x4x64x64xf32, #tpu.memory_space<hbm>> -> memref<4x64x64xf32, #tpu.memory_space<hbm>>
            %dma_start3A_161 = arith.constant 0 : i32
            %dma_start3A_162 = tpu.memref_slice %arg5[%run_scoped3A_152, %and3A_15, %dma_start3A_161, %mul3A_62, %mul3A_60] : memref<4x4x4x512x512xf32, #tpu.memory_space<hbm>> -> memref<1x1x4x64x64xf32, #tpu.memory_space<hbm>>
            %dma_start3A_163 = tpu.memref_squeeze %dma_start3A_162 : memref<1x1x4x64x64xf32, #tpu.memory_space<hbm>> -> memref<4x64x64xf32, #tpu.memory_space<hbm>>
            %dma_start3A_164 = arith.constant 0 : i32
            %dma_start3A_165 = arith.constant 0 : i32
            %dma_start3A_166 = arith.constant 0 : i32
            %dma_start3A_167 = tpu.memref_slice %arg8[%run_scoped3A_151, %dma_start3A_164, %dma_start3A_165, %dma_start3A_166] : memref<2x4x64x64xf32, #tpu.memory_space<vmem>> -> memref<1x4x64x64xf32, #tpu.memory_space<vmem>>
            %dma_start3A_168 = tpu.memref_squeeze %dma_start3A_167 : memref<1x4x64x64xf32, #tpu.memory_space<vmem>> -> memref<4x64x64xf32, #tpu.memory_space<vmem>>
            tpu.enqueue_dma source(%dma_start3A_168 : memref<4x64x64xf32, #tpu.memory_space<vmem>>) target(%dma_start3A_163 : memref<4x64x64xf32, #tpu.memory_space<hbm>>) target_semaphore(%run_scoped3A_153 : memref<!tpu.dma_semaphore, #tpu.memory_space<semaphore_mem>>)
            %dma_wait3A = arith.constant 0 : i32
            %dma_wait3A_169 = arith.constant 0 : i32
            %dma_wait3A_170 = arith.constant 0 : i32
            %dma_wait3A_171 = tpu.memref_slice %arg8[%run_scoped3A_151, %dma_wait3A, %dma_wait3A_169, %dma_wait3A_170] : memref<2x4x64x64xf32, #tpu.memory_space<vmem>> -> memref<1x4x64x64xf32, #tpu.memory_space<vmem>>
            %dma_wait3A_172 = tpu.memref_squeeze %dma_wait3A_171 : memref<1x4x64x64xf32, #tpu.memory_space<vmem>> -> memref<4x64x64xf32, #tpu.memory_space<vmem>>
            %dma_wait3A_173 = arith.constant 0 : i32
            %dma_wait3A_174 = tpu.memref_slice %arg5[%run_scoped3A_152, %and3A_15, %dma_wait3A_173, %mul3A_62, %mul3A_60] : memref<4x4x4x512x512xf32, #tpu.memory_space<hbm>> -> memref<1x1x4x64x64xf32, #tpu.memory_space<hbm>>
            %dma_wait3A_175 = tpu.memref_squeeze %dma_wait3A_174 : memref<1x1x4x64x64xf32, #tpu.memory_space<hbm>> -> memref<4x64x64xf32, #tpu.memory_space<hbm>>
            %dma_wait3A_176 = arith.constant 0 : i32
            %dma_wait3A_177 = tpu.memref_slice %arg5[%run_scoped3A_152, %and3A_15, %dma_wait3A_176, %mul3A_62, %mul3A_60] : memref<4x4x4x512x512xf32, #tpu.memory_space<hbm>> -> memref<1x1x4x64x64xf32, #tpu.memory_space<hbm>>
            %dma_wait3A_178 = tpu.memref_squeeze %dma_wait3A_177 : memref<1x1x4x64x64xf32, #tpu.memory_space<hbm>> -> memref<4x64x64xf32, #tpu.memory_space<hbm>>
            %dma_wait3A_179 = arith.constant 0 : i32
            %dma_wait3A_180 = arith.constant 0 : i32
            %dma_wait3A_181 = arith.constant 0 : i32
            %dma_wait3A_182 = tpu.memref_slice %arg8[%run_scoped3A_151, %dma_wait3A_179, %dma_wait3A_180, %dma_wait3A_181] : memref<2x4x64x64xf32, #tpu.memory_space<vmem>> -> memref<1x4x64x64xf32, #tpu.memory_space<vmem>>
            %dma_wait3A_183 = tpu.memref_squeeze %dma_wait3A_182 : memref<1x4x64x64xf32, #tpu.memory_space<vmem>> -> memref<4x64x64xf32, #tpu.memory_space<vmem>>
            tpu.wait_dma2 semaphore(%run_scoped3A_153 : memref<!tpu.dma_semaphore, #tpu.memory_space<semaphore_mem>>) src(%dma_wait3A_183 : memref<4x64x64xf32, #tpu.memory_space<vmem>>) dst(%dma_wait3A_178 : memref<4x64x64xf32, #tpu.memory_space<hbm>>)
            tpu.yield
          }) : () -> ()
        } else {
        }
        %run_scoped3A_102 = arith.constant 0 : i32
        %run_scoped3A_103 = arith.constant 1 : i32
        "tpu.region"() ({
          %run_scoped3A_151 = tpu.sem_alloc : memref<!tpu.dma_semaphore, #tpu.memory_space<semaphore_mem>>
          %dma_start3A = arith.constant 0 : i32
          %dma_start3A_152 = arith.constant 0 : i32
          %dma_start3A_153 = arith.constant 0 : i32
          %dma_start3A_154 = tpu.memref_slice %arg7[%run_scoped3A_102, %dma_start3A, %dma_start3A_152, %dma_start3A_153] : memref<2x4x64x65xf32, #tpu.memory_space<vmem>> -> memref<1x4x64x64xf32, #tpu.memory_space<vmem>>
          %dma_start3A_155 = tpu.memref_squeeze %dma_start3A_154 : memref<1x4x64x64xf32, #tpu.memory_space<vmem>> -> memref<4x64x64xf32, #tpu.memory_space<vmem>>
          %dma_start3A_156 = arith.constant 0 : i32
          %dma_start3A_157 = tpu.memref_slice %arg4[%run_scoped3A_103, %and3A_15, %dma_start3A_156, %mul3A_60, %mul3A_62] : memref<4x4x4x512x512xf32, #tpu.memory_space<hbm>> -> memref<1x1x4x64x64xf32, #tpu.memory_space<hbm>>
          %dma_start3A_158 = tpu.memref_squeeze %dma_start3A_157 : memref<1x1x4x64x64xf32, #tpu.memory_space<hbm>> -> memref<4x64x64xf32, #tpu.memory_space<hbm>>
          %dma_start3A_159 = arith.constant 0 : i32
          %dma_start3A_160 = tpu.memref_slice %arg4[%run_scoped3A_103, %and3A_15, %dma_start3A_159, %mul3A_60, %mul3A_62] : memref<4x4x4x512x512xf32, #tpu.memory_space<hbm>> -> memref<1x1x4x64x64xf32, #tpu.memory_space<hbm>>
          %dma_start3A_161 = tpu.memref_squeeze %dma_start3A_160 : memref<1x1x4x64x64xf32, #tpu.memory_space<hbm>> -> memref<4x64x64xf32, #tpu.memory_space<hbm>>
          %dma_start3A_162 = arith.constant 0 : i32
          %dma_start3A_163 = arith.constant 0 : i32
          %dma_start3A_164 = arith.constant 0 : i32
          %dma_start3A_165 = tpu.memref_slice %arg7[%run_scoped3A_102, %dma_start3A_162, %dma_start3A_163, %dma_start3A_164] : memref<2x4x64x65xf32, #tpu.memory_space<vmem>> -> memref<1x4x64x64xf32, #tpu.memory_space<vmem>>
          %dma_start3A_166 = tpu.memref_squeeze %dma_start3A_165 : memref<1x4x64x64xf32, #tpu.memory_space<vmem>> -> memref<4x64x64xf32, #tpu.memory_space<vmem>>
          tpu.enqueue_dma source(%dma_start3A_166 : memref<4x64x64xf32, #tpu.memory_space<vmem>>) target(%dma_start3A_161 : memref<4x64x64xf32, #tpu.memory_space<hbm>>) target_semaphore(%run_scoped3A_151 : memref<!tpu.dma_semaphore, #tpu.memory_space<semaphore_mem>>)
          %dma_wait3A = arith.constant 0 : i32
          %dma_wait3A_167 = arith.constant 0 : i32
          %dma_wait3A_168 = arith.constant 0 : i32
          %dma_wait3A_169 = tpu.memref_slice %arg7[%run_scoped3A_102, %dma_wait3A, %dma_wait3A_167, %dma_wait3A_168] : memref<2x4x64x65xf32, #tpu.memory_space<vmem>> -> memref<1x4x64x64xf32, #tpu.memory_space<vmem>>
          %dma_wait3A_170 = tpu.memref_squeeze %dma_wait3A_169 : memref<1x4x64x64xf32, #tpu.memory_space<vmem>> -> memref<4x64x64xf32, #tpu.memory_space<vmem>>
          %dma_wait3A_171 = arith.constant 0 : i32
          %dma_wait3A_172 = tpu.memref_slice %arg4[%run_scoped3A_103, %and3A_15, %dma_wait3A_171, %mul3A_60, %mul3A_62] : memref<4x4x4x512x512xf32, #tpu.memory_space<hbm>> -> memref<1x1x4x64x64xf32, #tpu.memory_space<hbm>>
          %dma_wait3A_173 = tpu.memref_squeeze %dma_wait3A_172 : memref<1x1x4x64x64xf32, #tpu.memory_space<hbm>> -> memref<4x64x64xf32, #tpu.memory_space<hbm>>
          %dma_wait3A_174 = arith.constant 0 : i32
          %dma_wait3A_175 = tpu.memref_slice %arg4[%run_scoped3A_103, %and3A_15, %dma_wait3A_174, %mul3A_60, %mul3A_62] : memref<4x4x4x512x512xf32, #tpu.memory_space<hbm>> -> memref<1x1x4x64x64xf32, #tpu.memory_space<hbm>>
          %dma_wait3A_176 = tpu.memref_squeeze %dma_wait3A_175 : memref<1x1x4x64x64xf32, #tpu.memory_space<hbm>> -> memref<4x64x64xf32, #tpu.memory_space<hbm>>
          %dma_wait3A_177 = arith.constant 0 : i32
          %dma_wait3A_178 = arith.constant 0 : i32
          %dma_wait3A_179 = arith.constant 0 : i32
          %dma_wait3A_180 = tpu.memref_slice %arg7[%run_scoped3A_102, %dma_wait3A_177, %dma_wait3A_178, %dma_wait3A_179] : memref<2x4x64x65xf32, #tpu.memory_space<vmem>> -> memref<1x4x64x64xf32, #tpu.memory_space<vmem>>
          %dma_wait3A_181 = tpu.memref_squeeze %dma_wait3A_180 : memref<1x4x64x64xf32, #tpu.memory_space<vmem>> -> memref<4x64x64xf32, #tpu.memory_space<vmem>>
          tpu.wait_dma2 semaphore(%run_scoped3A_151 : memref<!tpu.dma_semaphore, #tpu.memory_space<semaphore_mem>>) src(%dma_wait3A_181 : memref<4x64x64xf32, #tpu.memory_space<vmem>>) dst(%dma_wait3A_176 : memref<4x64x64xf32, #tpu.memory_space<hbm>>)
          tpu.yield
        }) : () -> ()
        %not3A_104 = arith.constant true
        %not3A_105 = arith.xori %eq3A, %not3A_104 : i1
        %convert_element_type3A_106 = arith.extui %not3A_105 : i1 to i32
        %cond3A_107 = arith.constant 0 : i32
        %cond3A_108 = arith.cmpi ne, %convert_element_type3A_106, %cond3A_107 : i32
        scf.if %cond3A_108 {
          %run_scoped3A_151 = arith.constant 1 : i32
          %run_scoped3A_152 = arith.constant 1 : i32
          "tpu.region"() ({
            %run_scoped3A_153 = tpu.sem_alloc : memref<!tpu.dma_semaphore, #tpu.memory_space<semaphore_mem>>
            %dma_start3A = arith.constant 0 : i32
            %dma_start3A_154 = arith.constant 0 : i32
            %dma_start3A_155 = arith.constant 0 : i32
            %dma_start3A_156 = tpu.memref_slice %arg7[%run_scoped3A_151, %dma_start3A, %dma_start3A_154, %dma_start3A_155] : memref<2x4x64x65xf32, #tpu.memory_space<vmem>> -> memref<1x4x64x64xf32, #tpu.memory_space<vmem>>
            %dma_start3A_157 = tpu.memref_squeeze %dma_start3A_156 : memref<1x4x64x64xf32, #tpu.memory_space<vmem>> -> memref<4x64x64xf32, #tpu.memory_space<vmem>>
            %dma_start3A_158 = arith.constant 0 : i32
            %dma_start3A_159 = tpu.memref_slice %arg4[%run_scoped3A_152, %and3A_15, %dma_start3A_158, %mul3A_62, %mul3A_60] : memref<4x4x4x512x512xf32, #tpu.memory_space<hbm>> -> memref<1x1x4x64x64xf32, #tpu.memory_space<hbm>>
            %dma_start3A_160 = tpu.memref_squeeze %dma_start3A_159 : memref<1x1x4x64x64xf32, #tpu.memory_space<hbm>> -> memref<4x64x64xf32, #tpu.memory_space<hbm>>
            %dma_start3A_161 = arith.constant 0 : i32
            %dma_start3A_162 = tpu.memref_slice %arg4[%run_scoped3A_152, %and3A_15, %dma_start3A_161, %mul3A_62, %mul3A_60] : memref<4x4x4x512x512xf32, #tpu.memory_space<hbm>> -> memref<1x1x4x64x64xf32, #tpu.memory_space<hbm>>
            %dma_start3A_163 = tpu.memref_squeeze %dma_start3A_162 : memref<1x1x4x64x64xf32, #tpu.memory_space<hbm>> -> memref<4x64x64xf32, #tpu.memory_space<hbm>>
            %dma_start3A_164 = arith.constant 0 : i32
            %dma_start3A_165 = arith.constant 0 : i32
            %dma_start3A_166 = arith.constant 0 : i32
            %dma_start3A_167 = tpu.memref_slice %arg7[%run_scoped3A_151, %dma_start3A_164, %dma_start3A_165, %dma_start3A_166] : memref<2x4x64x65xf32, #tpu.memory_space<vmem>> -> memref<1x4x64x64xf32, #tpu.memory_space<vmem>>
            %dma_start3A_168 = tpu.memref_squeeze %dma_start3A_167 : memref<1x4x64x64xf32, #tpu.memory_space<vmem>> -> memref<4x64x64xf32, #tpu.memory_space<vmem>>
            tpu.enqueue_dma source(%dma_start3A_168 : memref<4x64x64xf32, #tpu.memory_space<vmem>>) target(%dma_start3A_163 : memref<4x64x64xf32, #tpu.memory_space<hbm>>) target_semaphore(%run_scoped3A_153 : memref<!tpu.dma_semaphore, #tpu.memory_space<semaphore_mem>>)
            %dma_wait3A = arith.constant 0 : i32
            %dma_wait3A_169 = arith.constant 0 : i32
            %dma_wait3A_170 = arith.constant 0 : i32
            %dma_wait3A_171 = tpu.memref_slice %arg7[%run_scoped3A_151, %dma_wait3A, %dma_wait3A_169, %dma_wait3A_170] : memref<2x4x64x65xf32, #tpu.memory_space<vmem>> -> memref<1x4x64x64xf32, #tpu.memory_space<vmem>>
            %dma_wait3A_172 = tpu.memref_squeeze %dma_wait3A_171 : memref<1x4x64x64xf32, #tpu.memory_space<vmem>> -> memref<4x64x64xf32, #tpu.memory_space<vmem>>
            %dma_wait3A_173 = arith.constant 0 : i32
            %dma_wait3A_174 = tpu.memref_slice %arg4[%run_scoped3A_152, %and3A_15, %dma_wait3A_173, %mul3A_62, %mul3A_60] : memref<4x4x4x512x512xf32, #tpu.memory_space<hbm>> -> memref<1x1x4x64x64xf32, #tpu.memory_space<hbm>>
            %dma_wait3A_175 = tpu.memref_squeeze %dma_wait3A_174 : memref<1x1x4x64x64xf32, #tpu.memory_space<hbm>> -> memref<4x64x64xf32, #tpu.memory_space<hbm>>
            %dma_wait3A_176 = arith.constant 0 : i32
            %dma_wait3A_177 = tpu.memref_slice %arg4[%run_scoped3A_152, %and3A_15, %dma_wait3A_176, %mul3A_62, %mul3A_60] : memref<4x4x4x512x512xf32, #tpu.memory_space<hbm>> -> memref<1x1x4x64x64xf32, #tpu.memory_space<hbm>>
            %dma_wait3A_178 = tpu.memref_squeeze %dma_wait3A_177 : memref<1x1x4x64x64xf32, #tpu.memory_space<hbm>> -> memref<4x64x64xf32, #tpu.memory_space<hbm>>
            %dma_wait3A_179 = arith.constant 0 : i32
            %dma_wait3A_180 = arith.constant 0 : i32
            %dma_wait3A_181 = arith.constant 0 : i32
            %dma_wait3A_182 = tpu.memref_slice %arg7[%run_scoped3A_151, %dma_wait3A_179, %dma_wait3A_180, %dma_wait3A_181] : memref<2x4x64x65xf32, #tpu.memory_space<vmem>> -> memref<1x4x64x64xf32, #tpu.memory_space<vmem>>
            %dma_wait3A_183 = tpu.memref_squeeze %dma_wait3A_182 : memref<1x4x64x64xf32, #tpu.memory_space<vmem>> -> memref<4x64x64xf32, #tpu.memory_space<vmem>>
            tpu.wait_dma2 semaphore(%run_scoped3A_153 : memref<!tpu.dma_semaphore, #tpu.memory_space<semaphore_mem>>) src(%dma_wait3A_183 : memref<4x64x64xf32, #tpu.memory_space<vmem>>) dst(%dma_wait3A_178 : memref<4x64x64xf32, #tpu.memory_space<hbm>>)
            tpu.yield
          }) : () -> ()
        } else {
        }
        %run_scoped3A_109 = arith.constant 2 : i32
        %run_scoped3A_110 = arith.constant 0 : i32
        "tpu.region"() ({
          %run_scoped3A_151 = tpu.sem_alloc : memref<!tpu.dma_semaphore, #tpu.memory_space<semaphore_mem>>
          %dma_start3A = arith.constant 0 : i32
          %dma_start3A_152 = arith.constant 0 : i32
          %dma_start3A_153 = arith.constant 0 : i32
          %dma_start3A_154 = tpu.memref_slice %arg6[%run_scoped3A_110, %dma_start3A, %dma_start3A_152, %dma_start3A_153] : memref<2x4x64x64xf32, #tpu.memory_space<vmem>> -> memref<1x4x64x64xf32, #tpu.memory_space<vmem>>
          %dma_start3A_155 = tpu.memref_squeeze %dma_start3A_154 : memref<1x4x64x64xf32, #tpu.memory_space<vmem>> -> memref<4x64x64xf32, #tpu.memory_space<vmem>>
          %dma_start3A_156 = arith.constant 0 : i32
          %dma_start3A_157 = tpu.memref_slice %arg2[%run_scoped3A_109, %and3A_15, %dma_start3A_156, %mul3A_60, %mul3A_62] : memref<4x4x4x512x512xf32, #tpu.memory_space<hbm>> -> memref<1x1x4x64x64xf32, #tpu.memory_space<hbm>>
          %dma_start3A_158 = tpu.memref_squeeze %dma_start3A_157 : memref<1x1x4x64x64xf32, #tpu.memory_space<hbm>> -> memref<4x64x64xf32, #tpu.memory_space<hbm>>
          %dma_start3A_159 = arith.constant 0 : i32
          %dma_start3A_160 = arith.constant 0 : i32
          %dma_start3A_161 = arith.constant 0 : i32
          %dma_start3A_162 = tpu.memref_slice %arg6[%run_scoped3A_110, %dma_start3A_159, %dma_start3A_160, %dma_start3A_161] : memref<2x4x64x64xf32, #tpu.memory_space<vmem>> -> memref<1x4x64x64xf32, #tpu.memory_space<vmem>>
          %dma_start3A_163 = tpu.memref_squeeze %dma_start3A_162 : memref<1x4x64x64xf32, #tpu.memory_space<vmem>> -> memref<4x64x64xf32, #tpu.memory_space<vmem>>
          %dma_start3A_164 = arith.constant 0 : i32
          %dma_start3A_165 = tpu.memref_slice %arg2[%run_scoped3A_109, %and3A_15, %dma_start3A_164, %mul3A_60, %mul3A_62] : memref<4x4x4x512x512xf32, #tpu.memory_space<hbm>> -> memref<1x1x4x64x64xf32, #tpu.memory_space<hbm>>
          %dma_start3A_166 = tpu.memref_squeeze %dma_start3A_165 : memref<1x1x4x64x64xf32, #tpu.memory_space<hbm>> -> memref<4x64x64xf32, #tpu.memory_space<hbm>>
          tpu.enqueue_dma source(%dma_start3A_166 : memref<4x64x64xf32, #tpu.memory_space<hbm>>) target(%dma_start3A_163 : memref<4x64x64xf32, #tpu.memory_space<vmem>>) target_semaphore(%run_scoped3A_151 : memref<!tpu.dma_semaphore, #tpu.memory_space<semaphore_mem>>)
          %dma_wait3A = arith.constant 0 : i32
          %dma_wait3A_167 = arith.constant 0 : i32
          %dma_wait3A_168 = arith.constant 0 : i32
          %dma_wait3A_169 = tpu.memref_slice %arg6[%run_scoped3A_110, %dma_wait3A, %dma_wait3A_167, %dma_wait3A_168] : memref<2x4x64x64xf32, #tpu.memory_space<vmem>> -> memref<1x4x64x64xf32, #tpu.memory_space<vmem>>
          %dma_wait3A_170 = tpu.memref_squeeze %dma_wait3A_169 : memref<1x4x64x64xf32, #tpu.memory_space<vmem>> -> memref<4x64x64xf32, #tpu.memory_space<vmem>>
          %dma_wait3A_171 = arith.constant 0 : i32
          %dma_wait3A_172 = tpu.memref_slice %arg2[%run_scoped3A_109, %and3A_15, %dma_wait3A_171, %mul3A_60, %mul3A_62] : memref<4x4x4x512x512xf32, #tpu.memory_space<hbm>> -> memref<1x1x4x64x64xf32, #tpu.memory_space<hbm>>
          %dma_wait3A_173 = tpu.memref_squeeze %dma_wait3A_172 : memref<1x1x4x64x64xf32, #tpu.memory_space<hbm>> -> memref<4x64x64xf32, #tpu.memory_space<hbm>>
          %dma_wait3A_174 = arith.constant 0 : i32
          %dma_wait3A_175 = arith.constant 0 : i32
          %dma_wait3A_176 = arith.constant 0 : i32
          %dma_wait3A_177 = tpu.memref_slice %arg6[%run_scoped3A_110, %dma_wait3A_174, %dma_wait3A_175, %dma_wait3A_176] : memref<2x4x64x64xf32, #tpu.memory_space<vmem>> -> memref<1x4x64x64xf32, #tpu.memory_space<vmem>>
          %dma_wait3A_178 = tpu.memref_squeeze %dma_wait3A_177 : memref<1x4x64x64xf32, #tpu.memory_space<vmem>> -> memref<4x64x64xf32, #tpu.memory_space<vmem>>
          %dma_wait3A_179 = arith.constant 0 : i32
          %dma_wait3A_180 = tpu.memref_slice %arg2[%run_scoped3A_109, %and3A_15, %dma_wait3A_179, %mul3A_60, %mul3A_62] : memref<4x4x4x512x512xf32, #tpu.memory_space<hbm>> -> memref<1x1x4x64x64xf32, #tpu.memory_space<hbm>>
          %dma_wait3A_181 = tpu.memref_squeeze %dma_wait3A_180 : memref<1x1x4x64x64xf32, #tpu.memory_space<hbm>> -> memref<4x64x64xf32, #tpu.memory_space<hbm>>
          tpu.wait_dma2 semaphore(%run_scoped3A_151 : memref<!tpu.dma_semaphore, #tpu.memory_space<semaphore_mem>>) src(%dma_wait3A_181 : memref<4x64x64xf32, #tpu.memory_space<hbm>>) dst(%dma_wait3A_178 : memref<4x64x64xf32, #tpu.memory_space<vmem>>)
          tpu.yield
        }) : () -> ()
        %not3A_111 = arith.constant true
        %not3A_112 = arith.xori %eq3A, %not3A_111 : i1
        %convert_element_type3A_113 = arith.extui %not3A_112 : i1 to i32
        %cond3A_114 = arith.constant 0 : i32
        %cond3A_115 = arith.cmpi ne, %convert_element_type3A_113, %cond3A_114 : i32
        scf.if %cond3A_115 {
          %run_scoped3A_151 = arith.constant 2 : i32
          %run_scoped3A_152 = arith.constant 1 : i32
          "tpu.region"() ({
            %run_scoped3A_153 = tpu.sem_alloc : memref<!tpu.dma_semaphore, #tpu.memory_space<semaphore_mem>>
            %dma_start3A = arith.constant 0 : i32
            %dma_start3A_154 = arith.constant 0 : i32
            %dma_start3A_155 = arith.constant 0 : i32
            %dma_start3A_156 = tpu.memref_slice %arg6[%run_scoped3A_152, %dma_start3A, %dma_start3A_154, %dma_start3A_155] : memref<2x4x64x64xf32, #tpu.memory_space<vmem>> -> memref<1x4x64x64xf32, #tpu.memory_space<vmem>>
            %dma_start3A_157 = tpu.memref_squeeze %dma_start3A_156 : memref<1x4x64x64xf32, #tpu.memory_space<vmem>> -> memref<4x64x64xf32, #tpu.memory_space<vmem>>
            %dma_start3A_158 = arith.constant 0 : i32
            %dma_start3A_159 = tpu.memref_slice %arg2[%run_scoped3A_151, %and3A_15, %dma_start3A_158, %mul3A_62, %mul3A_60] : memref<4x4x4x512x512xf32, #tpu.memory_space<hbm>> -> memref<1x1x4x64x64xf32, #tpu.memory_space<hbm>>
            %dma_start3A_160 = tpu.memref_squeeze %dma_start3A_159 : memref<1x1x4x64x64xf32, #tpu.memory_space<hbm>> -> memref<4x64x64xf32, #tpu.memory_space<hbm>>
            %dma_start3A_161 = arith.constant 0 : i32
            %dma_start3A_162 = arith.constant 0 : i32
            %dma_start3A_163 = arith.constant 0 : i32
            %dma_start3A_164 = tpu.memref_slice %arg6[%run_scoped3A_152, %dma_start3A_161, %dma_start3A_162, %dma_start3A_163] : memref<2x4x64x64xf32, #tpu.memory_space<vmem>> -> memref<1x4x64x64xf32, #tpu.memory_space<vmem>>
            %dma_start3A_165 = tpu.memref_squeeze %dma_start3A_164 : memref<1x4x64x64xf32, #tpu.memory_space<vmem>> -> memref<4x64x64xf32, #tpu.memory_space<vmem>>
            %dma_start3A_166 = arith.constant 0 : i32
            %dma_start3A_167 = tpu.memref_slice %arg2[%run_scoped3A_151, %and3A_15, %dma_start3A_166, %mul3A_62, %mul3A_60] : memref<4x4x4x512x512xf32, #tpu.memory_space<hbm>> -> memref<1x1x4x64x64xf32, #tpu.memory_space<hbm>>
            %dma_start3A_168 = tpu.memref_squeeze %dma_start3A_167 : memref<1x1x4x64x64xf32, #tpu.memory_space<hbm>> -> memref<4x64x64xf32, #tpu.memory_space<hbm>>
            tpu.enqueue_dma source(%dma_start3A_168 : memref<4x64x64xf32, #tpu.memory_space<hbm>>) target(%dma_start3A_165 : memref<4x64x64xf32, #tpu.memory_space<vmem>>) target_semaphore(%run_scoped3A_153 : memref<!tpu.dma_semaphore, #tpu.memory_space<semaphore_mem>>)
            %dma_wait3A = arith.constant 0 : i32
            %dma_wait3A_169 = arith.constant 0 : i32
            %dma_wait3A_170 = arith.constant 0 : i32
            %dma_wait3A_171 = tpu.memref_slice %arg6[%run_scoped3A_152, %dma_wait3A, %dma_wait3A_169, %dma_wait3A_170] : memref<2x4x64x64xf32, #tpu.memory_space<vmem>> -> memref<1x4x64x64xf32, #tpu.memory_space<vmem>>
            %dma_wait3A_172 = tpu.memref_squeeze %dma_wait3A_171 : memref<1x4x64x64xf32, #tpu.memory_space<vmem>> -> memref<4x64x64xf32, #tpu.memory_space<vmem>>
            %dma_wait3A_173 = arith.constant 0 : i32
            %dma_wait3A_174 = tpu.memref_slice %arg2[%run_scoped3A_151, %and3A_15, %dma_wait3A_173, %mul3A_62, %mul3A_60] : memref<4x4x4x512x512xf32, #tpu.memory_space<hbm>> -> memref<1x1x4x64x64xf32, #tpu.memory_space<hbm>>
            %dma_wait3A_175 = tpu.memref_squeeze %dma_wait3A_174 : memref<1x1x4x64x64xf32, #tpu.memory_space<hbm>> -> memref<4x64x64xf32, #tpu.memory_space<hbm>>
            %dma_wait3A_176 = arith.constant 0 : i32
            %dma_wait3A_177 = arith.constant 0 : i32
            %dma_wait3A_178 = arith.constant 0 : i32
            %dma_wait3A_179 = tpu.memref_slice %arg6[%run_scoped3A_152, %dma_wait3A_176, %dma_wait3A_177, %dma_wait3A_178] : memref<2x4x64x64xf32, #tpu.memory_space<vmem>> -> memref<1x4x64x64xf32, #tpu.memory_space<vmem>>
            %dma_wait3A_180 = tpu.memref_squeeze %dma_wait3A_179 : memref<1x4x64x64xf32, #tpu.memory_space<vmem>> -> memref<4x64x64xf32, #tpu.memory_space<vmem>>
            %dma_wait3A_181 = arith.constant 0 : i32
            %dma_wait3A_182 = tpu.memref_slice %arg2[%run_scoped3A_151, %and3A_15, %dma_wait3A_181, %mul3A_62, %mul3A_60] : memref<4x4x4x512x512xf32, #tpu.memory_space<hbm>> -> memref<1x1x4x64x64xf32, #tpu.memory_space<hbm>>
            %dma_wait3A_183 = tpu.memref_squeeze %dma_wait3A_182 : memref<1x1x4x64x64xf32, #tpu.memory_space<hbm>> -> memref<4x64x64xf32, #tpu.memory_space<hbm>>
            tpu.wait_dma2 semaphore(%run_scoped3A_153 : memref<!tpu.dma_semaphore, #tpu.memory_space<semaphore_mem>>) src(%dma_wait3A_183 : memref<4x64x64xf32, #tpu.memory_space<hbm>>) dst(%dma_wait3A_180 : memref<4x64x64xf32, #tpu.memory_space<vmem>>)
            tpu.yield
          }) : () -> ()
        } else {
        }
        %run_scoped3A_116 = arith.constant 0 : i32
        %run_scoped3A_117 = arith.constant 2 : i32
        "tpu.region"() ({
          %run_scoped3A_151 = tpu.sem_alloc : memref<!tpu.dma_semaphore, #tpu.memory_space<semaphore_mem>>
          %dma_start3A = arith.constant 0 : i32
          %dma_start3A_152 = arith.constant 0 : i32
          %dma_start3A_153 = arith.constant 0 : i32
          %dma_start3A_154 = tpu.memref_slice %arg8[%run_scoped3A_116, %dma_start3A, %dma_start3A_152, %dma_start3A_153] : memref<2x4x64x64xf32, #tpu.memory_space<vmem>> -> memref<1x4x64x64xf32, #tpu.memory_space<vmem>>
          %dma_start3A_155 = tpu.memref_squeeze %dma_start3A_154 : memref<1x4x64x64xf32, #tpu.memory_space<vmem>> -> memref<4x64x64xf32, #tpu.memory_space<vmem>>
          %dma_start3A_156 = arith.constant 0 : i32
          %dma_start3A_157 = tpu.memref_slice %arg5[%run_scoped3A_117, %and3A_15, %dma_start3A_156, %mul3A_60, %mul3A_62] : memref<4x4x4x512x512xf32, #tpu.memory_space<hbm>> -> memref<1x1x4x64x64xf32, #tpu.memory_space<hbm>>
          %dma_start3A_158 = tpu.memref_squeeze %dma_start3A_157 : memref<1x1x4x64x64xf32, #tpu.memory_space<hbm>> -> memref<4x64x64xf32, #tpu.memory_space<hbm>>
          %dma_start3A_159 = arith.constant 0 : i32
          %dma_start3A_160 = tpu.memref_slice %arg5[%run_scoped3A_117, %and3A_15, %dma_start3A_159, %mul3A_60, %mul3A_62] : memref<4x4x4x512x512xf32, #tpu.memory_space<hbm>> -> memref<1x1x4x64x64xf32, #tpu.memory_space<hbm>>
          %dma_start3A_161 = tpu.memref_squeeze %dma_start3A_160 : memref<1x1x4x64x64xf32, #tpu.memory_space<hbm>> -> memref<4x64x64xf32, #tpu.memory_space<hbm>>
          %dma_start3A_162 = arith.constant 0 : i32
          %dma_start3A_163 = arith.constant 0 : i32
          %dma_start3A_164 = arith.constant 0 : i32
          %dma_start3A_165 = tpu.memref_slice %arg8[%run_scoped3A_116, %dma_start3A_162, %dma_start3A_163, %dma_start3A_164] : memref<2x4x64x64xf32, #tpu.memory_space<vmem>> -> memref<1x4x64x64xf32, #tpu.memory_space<vmem>>
          %dma_start3A_166 = tpu.memref_squeeze %dma_start3A_165 : memref<1x4x64x64xf32, #tpu.memory_space<vmem>> -> memref<4x64x64xf32, #tpu.memory_space<vmem>>
          tpu.enqueue_dma source(%dma_start3A_166 : memref<4x64x64xf32, #tpu.memory_space<vmem>>) target(%dma_start3A_161 : memref<4x64x64xf32, #tpu.memory_space<hbm>>) target_semaphore(%run_scoped3A_151 : memref<!tpu.dma_semaphore, #tpu.memory_space<semaphore_mem>>)
          %dma_wait3A = arith.constant 0 : i32
          %dma_wait3A_167 = arith.constant 0 : i32
          %dma_wait3A_168 = arith.constant 0 : i32
          %dma_wait3A_169 = tpu.memref_slice %arg8[%run_scoped3A_116, %dma_wait3A, %dma_wait3A_167, %dma_wait3A_168] : memref<2x4x64x64xf32, #tpu.memory_space<vmem>> -> memref<1x4x64x64xf32, #tpu.memory_space<vmem>>
          %dma_wait3A_170 = tpu.memref_squeeze %dma_wait3A_169 : memref<1x4x64x64xf32, #tpu.memory_space<vmem>> -> memref<4x64x64xf32, #tpu.memory_space<vmem>>
          %dma_wait3A_171 = arith.constant 0 : i32
          %dma_wait3A_172 = tpu.memref_slice %arg5[%run_scoped3A_117, %and3A_15, %dma_wait3A_171, %mul3A_60, %mul3A_62] : memref<4x4x4x512x512xf32, #tpu.memory_space<hbm>> -> memref<1x1x4x64x64xf32, #tpu.memory_space<hbm>>
          %dma_wait3A_173 = tpu.memref_squeeze %dma_wait3A_172 : memref<1x1x4x64x64xf32, #tpu.memory_space<hbm>> -> memref<4x64x64xf32, #tpu.memory_space<hbm>>
          %dma_wait3A_174 = arith.constant 0 : i32
          %dma_wait3A_175 = tpu.memref_slice %arg5[%run_scoped3A_117, %and3A_15, %dma_wait3A_174, %mul3A_60, %mul3A_62] : memref<4x4x4x512x512xf32, #tpu.memory_space<hbm>> -> memref<1x1x4x64x64xf32, #tpu.memory_space<hbm>>
          %dma_wait3A_176 = tpu.memref_squeeze %dma_wait3A_175 : memref<1x1x4x64x64xf32, #tpu.memory_space<hbm>> -> memref<4x64x64xf32, #tpu.memory_space<hbm>>
          %dma_wait3A_177 = arith.constant 0 : i32
          %dma_wait3A_178 = arith.constant 0 : i32
          %dma_wait3A_179 = arith.constant 0 : i32
          %dma_wait3A_180 = tpu.memref_slice %arg8[%run_scoped3A_116, %dma_wait3A_177, %dma_wait3A_178, %dma_wait3A_179] : memref<2x4x64x64xf32, #tpu.memory_space<vmem>> -> memref<1x4x64x64xf32, #tpu.memory_space<vmem>>
          %dma_wait3A_181 = tpu.memref_squeeze %dma_wait3A_180 : memref<1x4x64x64xf32, #tpu.memory_space<vmem>> -> memref<4x64x64xf32, #tpu.memory_space<vmem>>
          tpu.wait_dma2 semaphore(%run_scoped3A_151 : memref<!tpu.dma_semaphore, #tpu.memory_space<semaphore_mem>>) src(%dma_wait3A_181 : memref<4x64x64xf32, #tpu.memory_space<vmem>>) dst(%dma_wait3A_176 : memref<4x64x64xf32, #tpu.memory_space<hbm>>)
          tpu.yield
        }) : () -> ()
        %not3A_118 = arith.constant true
        %not3A_119 = arith.xori %eq3A, %not3A_118 : i1
        %convert_element_type3A_120 = arith.extui %not3A_119 : i1 to i32
        %cond3A_121 = arith.constant 0 : i32
        %cond3A_122 = arith.cmpi ne, %convert_element_type3A_120, %cond3A_121 : i32
        scf.if %cond3A_122 {
          %run_scoped3A_151 = arith.constant 1 : i32
          %run_scoped3A_152 = arith.constant 2 : i32
          "tpu.region"() ({
            %run_scoped3A_153 = tpu.sem_alloc : memref<!tpu.dma_semaphore, #tpu.memory_space<semaphore_mem>>
            %dma_start3A = arith.constant 0 : i32
            %dma_start3A_154 = arith.constant 0 : i32
            %dma_start3A_155 = arith.constant 0 : i32
            %dma_start3A_156 = tpu.memref_slice %arg8[%run_scoped3A_151, %dma_start3A, %dma_start3A_154, %dma_start3A_155] : memref<2x4x64x64xf32, #tpu.memory_space<vmem>> -> memref<1x4x64x64xf32, #tpu.memory_space<vmem>>
            %dma_start3A_157 = tpu.memref_squeeze %dma_start3A_156 : memref<1x4x64x64xf32, #tpu.memory_space<vmem>> -> memref<4x64x64xf32, #tpu.memory_space<vmem>>
            %dma_start3A_158 = arith.constant 0 : i32
            %dma_start3A_159 = tpu.memref_slice %arg5[%run_scoped3A_152, %and3A_15, %dma_start3A_158, %mul3A_62, %mul3A_60] : memref<4x4x4x512x512xf32, #tpu.memory_space<hbm>> -> memref<1x1x4x64x64xf32, #tpu.memory_space<hbm>>
            %dma_start3A_160 = tpu.memref_squeeze %dma_start3A_159 : memref<1x1x4x64x64xf32, #tpu.memory_space<hbm>> -> memref<4x64x64xf32, #tpu.memory_space<hbm>>
            %dma_start3A_161 = arith.constant 0 : i32
            %dma_start3A_162 = tpu.memref_slice %arg5[%run_scoped3A_152, %and3A_15, %dma_start3A_161, %mul3A_62, %mul3A_60] : memref<4x4x4x512x512xf32, #tpu.memory_space<hbm>> -> memref<1x1x4x64x64xf32, #tpu.memory_space<hbm>>
            %dma_start3A_163 = tpu.memref_squeeze %dma_start3A_162 : memref<1x1x4x64x64xf32, #tpu.memory_space<hbm>> -> memref<4x64x64xf32, #tpu.memory_space<hbm>>
            %dma_start3A_164 = arith.constant 0 : i32
            %dma_start3A_165 = arith.constant 0 : i32
            %dma_start3A_166 = arith.constant 0 : i32
            %dma_start3A_167 = tpu.memref_slice %arg8[%run_scoped3A_151, %dma_start3A_164, %dma_start3A_165, %dma_start3A_166] : memref<2x4x64x64xf32, #tpu.memory_space<vmem>> -> memref<1x4x64x64xf32, #tpu.memory_space<vmem>>
            %dma_start3A_168 = tpu.memref_squeeze %dma_start3A_167 : memref<1x4x64x64xf32, #tpu.memory_space<vmem>> -> memref<4x64x64xf32, #tpu.memory_space<vmem>>
            tpu.enqueue_dma source(%dma_start3A_168 : memref<4x64x64xf32, #tpu.memory_space<vmem>>) target(%dma_start3A_163 : memref<4x64x64xf32, #tpu.memory_space<hbm>>) target_semaphore(%run_scoped3A_153 : memref<!tpu.dma_semaphore, #tpu.memory_space<semaphore_mem>>)
            %dma_wait3A = arith.constant 0 : i32
            %dma_wait3A_169 = arith.constant 0 : i32
            %dma_wait3A_170 = arith.constant 0 : i32
            %dma_wait3A_171 = tpu.memref_slice %arg8[%run_scoped3A_151, %dma_wait3A, %dma_wait3A_169, %dma_wait3A_170] : memref<2x4x64x64xf32, #tpu.memory_space<vmem>> -> memref<1x4x64x64xf32, #tpu.memory_space<vmem>>
            %dma_wait3A_172 = tpu.memref_squeeze %dma_wait3A_171 : memref<1x4x64x64xf32, #tpu.memory_space<vmem>> -> memref<4x64x64xf32, #tpu.memory_space<vmem>>
            %dma_wait3A_173 = arith.constant 0 : i32
            %dma_wait3A_174 = tpu.memref_slice %arg5[%run_scoped3A_152, %and3A_15, %dma_wait3A_173, %mul3A_62, %mul3A_60] : memref<4x4x4x512x512xf32, #tpu.memory_space<hbm>> -> memref<1x1x4x64x64xf32, #tpu.memory_space<hbm>>
            %dma_wait3A_175 = tpu.memref_squeeze %dma_wait3A_174 : memref<1x1x4x64x64xf32, #tpu.memory_space<hbm>> -> memref<4x64x64xf32, #tpu.memory_space<hbm>>
            %dma_wait3A_176 = arith.constant 0 : i32
            %dma_wait3A_177 = tpu.memref_slice %arg5[%run_scoped3A_152, %and3A_15, %dma_wait3A_176, %mul3A_62, %mul3A_60] : memref<4x4x4x512x512xf32, #tpu.memory_space<hbm>> -> memref<1x1x4x64x64xf32, #tpu.memory_space<hbm>>
            %dma_wait3A_178 = tpu.memref_squeeze %dma_wait3A_177 : memref<1x1x4x64x64xf32, #tpu.memory_space<hbm>> -> memref<4x64x64xf32, #tpu.memory_space<hbm>>
            %dma_wait3A_179 = arith.constant 0 : i32
            %dma_wait3A_180 = arith.constant 0 : i32
            %dma_wait3A_181 = arith.constant 0 : i32
            %dma_wait3A_182 = tpu.memref_slice %arg8[%run_scoped3A_151, %dma_wait3A_179, %dma_wait3A_180, %dma_wait3A_181] : memref<2x4x64x64xf32, #tpu.memory_space<vmem>> -> memref<1x4x64x64xf32, #tpu.memory_space<vmem>>
            %dma_wait3A_183 = tpu.memref_squeeze %dma_wait3A_182 : memref<1x4x64x64xf32, #tpu.memory_space<vmem>> -> memref<4x64x64xf32, #tpu.memory_space<vmem>>
            tpu.wait_dma2 semaphore(%run_scoped3A_153 : memref<!tpu.dma_semaphore, #tpu.memory_space<semaphore_mem>>) src(%dma_wait3A_183 : memref<4x64x64xf32, #tpu.memory_space<vmem>>) dst(%dma_wait3A_178 : memref<4x64x64xf32, #tpu.memory_space<hbm>>)
            tpu.yield
          }) : () -> ()
        } else {
        }
        %run_scoped3A_123 = arith.constant 0 : i32
        %run_scoped3A_124 = arith.constant 2 : i32
        "tpu.region"() ({
          %run_scoped3A_151 = tpu.sem_alloc : memref<!tpu.dma_semaphore, #tpu.memory_space<semaphore_mem>>
          %dma_start3A = arith.constant 0 : i32
          %dma_start3A_152 = arith.constant 0 : i32
          %dma_start3A_153 = arith.constant 0 : i32
          %dma_start3A_154 = tpu.memref_slice %arg7[%run_scoped3A_123, %dma_start3A, %dma_start3A_152, %dma_start3A_153] : memref<2x4x64x65xf32, #tpu.memory_space<vmem>> -> memref<1x4x64x64xf32, #tpu.memory_space<vmem>>
          %dma_start3A_155 = tpu.memref_squeeze %dma_start3A_154 : memref<1x4x64x64xf32, #tpu.memory_space<vmem>> -> memref<4x64x64xf32, #tpu.memory_space<vmem>>
          %dma_start3A_156 = arith.constant 0 : i32
          %dma_start3A_157 = tpu.memref_slice %arg4[%run_scoped3A_124, %and3A_15, %dma_start3A_156, %mul3A_60, %mul3A_62] : memref<4x4x4x512x512xf32, #tpu.memory_space<hbm>> -> memref<1x1x4x64x64xf32, #tpu.memory_space<hbm>>
          %dma_start3A_158 = tpu.memref_squeeze %dma_start3A_157 : memref<1x1x4x64x64xf32, #tpu.memory_space<hbm>> -> memref<4x64x64xf32, #tpu.memory_space<hbm>>
          %dma_start3A_159 = arith.constant 0 : i32
          %dma_start3A_160 = tpu.memref_slice %arg4[%run_scoped3A_124, %and3A_15, %dma_start3A_159, %mul3A_60, %mul3A_62] : memref<4x4x4x512x512xf32, #tpu.memory_space<hbm>> -> memref<1x1x4x64x64xf32, #tpu.memory_space<hbm>>
          %dma_start3A_161 = tpu.memref_squeeze %dma_start3A_160 : memref<1x1x4x64x64xf32, #tpu.memory_space<hbm>> -> memref<4x64x64xf32, #tpu.memory_space<hbm>>
          %dma_start3A_162 = arith.constant 0 : i32
          %dma_start3A_163 = arith.constant 0 : i32
          %dma_start3A_164 = arith.constant 0 : i32
          %dma_start3A_165 = tpu.memref_slice %arg7[%run_scoped3A_123, %dma_start3A_162, %dma_start3A_163, %dma_start3A_164] : memref<2x4x64x65xf32, #tpu.memory_space<vmem>> -> memref<1x4x64x64xf32, #tpu.memory_space<vmem>>
          %dma_start3A_166 = tpu.memref_squeeze %dma_start3A_165 : memref<1x4x64x64xf32, #tpu.memory_space<vmem>> -> memref<4x64x64xf32, #tpu.memory_space<vmem>>
          tpu.enqueue_dma source(%dma_start3A_166 : memref<4x64x64xf32, #tpu.memory_space<vmem>>) target(%dma_start3A_161 : memref<4x64x64xf32, #tpu.memory_space<hbm>>) target_semaphore(%run_scoped3A_151 : memref<!tpu.dma_semaphore, #tpu.memory_space<semaphore_mem>>)
          %dma_wait3A = arith.constant 0 : i32
          %dma_wait3A_167 = arith.constant 0 : i32
          %dma_wait3A_168 = arith.constant 0 : i32
          %dma_wait3A_169 = tpu.memref_slice %arg7[%run_scoped3A_123, %dma_wait3A, %dma_wait3A_167, %dma_wait3A_168] : memref<2x4x64x65xf32, #tpu.memory_space<vmem>> -> memref<1x4x64x64xf32, #tpu.memory_space<vmem>>
          %dma_wait3A_170 = tpu.memref_squeeze %dma_wait3A_169 : memref<1x4x64x64xf32, #tpu.memory_space<vmem>> -> memref<4x64x64xf32, #tpu.memory_space<vmem>>
          %dma_wait3A_171 = arith.constant 0 : i32
          %dma_wait3A_172 = tpu.memref_slice %arg4[%run_scoped3A_124, %and3A_15, %dma_wait3A_171, %mul3A_60, %mul3A_62] : memref<4x4x4x512x512xf32, #tpu.memory_space<hbm>> -> memref<1x1x4x64x64xf32, #tpu.memory_space<hbm>>
          %dma_wait3A_173 = tpu.memref_squeeze %dma_wait3A_172 : memref<1x1x4x64x64xf32, #tpu.memory_space<hbm>> -> memref<4x64x64xf32, #tpu.memory_space<hbm>>
          %dma_wait3A_174 = arith.constant 0 : i32
          %dma_wait3A_175 = tpu.memref_slice %arg4[%run_scoped3A_124, %and3A_15, %dma_wait3A_174, %mul3A_60, %mul3A_62] : memref<4x4x4x512x512xf32, #tpu.memory_space<hbm>> -> memref<1x1x4x64x64xf32, #tpu.memory_space<hbm>>
          %dma_wait3A_176 = tpu.memref_squeeze %dma_wait3A_175 : memref<1x1x4x64x64xf32, #tpu.memory_space<hbm>> -> memref<4x64x64xf32, #tpu.memory_space<hbm>>
          %dma_wait3A_177 = arith.constant 0 : i32
          %dma_wait3A_178 = arith.constant 0 : i32
          %dma_wait3A_179 = arith.constant 0 : i32
          %dma_wait3A_180 = tpu.memref_slice %arg7[%run_scoped3A_123, %dma_wait3A_177, %dma_wait3A_178, %dma_wait3A_179] : memref<2x4x64x65xf32, #tpu.memory_space<vmem>> -> memref<1x4x64x64xf32, #tpu.memory_space<vmem>>
          %dma_wait3A_181 = tpu.memref_squeeze %dma_wait3A_180 : memref<1x4x64x64xf32, #tpu.memory_space<vmem>> -> memref<4x64x64xf32, #tpu.memory_space<vmem>>
          tpu.wait_dma2 semaphore(%run_scoped3A_151 : memref<!tpu.dma_semaphore, #tpu.memory_space<semaphore_mem>>) src(%dma_wait3A_181 : memref<4x64x64xf32, #tpu.memory_space<vmem>>) dst(%dma_wait3A_176 : memref<4x64x64xf32, #tpu.memory_space<hbm>>)
          tpu.yield
        }) : () -> ()
        %not3A_125 = arith.constant true
        %not3A_126 = arith.xori %eq3A, %not3A_125 : i1
        %convert_element_type3A_127 = arith.extui %not3A_126 : i1 to i32
        %cond3A_128 = arith.constant 0 : i32
        %cond3A_129 = arith.cmpi ne, %convert_element_type3A_127, %cond3A_128 : i32
        scf.if %cond3A_129 {
          %run_scoped3A_151 = arith.constant 1 : i32
          %run_scoped3A_152 = arith.constant 2 : i32
          "tpu.region"() ({
            %run_scoped3A_153 = tpu.sem_alloc : memref<!tpu.dma_semaphore, #tpu.memory_space<semaphore_mem>>
            %dma_start3A = arith.constant 0 : i32
            %dma_start3A_154 = arith.constant 0 : i32
            %dma_start3A_155 = arith.constant 0 : i32
            %dma_start3A_156 = tpu.memref_slice %arg7[%run_scoped3A_151, %dma_start3A, %dma_start3A_154, %dma_start3A_155] : memref<2x4x64x65xf32, #tpu.memory_space<vmem>> -> memref<1x4x64x64xf32, #tpu.memory_space<vmem>>
            %dma_start3A_157 = tpu.memref_squeeze %dma_start3A_156 : memref<1x4x64x64xf32, #tpu.memory_space<vmem>> -> memref<4x64x64xf32, #tpu.memory_space<vmem>>
            %dma_start3A_158 = arith.constant 0 : i32
            %dma_start3A_159 = tpu.memref_slice %arg4[%run_scoped3A_152, %and3A_15, %dma_start3A_158, %mul3A_62, %mul3A_60] : memref<4x4x4x512x512xf32, #tpu.memory_space<hbm>> -> memref<1x1x4x64x64xf32, #tpu.memory_space<hbm>>
            %dma_start3A_160 = tpu.memref_squeeze %dma_start3A_159 : memref<1x1x4x64x64xf32, #tpu.memory_space<hbm>> -> memref<4x64x64xf32, #tpu.memory_space<hbm>>
            %dma_start3A_161 = arith.constant 0 : i32
            %dma_start3A_162 = tpu.memref_slice %arg4[%run_scoped3A_152, %and3A_15, %dma_start3A_161, %mul3A_62, %mul3A_60] : memref<4x4x4x512x512xf32, #tpu.memory_space<hbm>> -> memref<1x1x4x64x64xf32, #tpu.memory_space<hbm>>
            %dma_start3A_163 = tpu.memref_squeeze %dma_start3A_162 : memref<1x1x4x64x64xf32, #tpu.memory_space<hbm>> -> memref<4x64x64xf32, #tpu.memory_space<hbm>>
            %dma_start3A_164 = arith.constant 0 : i32
            %dma_start3A_165 = arith.constant 0 : i32
            %dma_start3A_166 = arith.constant 0 : i32
            %dma_start3A_167 = tpu.memref_slice %arg7[%run_scoped3A_151, %dma_start3A_164, %dma_start3A_165, %dma_start3A_166] : memref<2x4x64x65xf32, #tpu.memory_space<vmem>> -> memref<1x4x64x64xf32, #tpu.memory_space<vmem>>
            %dma_start3A_168 = tpu.memref_squeeze %dma_start3A_167 : memref<1x4x64x64xf32, #tpu.memory_space<vmem>> -> memref<4x64x64xf32, #tpu.memory_space<vmem>>
            tpu.enqueue_dma source(%dma_start3A_168 : memref<4x64x64xf32, #tpu.memory_space<vmem>>) target(%dma_start3A_163 : memref<4x64x64xf32, #tpu.memory_space<hbm>>) target_semaphore(%run_scoped3A_153 : memref<!tpu.dma_semaphore, #tpu.memory_space<semaphore_mem>>)
            %dma_wait3A = arith.constant 0 : i32
            %dma_wait3A_169 = arith.constant 0 : i32
            %dma_wait3A_170 = arith.constant 0 : i32
            %dma_wait3A_171 = tpu.memref_slice %arg7[%run_scoped3A_151, %dma_wait3A, %dma_wait3A_169, %dma_wait3A_170] : memref<2x4x64x65xf32, #tpu.memory_space<vmem>> -> memref<1x4x64x64xf32, #tpu.memory_space<vmem>>
            %dma_wait3A_172 = tpu.memref_squeeze %dma_wait3A_171 : memref<1x4x64x64xf32, #tpu.memory_space<vmem>> -> memref<4x64x64xf32, #tpu.memory_space<vmem>>
            %dma_wait3A_173 = arith.constant 0 : i32
            %dma_wait3A_174 = tpu.memref_slice %arg4[%run_scoped3A_152, %and3A_15, %dma_wait3A_173, %mul3A_62, %mul3A_60] : memref<4x4x4x512x512xf32, #tpu.memory_space<hbm>> -> memref<1x1x4x64x64xf32, #tpu.memory_space<hbm>>
            %dma_wait3A_175 = tpu.memref_squeeze %dma_wait3A_174 : memref<1x1x4x64x64xf32, #tpu.memory_space<hbm>> -> memref<4x64x64xf32, #tpu.memory_space<hbm>>
            %dma_wait3A_176 = arith.constant 0 : i32
            %dma_wait3A_177 = tpu.memref_slice %arg4[%run_scoped3A_152, %and3A_15, %dma_wait3A_176, %mul3A_62, %mul3A_60] : memref<4x4x4x512x512xf32, #tpu.memory_space<hbm>> -> memref<1x1x4x64x64xf32, #tpu.memory_space<hbm>>
            %dma_wait3A_178 = tpu.memref_squeeze %dma_wait3A_177 : memref<1x1x4x64x64xf32, #tpu.memory_space<hbm>> -> memref<4x64x64xf32, #tpu.memory_space<hbm>>
            %dma_wait3A_179 = arith.constant 0 : i32
            %dma_wait3A_180 = arith.constant 0 : i32
            %dma_wait3A_181 = arith.constant 0 : i32
            %dma_wait3A_182 = tpu.memref_slice %arg7[%run_scoped3A_151, %dma_wait3A_179, %dma_wait3A_180, %dma_wait3A_181] : memref<2x4x64x65xf32, #tpu.memory_space<vmem>> -> memref<1x4x64x64xf32, #tpu.memory_space<vmem>>
            %dma_wait3A_183 = tpu.memref_squeeze %dma_wait3A_182 : memref<1x4x64x64xf32, #tpu.memory_space<vmem>> -> memref<4x64x64xf32, #tpu.memory_space<vmem>>
            tpu.wait_dma2 semaphore(%run_scoped3A_153 : memref<!tpu.dma_semaphore, #tpu.memory_space<semaphore_mem>>) src(%dma_wait3A_183 : memref<4x64x64xf32, #tpu.memory_space<vmem>>) dst(%dma_wait3A_178 : memref<4x64x64xf32, #tpu.memory_space<hbm>>)
            tpu.yield
          }) : () -> ()
        } else {
        }
        %run_scoped3A_130 = arith.constant 3 : i32
        %run_scoped3A_131 = arith.constant 0 : i32
        "tpu.region"() ({
          %run_scoped3A_151 = tpu.sem_alloc : memref<!tpu.dma_semaphore, #tpu.memory_space<semaphore_mem>>
          %dma_start3A = arith.constant 0 : i32
          %dma_start3A_152 = arith.constant 0 : i32
          %dma_start3A_153 = arith.constant 0 : i32
          %dma_start3A_154 = tpu.memref_slice %arg6[%run_scoped3A_131, %dma_start3A, %dma_start3A_152, %dma_start3A_153] : memref<2x4x64x64xf32, #tpu.memory_space<vmem>> -> memref<1x4x64x64xf32, #tpu.memory_space<vmem>>
          %dma_start3A_155 = tpu.memref_squeeze %dma_start3A_154 : memref<1x4x64x64xf32, #tpu.memory_space<vmem>> -> memref<4x64x64xf32, #tpu.memory_space<vmem>>
          %dma_start3A_156 = arith.constant 0 : i32
          %dma_start3A_157 = tpu.memref_slice %arg2[%run_scoped3A_130, %and3A_15, %dma_start3A_156, %mul3A_60, %mul3A_62] : memref<4x4x4x512x512xf32, #tpu.memory_space<hbm>> -> memref<1x1x4x64x64xf32, #tpu.memory_space<hbm>>
          %dma_start3A_158 = tpu.memref_squeeze %dma_start3A_157 : memref<1x1x4x64x64xf32, #tpu.memory_space<hbm>> -> memref<4x64x64xf32, #tpu.memory_space<hbm>>
          %dma_start3A_159 = arith.constant 0 : i32
          %dma_start3A_160 = arith.constant 0 : i32
          %dma_start3A_161 = arith.constant 0 : i32
          %dma_start3A_162 = tpu.memref_slice %arg6[%run_scoped3A_131, %dma_start3A_159, %dma_start3A_160, %dma_start3A_161] : memref<2x4x64x64xf32, #tpu.memory_space<vmem>> -> memref<1x4x64x64xf32, #tpu.memory_space<vmem>>
          %dma_start3A_163 = tpu.memref_squeeze %dma_start3A_162 : memref<1x4x64x64xf32, #tpu.memory_space<vmem>> -> memref<4x64x64xf32, #tpu.memory_space<vmem>>
          %dma_start3A_164 = arith.constant 0 : i32
          %dma_start3A_165 = tpu.memref_slice %arg2[%run_scoped3A_130, %and3A_15, %dma_start3A_164, %mul3A_60, %mul3A_62] : memref<4x4x4x512x512xf32, #tpu.memory_space<hbm>> -> memref<1x1x4x64x64xf32, #tpu.memory_space<hbm>>
          %dma_start3A_166 = tpu.memref_squeeze %dma_start3A_165 : memref<1x1x4x64x64xf32, #tpu.memory_space<hbm>> -> memref<4x64x64xf32, #tpu.memory_space<hbm>>
          tpu.enqueue_dma source(%dma_start3A_166 : memref<4x64x64xf32, #tpu.memory_space<hbm>>) target(%dma_start3A_163 : memref<4x64x64xf32, #tpu.memory_space<vmem>>) target_semaphore(%run_scoped3A_151 : memref<!tpu.dma_semaphore, #tpu.memory_space<semaphore_mem>>)
          %dma_wait3A = arith.constant 0 : i32
          %dma_wait3A_167 = arith.constant 0 : i32
          %dma_wait3A_168 = arith.constant 0 : i32
          %dma_wait3A_169 = tpu.memref_slice %arg6[%run_scoped3A_131, %dma_wait3A, %dma_wait3A_167, %dma_wait3A_168] : memref<2x4x64x64xf32, #tpu.memory_space<vmem>> -> memref<1x4x64x64xf32, #tpu.memory_space<vmem>>
          %dma_wait3A_170 = tpu.memref_squeeze %dma_wait3A_169 : memref<1x4x64x64xf32, #tpu.memory_space<vmem>> -> memref<4x64x64xf32, #tpu.memory_space<vmem>>
          %dma_wait3A_171 = arith.constant 0 : i32
          %dma_wait3A_172 = tpu.memref_slice %arg2[%run_scoped3A_130, %and3A_15, %dma_wait3A_171, %mul3A_60, %mul3A_62] : memref<4x4x4x512x512xf32, #tpu.memory_space<hbm>> -> memref<1x1x4x64x64xf32, #tpu.memory_space<hbm>>
          %dma_wait3A_173 = tpu.memref_squeeze %dma_wait3A_172 : memref<1x1x4x64x64xf32, #tpu.memory_space<hbm>> -> memref<4x64x64xf32, #tpu.memory_space<hbm>>
          %dma_wait3A_174 = arith.constant 0 : i32
          %dma_wait3A_175 = arith.constant 0 : i32
          %dma_wait3A_176 = arith.constant 0 : i32
          %dma_wait3A_177 = tpu.memref_slice %arg6[%run_scoped3A_131, %dma_wait3A_174, %dma_wait3A_175, %dma_wait3A_176] : memref<2x4x64x64xf32, #tpu.memory_space<vmem>> -> memref<1x4x64x64xf32, #tpu.memory_space<vmem>>
          %dma_wait3A_178 = tpu.memref_squeeze %dma_wait3A_177 : memref<1x4x64x64xf32, #tpu.memory_space<vmem>> -> memref<4x64x64xf32, #tpu.memory_space<vmem>>
          %dma_wait3A_179 = arith.constant 0 : i32
          %dma_wait3A_180 = tpu.memref_slice %arg2[%run_scoped3A_130, %and3A_15, %dma_wait3A_179, %mul3A_60, %mul3A_62] : memref<4x4x4x512x512xf32, #tpu.memory_space<hbm>> -> memref<1x1x4x64x64xf32, #tpu.memory_space<hbm>>
          %dma_wait3A_181 = tpu.memref_squeeze %dma_wait3A_180 : memref<1x1x4x64x64xf32, #tpu.memory_space<hbm>> -> memref<4x64x64xf32, #tpu.memory_space<hbm>>
          tpu.wait_dma2 semaphore(%run_scoped3A_151 : memref<!tpu.dma_semaphore, #tpu.memory_space<semaphore_mem>>) src(%dma_wait3A_181 : memref<4x64x64xf32, #tpu.memory_space<hbm>>) dst(%dma_wait3A_178 : memref<4x64x64xf32, #tpu.memory_space<vmem>>)
          tpu.yield
        }) : () -> ()
        %not3A_132 = arith.constant true
        %not3A_133 = arith.xori %eq3A, %not3A_132 : i1
        %convert_element_type3A_134 = arith.extui %not3A_133 : i1 to i32
        %cond3A_135 = arith.constant 0 : i32
        %cond3A_136 = arith.cmpi ne, %convert_element_type3A_134, %cond3A_135 : i32
        scf.if %cond3A_136 {
          %run_scoped3A_151 = arith.constant 3 : i32
          %run_scoped3A_152 = arith.constant 1 : i32
          "tpu.region"() ({
            %run_scoped3A_153 = tpu.sem_alloc : memref<!tpu.dma_semaphore, #tpu.memory_space<semaphore_mem>>
            %dma_start3A = arith.constant 0 : i32
            %dma_start3A_154 = arith.constant 0 : i32
            %dma_start3A_155 = arith.constant 0 : i32
            %dma_start3A_156 = tpu.memref_slice %arg6[%run_scoped3A_152, %dma_start3A, %dma_start3A_154, %dma_start3A_155] : memref<2x4x64x64xf32, #tpu.memory_space<vmem>> -> memref<1x4x64x64xf32, #tpu.memory_space<vmem>>
            %dma_start3A_157 = tpu.memref_squeeze %dma_start3A_156 : memref<1x4x64x64xf32, #tpu.memory_space<vmem>> -> memref<4x64x64xf32, #tpu.memory_space<vmem>>
            %dma_start3A_158 = arith.constant 0 : i32
            %dma_start3A_159 = tpu.memref_slice %arg2[%run_scoped3A_151, %and3A_15, %dma_start3A_158, %mul3A_62, %mul3A_60] : memref<4x4x4x512x512xf32, #tpu.memory_space<hbm>> -> memref<1x1x4x64x64xf32, #tpu.memory_space<hbm>>
            %dma_start3A_160 = tpu.memref_squeeze %dma_start3A_159 : memref<1x1x4x64x64xf32, #tpu.memory_space<hbm>> -> memref<4x64x64xf32, #tpu.memory_space<hbm>>
            %dma_start3A_161 = arith.constant 0 : i32
            %dma_start3A_162 = arith.constant 0 : i32
            %dma_start3A_163 = arith.constant 0 : i32
            %dma_start3A_164 = tpu.memref_slice %arg6[%run_scoped3A_152, %dma_start3A_161, %dma_start3A_162, %dma_start3A_163] : memref<2x4x64x64xf32, #tpu.memory_space<vmem>> -> memref<1x4x64x64xf32, #tpu.memory_space<vmem>>
            %dma_start3A_165 = tpu.memref_squeeze %dma_start3A_164 : memref<1x4x64x64xf32, #tpu.memory_space<vmem>> -> memref<4x64x64xf32, #tpu.memory_space<vmem>>
            %dma_start3A_166 = arith.constant 0 : i32
            %dma_start3A_167 = tpu.memref_slice %arg2[%run_scoped3A_151, %and3A_15, %dma_start3A_166, %mul3A_62, %mul3A_60] : memref<4x4x4x512x512xf32, #tpu.memory_space<hbm>> -> memref<1x1x4x64x64xf32, #tpu.memory_space<hbm>>
            %dma_start3A_168 = tpu.memref_squeeze %dma_start3A_167 : memref<1x1x4x64x64xf32, #tpu.memory_space<hbm>> -> memref<4x64x64xf32, #tpu.memory_space<hbm>>
            tpu.enqueue_dma source(%dma_start3A_168 : memref<4x64x64xf32, #tpu.memory_space<hbm>>) target(%dma_start3A_165 : memref<4x64x64xf32, #tpu.memory_space<vmem>>) target_semaphore(%run_scoped3A_153 : memref<!tpu.dma_semaphore, #tpu.memory_space<semaphore_mem>>)
            %dma_wait3A = arith.constant 0 : i32
            %dma_wait3A_169 = arith.constant 0 : i32
            %dma_wait3A_170 = arith.constant 0 : i32
            %dma_wait3A_171 = tpu.memref_slice %arg6[%run_scoped3A_152, %dma_wait3A, %dma_wait3A_169, %dma_wait3A_170] : memref<2x4x64x64xf32, #tpu.memory_space<vmem>> -> memref<1x4x64x64xf32, #tpu.memory_space<vmem>>
            %dma_wait3A_172 = tpu.memref_squeeze %dma_wait3A_171 : memref<1x4x64x64xf32, #tpu.memory_space<vmem>> -> memref<4x64x64xf32, #tpu.memory_space<vmem>>
            %dma_wait3A_173 = arith.constant 0 : i32
            %dma_wait3A_174 = tpu.memref_slice %arg2[%run_scoped3A_151, %and3A_15, %dma_wait3A_173, %mul3A_62, %mul3A_60] : memref<4x4x4x512x512xf32, #tpu.memory_space<hbm>> -> memref<1x1x4x64x64xf32, #tpu.memory_space<hbm>>
            %dma_wait3A_175 = tpu.memref_squeeze %dma_wait3A_174 : memref<1x1x4x64x64xf32, #tpu.memory_space<hbm>> -> memref<4x64x64xf32, #tpu.memory_space<hbm>>
            %dma_wait3A_176 = arith.constant 0 : i32
            %dma_wait3A_177 = arith.constant 0 : i32
            %dma_wait3A_178 = arith.constant 0 : i32
            %dma_wait3A_179 = tpu.memref_slice %arg6[%run_scoped3A_152, %dma_wait3A_176, %dma_wait3A_177, %dma_wait3A_178] : memref<2x4x64x64xf32, #tpu.memory_space<vmem>> -> memref<1x4x64x64xf32, #tpu.memory_space<vmem>>
            %dma_wait3A_180 = tpu.memref_squeeze %dma_wait3A_179 : memref<1x4x64x64xf32, #tpu.memory_space<vmem>> -> memref<4x64x64xf32, #tpu.memory_space<vmem>>
            %dma_wait3A_181 = arith.constant 0 : i32
            %dma_wait3A_182 = tpu.memref_slice %arg2[%run_scoped3A_151, %and3A_15, %dma_wait3A_181, %mul3A_62, %mul3A_60] : memref<4x4x4x512x512xf32, #tpu.memory_space<hbm>> -> memref<1x1x4x64x64xf32, #tpu.memory_space<hbm>>
            %dma_wait3A_183 = tpu.memref_squeeze %dma_wait3A_182 : memref<1x1x4x64x64xf32, #tpu.memory_space<hbm>> -> memref<4x64x64xf32, #tpu.memory_space<hbm>>
            tpu.wait_dma2 semaphore(%run_scoped3A_153 : memref<!tpu.dma_semaphore, #tpu.memory_space<semaphore_mem>>) src(%dma_wait3A_183 : memref<4x64x64xf32, #tpu.memory_space<hbm>>) dst(%dma_wait3A_180 : memref<4x64x64xf32, #tpu.memory_space<vmem>>)
            tpu.yield
          }) : () -> ()
        } else {
        }
        %run_scoped3A_137 = arith.constant 0 : i32
        %run_scoped3A_138 = arith.constant 3 : i32
        "tpu.region"() ({
          %run_scoped3A_151 = tpu.sem_alloc : memref<!tpu.dma_semaphore, #tpu.memory_space<semaphore_mem>>
          %dma_start3A = arith.constant 0 : i32
          %dma_start3A_152 = arith.constant 0 : i32
          %dma_start3A_153 = arith.constant 0 : i32
          %dma_start3A_154 = tpu.memref_slice %arg8[%run_scoped3A_137, %dma_start3A, %dma_start3A_152, %dma_start3A_153] : memref<2x4x64x64xf32, #tpu.memory_space<vmem>> -> memref<1x4x64x64xf32, #tpu.memory_space<vmem>>
          %dma_start3A_155 = tpu.memref_squeeze %dma_start3A_154 : memref<1x4x64x64xf32, #tpu.memory_space<vmem>> -> memref<4x64x64xf32, #tpu.memory_space<vmem>>
          %dma_start3A_156 = arith.constant 0 : i32
          %dma_start3A_157 = tpu.memref_slice %arg5[%run_scoped3A_138, %and3A_15, %dma_start3A_156, %mul3A_60, %mul3A_62] : memref<4x4x4x512x512xf32, #tpu.memory_space<hbm>> -> memref<1x1x4x64x64xf32, #tpu.memory_space<hbm>>
          %dma_start3A_158 = tpu.memref_squeeze %dma_start3A_157 : memref<1x1x4x64x64xf32, #tpu.memory_space<hbm>> -> memref<4x64x64xf32, #tpu.memory_space<hbm>>
          %dma_start3A_159 = arith.constant 0 : i32
          %dma_start3A_160 = tpu.memref_slice %arg5[%run_scoped3A_138, %and3A_15, %dma_start3A_159, %mul3A_60, %mul3A_62] : memref<4x4x4x512x512xf32, #tpu.memory_space<hbm>> -> memref<1x1x4x64x64xf32, #tpu.memory_space<hbm>>
          %dma_start3A_161 = tpu.memref_squeeze %dma_start3A_160 : memref<1x1x4x64x64xf32, #tpu.memory_space<hbm>> -> memref<4x64x64xf32, #tpu.memory_space<hbm>>
          %dma_start3A_162 = arith.constant 0 : i32
          %dma_start3A_163 = arith.constant 0 : i32
          %dma_start3A_164 = arith.constant 0 : i32
          %dma_start3A_165 = tpu.memref_slice %arg8[%run_scoped3A_137, %dma_start3A_162, %dma_start3A_163, %dma_start3A_164] : memref<2x4x64x64xf32, #tpu.memory_space<vmem>> -> memref<1x4x64x64xf32, #tpu.memory_space<vmem>>
          %dma_start3A_166 = tpu.memref_squeeze %dma_start3A_165 : memref<1x4x64x64xf32, #tpu.memory_space<vmem>> -> memref<4x64x64xf32, #tpu.memory_space<vmem>>
          tpu.enqueue_dma source(%dma_start3A_166 : memref<4x64x64xf32, #tpu.memory_space<vmem>>) target(%dma_start3A_161 : memref<4x64x64xf32, #tpu.memory_space<hbm>>) target_semaphore(%run_scoped3A_151 : memref<!tpu.dma_semaphore, #tpu.memory_space<semaphore_mem>>)
          %dma_wait3A = arith.constant 0 : i32
          %dma_wait3A_167 = arith.constant 0 : i32
          %dma_wait3A_168 = arith.constant 0 : i32
          %dma_wait3A_169 = tpu.memref_slice %arg8[%run_scoped3A_137, %dma_wait3A, %dma_wait3A_167, %dma_wait3A_168] : memref<2x4x64x64xf32, #tpu.memory_space<vmem>> -> memref<1x4x64x64xf32, #tpu.memory_space<vmem>>
          %dma_wait3A_170 = tpu.memref_squeeze %dma_wait3A_169 : memref<1x4x64x64xf32, #tpu.memory_space<vmem>> -> memref<4x64x64xf32, #tpu.memory_space<vmem>>
          %dma_wait3A_171 = arith.constant 0 : i32
          %dma_wait3A_172 = tpu.memref_slice %arg5[%run_scoped3A_138, %and3A_15, %dma_wait3A_171, %mul3A_60, %mul3A_62] : memref<4x4x4x512x512xf32, #tpu.memory_space<hbm>> -> memref<1x1x4x64x64xf32, #tpu.memory_space<hbm>>
          %dma_wait3A_173 = tpu.memref_squeeze %dma_wait3A_172 : memref<1x1x4x64x64xf32, #tpu.memory_space<hbm>> -> memref<4x64x64xf32, #tpu.memory_space<hbm>>
          %dma_wait3A_174 = arith.constant 0 : i32
          %dma_wait3A_175 = tpu.memref_slice %arg5[%run_scoped3A_138, %and3A_15, %dma_wait3A_174, %mul3A_60, %mul3A_62] : memref<4x4x4x512x512xf32, #tpu.memory_space<hbm>> -> memref<1x1x4x64x64xf32, #tpu.memory_space<hbm>>
          %dma_wait3A_176 = tpu.memref_squeeze %dma_wait3A_175 : memref<1x1x4x64x64xf32, #tpu.memory_space<hbm>> -> memref<4x64x64xf32, #tpu.memory_space<hbm>>
          %dma_wait3A_177 = arith.constant 0 : i32
          %dma_wait3A_178 = arith.constant 0 : i32
          %dma_wait3A_179 = arith.constant 0 : i32
          %dma_wait3A_180 = tpu.memref_slice %arg8[%run_scoped3A_137, %dma_wait3A_177, %dma_wait3A_178, %dma_wait3A_179] : memref<2x4x64x64xf32, #tpu.memory_space<vmem>> -> memref<1x4x64x64xf32, #tpu.memory_space<vmem>>
          %dma_wait3A_181 = tpu.memref_squeeze %dma_wait3A_180 : memref<1x4x64x64xf32, #tpu.memory_space<vmem>> -> memref<4x64x64xf32, #tpu.memory_space<vmem>>
          tpu.wait_dma2 semaphore(%run_scoped3A_151 : memref<!tpu.dma_semaphore, #tpu.memory_space<semaphore_mem>>) src(%dma_wait3A_181 : memref<4x64x64xf32, #tpu.memory_space<vmem>>) dst(%dma_wait3A_176 : memref<4x64x64xf32, #tpu.memory_space<hbm>>)
          tpu.yield
        }) : () -> ()
        %not3A_139 = arith.constant true
        %not3A_140 = arith.xori %eq3A, %not3A_139 : i1
        %convert_element_type3A_141 = arith.extui %not3A_140 : i1 to i32
        %cond3A_142 = arith.constant 0 : i32
        %cond3A_143 = arith.cmpi ne, %convert_element_type3A_141, %cond3A_142 : i32
        scf.if %cond3A_143 {
          %run_scoped3A_151 = arith.constant 1 : i32
          %run_scoped3A_152 = arith.constant 3 : i32
          "tpu.region"() ({
            %run_scoped3A_153 = tpu.sem_alloc : memref<!tpu.dma_semaphore, #tpu.memory_space<semaphore_mem>>
            %dma_start3A = arith.constant 0 : i32
            %dma_start3A_154 = arith.constant 0 : i32
            %dma_start3A_155 = arith.constant 0 : i32
            %dma_start3A_156 = tpu.memref_slice %arg8[%run_scoped3A_151, %dma_start3A, %dma_start3A_154, %dma_start3A_155] : memref<2x4x64x64xf32, #tpu.memory_space<vmem>> -> memref<1x4x64x64xf32, #tpu.memory_space<vmem>>
            %dma_start3A_157 = tpu.memref_squeeze %dma_start3A_156 : memref<1x4x64x64xf32, #tpu.memory_space<vmem>> -> memref<4x64x64xf32, #tpu.memory_space<vmem>>
            %dma_start3A_158 = arith.constant 0 : i32
            %dma_start3A_159 = tpu.memref_slice %arg5[%run_scoped3A_152, %and3A_15, %dma_start3A_158, %mul3A_62, %mul3A_60] : memref<4x4x4x512x512xf32, #tpu.memory_space<hbm>> -> memref<1x1x4x64x64xf32, #tpu.memory_space<hbm>>
            %dma_start3A_160 = tpu.memref_squeeze %dma_start3A_159 : memref<1x1x4x64x64xf32, #tpu.memory_space<hbm>> -> memref<4x64x64xf32, #tpu.memory_space<hbm>>
            %dma_start3A_161 = arith.constant 0 : i32
            %dma_start3A_162 = tpu.memref_slice %arg5[%run_scoped3A_152, %and3A_15, %dma_start3A_161, %mul3A_62, %mul3A_60] : memref<4x4x4x512x512xf32, #tpu.memory_space<hbm>> -> memref<1x1x4x64x64xf32, #tpu.memory_space<hbm>>
            %dma_start3A_163 = tpu.memref_squeeze %dma_start3A_162 : memref<1x1x4x64x64xf32, #tpu.memory_space<hbm>> -> memref<4x64x64xf32, #tpu.memory_space<hbm>>
            %dma_start3A_164 = arith.constant 0 : i32
            %dma_start3A_165 = arith.constant 0 : i32
            %dma_start3A_166 = arith.constant 0 : i32
            %dma_start3A_167 = tpu.memref_slice %arg8[%run_scoped3A_151, %dma_start3A_164, %dma_start3A_165, %dma_start3A_166] : memref<2x4x64x64xf32, #tpu.memory_space<vmem>> -> memref<1x4x64x64xf32, #tpu.memory_space<vmem>>
            %dma_start3A_168 = tpu.memref_squeeze %dma_start3A_167 : memref<1x4x64x64xf32, #tpu.memory_space<vmem>> -> memref<4x64x64xf32, #tpu.memory_space<vmem>>
            tpu.enqueue_dma source(%dma_start3A_168 : memref<4x64x64xf32, #tpu.memory_space<vmem>>) target(%dma_start3A_163 : memref<4x64x64xf32, #tpu.memory_space<hbm>>) target_semaphore(%run_scoped3A_153 : memref<!tpu.dma_semaphore, #tpu.memory_space<semaphore_mem>>)
            %dma_wait3A = arith.constant 0 : i32
            %dma_wait3A_169 = arith.constant 0 : i32
            %dma_wait3A_170 = arith.constant 0 : i32
            %dma_wait3A_171 = tpu.memref_slice %arg8[%run_scoped3A_151, %dma_wait3A, %dma_wait3A_169, %dma_wait3A_170] : memref<2x4x64x64xf32, #tpu.memory_space<vmem>> -> memref<1x4x64x64xf32, #tpu.memory_space<vmem>>
            %dma_wait3A_172 = tpu.memref_squeeze %dma_wait3A_171 : memref<1x4x64x64xf32, #tpu.memory_space<vmem>> -> memref<4x64x64xf32, #tpu.memory_space<vmem>>
            %dma_wait3A_173 = arith.constant 0 : i32
            %dma_wait3A_174 = tpu.memref_slice %arg5[%run_scoped3A_152, %and3A_15, %dma_wait3A_173, %mul3A_62, %mul3A_60] : memref<4x4x4x512x512xf32, #tpu.memory_space<hbm>> -> memref<1x1x4x64x64xf32, #tpu.memory_space<hbm>>
            %dma_wait3A_175 = tpu.memref_squeeze %dma_wait3A_174 : memref<1x1x4x64x64xf32, #tpu.memory_space<hbm>> -> memref<4x64x64xf32, #tpu.memory_space<hbm>>
            %dma_wait3A_176 = arith.constant 0 : i32
            %dma_wait3A_177 = tpu.memref_slice %arg5[%run_scoped3A_152, %and3A_15, %dma_wait3A_176, %mul3A_62, %mul3A_60] : memref<4x4x4x512x512xf32, #tpu.memory_space<hbm>> -> memref<1x1x4x64x64xf32, #tpu.memory_space<hbm>>
            %dma_wait3A_178 = tpu.memref_squeeze %dma_wait3A_177 : memref<1x1x4x64x64xf32, #tpu.memory_space<hbm>> -> memref<4x64x64xf32, #tpu.memory_space<hbm>>
            %dma_wait3A_179 = arith.constant 0 : i32
            %dma_wait3A_180 = arith.constant 0 : i32
            %dma_wait3A_181 = arith.constant 0 : i32
            %dma_wait3A_182 = tpu.memref_slice %arg8[%run_scoped3A_151, %dma_wait3A_179, %dma_wait3A_180, %dma_wait3A_181] : memref<2x4x64x64xf32, #tpu.memory_space<vmem>> -> memref<1x4x64x64xf32, #tpu.memory_space<vmem>>
            %dma_wait3A_183 = tpu.memref_squeeze %dma_wait3A_182 : memref<1x4x64x64xf32, #tpu.memory_space<vmem>> -> memref<4x64x64xf32, #tpu.memory_space<vmem>>
            tpu.wait_dma2 semaphore(%run_scoped3A_153 : memref<!tpu.dma_semaphore, #tpu.memory_space<semaphore_mem>>) src(%dma_wait3A_183 : memref<4x64x64xf32, #tpu.memory_space<vmem>>) dst(%dma_wait3A_178 : memref<4x64x64xf32, #tpu.memory_space<hbm>>)
            tpu.yield
          }) : () -> ()
        } else {
        }
        %run_scoped3A_144 = arith.constant 0 : i32
        %run_scoped3A_145 = arith.constant 3 : i32
        "tpu.region"() ({
          %run_scoped3A_151 = tpu.sem_alloc : memref<!tpu.dma_semaphore, #tpu.memory_space<semaphore_mem>>
          %dma_start3A = arith.constant 0 : i32
          %dma_start3A_152 = arith.constant 0 : i32
          %dma_start3A_153 = arith.constant 0 : i32
          %dma_start3A_154 = tpu.memref_slice %arg7[%run_scoped3A_144, %dma_start3A, %dma_start3A_152, %dma_start3A_153] : memref<2x4x64x65xf32, #tpu.memory_space<vmem>> -> memref<1x4x64x64xf32, #tpu.memory_space<vmem>>
          %dma_start3A_155 = tpu.memref_squeeze %dma_start3A_154 : memref<1x4x64x64xf32, #tpu.memory_space<vmem>> -> memref<4x64x64xf32, #tpu.memory_space<vmem>>
          %dma_start3A_156 = arith.constant 0 : i32
          %dma_start3A_157 = tpu.memref_slice %arg4[%run_scoped3A_145, %and3A_15, %dma_start3A_156, %mul3A_60, %mul3A_62] : memref<4x4x4x512x512xf32, #tpu.memory_space<hbm>> -> memref<1x1x4x64x64xf32, #tpu.memory_space<hbm>>
          %dma_start3A_158 = tpu.memref_squeeze %dma_start3A_157 : memref<1x1x4x64x64xf32, #tpu.memory_space<hbm>> -> memref<4x64x64xf32, #tpu.memory_space<hbm>>
          %dma_start3A_159 = arith.constant 0 : i32
          %dma_start3A_160 = tpu.memref_slice %arg4[%run_scoped3A_145, %and3A_15, %dma_start3A_159, %mul3A_60, %mul3A_62] : memref<4x4x4x512x512xf32, #tpu.memory_space<hbm>> -> memref<1x1x4x64x64xf32, #tpu.memory_space<hbm>>
          %dma_start3A_161 = tpu.memref_squeeze %dma_start3A_160 : memref<1x1x4x64x64xf32, #tpu.memory_space<hbm>> -> memref<4x64x64xf32, #tpu.memory_space<hbm>>
          %dma_start3A_162 = arith.constant 0 : i32
          %dma_start3A_163 = arith.constant 0 : i32
          %dma_start3A_164 = arith.constant 0 : i32
          %dma_start3A_165 = tpu.memref_slice %arg7[%run_scoped3A_144, %dma_start3A_162, %dma_start3A_163, %dma_start3A_164] : memref<2x4x64x65xf32, #tpu.memory_space<vmem>> -> memref<1x4x64x64xf32, #tpu.memory_space<vmem>>
          %dma_start3A_166 = tpu.memref_squeeze %dma_start3A_165 : memref<1x4x64x64xf32, #tpu.memory_space<vmem>> -> memref<4x64x64xf32, #tpu.memory_space<vmem>>
          tpu.enqueue_dma source(%dma_start3A_166 : memref<4x64x64xf32, #tpu.memory_space<vmem>>) target(%dma_start3A_161 : memref<4x64x64xf32, #tpu.memory_space<hbm>>) target_semaphore(%run_scoped3A_151 : memref<!tpu.dma_semaphore, #tpu.memory_space<semaphore_mem>>)
          %dma_wait3A = arith.constant 0 : i32
          %dma_wait3A_167 = arith.constant 0 : i32
          %dma_wait3A_168 = arith.constant 0 : i32
          %dma_wait3A_169 = tpu.memref_slice %arg7[%run_scoped3A_144, %dma_wait3A, %dma_wait3A_167, %dma_wait3A_168] : memref<2x4x64x65xf32, #tpu.memory_space<vmem>> -> memref<1x4x64x64xf32, #tpu.memory_space<vmem>>
          %dma_wait3A_170 = tpu.memref_squeeze %dma_wait3A_169 : memref<1x4x64x64xf32, #tpu.memory_space<vmem>> -> memref<4x64x64xf32, #tpu.memory_space<vmem>>
          %dma_wait3A_171 = arith.constant 0 : i32
          %dma_wait3A_172 = tpu.memref_slice %arg4[%run_scoped3A_145, %and3A_15, %dma_wait3A_171, %mul3A_60, %mul3A_62] : memref<4x4x4x512x512xf32, #tpu.memory_space<hbm>> -> memref<1x1x4x64x64xf32, #tpu.memory_space<hbm>>
          %dma_wait3A_173 = tpu.memref_squeeze %dma_wait3A_172 : memref<1x1x4x64x64xf32, #tpu.memory_space<hbm>> -> memref<4x64x64xf32, #tpu.memory_space<hbm>>
          %dma_wait3A_174 = arith.constant 0 : i32
          %dma_wait3A_175 = tpu.memref_slice %arg4[%run_scoped3A_145, %and3A_15, %dma_wait3A_174, %mul3A_60, %mul3A_62] : memref<4x4x4x512x512xf32, #tpu.memory_space<hbm>> -> memref<1x1x4x64x64xf32, #tpu.memory_space<hbm>>
          %dma_wait3A_176 = tpu.memref_squeeze %dma_wait3A_175 : memref<1x1x4x64x64xf32, #tpu.memory_space<hbm>> -> memref<4x64x64xf32, #tpu.memory_space<hbm>>
          %dma_wait3A_177 = arith.constant 0 : i32
          %dma_wait3A_178 = arith.constant 0 : i32
          %dma_wait3A_179 = arith.constant 0 : i32
          %dma_wait3A_180 = tpu.memref_slice %arg7[%run_scoped3A_144, %dma_wait3A_177, %dma_wait3A_178, %dma_wait3A_179] : memref<2x4x64x65xf32, #tpu.memory_space<vmem>> -> memref<1x4x64x64xf32, #tpu.memory_space<vmem>>
          %dma_wait3A_181 = tpu.memref_squeeze %dma_wait3A_180 : memref<1x4x64x64xf32, #tpu.memory_space<vmem>> -> memref<4x64x64xf32, #tpu.memory_space<vmem>>
          tpu.wait_dma2 semaphore(%run_scoped3A_151 : memref<!tpu.dma_semaphore, #tpu.memory_space<semaphore_mem>>) src(%dma_wait3A_181 : memref<4x64x64xf32, #tpu.memory_space<vmem>>) dst(%dma_wait3A_176 : memref<4x64x64xf32, #tpu.memory_space<hbm>>)
          tpu.yield
        }) : () -> ()
        %not3A_146 = arith.constant true
        %not3A_147 = arith.xori %eq3A, %not3A_146 : i1
        %convert_element_type3A_148 = arith.extui %not3A_147 : i1 to i32
        %cond3A_149 = arith.constant 0 : i32
        %cond3A_150 = arith.cmpi ne, %convert_element_type3A_148, %cond3A_149 : i32
        scf.if %cond3A_150 {
          %run_scoped3A_151 = arith.constant 1 : i32
          %run_scoped3A_152 = arith.constant 3 : i32
          "tpu.region"() ({
            %run_scoped3A_153 = tpu.sem_alloc : memref<!tpu.dma_semaphore, #tpu.memory_space<semaphore_mem>>
            %dma_start3A = arith.constant 0 : i32
            %dma_start3A_154 = arith.constant 0 : i32
            %dma_start3A_155 = arith.constant 0 : i32
            %dma_start3A_156 = tpu.memref_slice %arg7[%run_scoped3A_151, %dma_start3A, %dma_start3A_154, %dma_start3A_155] : memref<2x4x64x65xf32, #tpu.memory_space<vmem>> -> memref<1x4x64x64xf32, #tpu.memory_space<vmem>>
            %dma_start3A_157 = tpu.memref_squeeze %dma_start3A_156 : memref<1x4x64x64xf32, #tpu.memory_space<vmem>> -> memref<4x64x64xf32, #tpu.memory_space<vmem>>
            %dma_start3A_158 = arith.constant 0 : i32
            %dma_start3A_159 = tpu.memref_slice %arg4[%run_scoped3A_152, %and3A_15, %dma_start3A_158, %mul3A_62, %mul3A_60] : memref<4x4x4x512x512xf32, #tpu.memory_space<hbm>> -> memref<1x1x4x64x64xf32, #tpu.memory_space<hbm>>
            %dma_start3A_160 = tpu.memref_squeeze %dma_start3A_159 : memref<1x1x4x64x64xf32, #tpu.memory_space<hbm>> -> memref<4x64x64xf32, #tpu.memory_space<hbm>>
            %dma_start3A_161 = arith.constant 0 : i32
            %dma_start3A_162 = tpu.memref_slice %arg4[%run_scoped3A_152, %and3A_15, %dma_start3A_161, %mul3A_62, %mul3A_60] : memref<4x4x4x512x512xf32, #tpu.memory_space<hbm>> -> memref<1x1x4x64x64xf32, #tpu.memory_space<hbm>>
            %dma_start3A_163 = tpu.memref_squeeze %dma_start3A_162 : memref<1x1x4x64x64xf32, #tpu.memory_space<hbm>> -> memref<4x64x64xf32, #tpu.memory_space<hbm>>
            %dma_start3A_164 = arith.constant 0 : i32
            %dma_start3A_165 = arith.constant 0 : i32
            %dma_start3A_166 = arith.constant 0 : i32
            %dma_start3A_167 = tpu.memref_slice %arg7[%run_scoped3A_151, %dma_start3A_164, %dma_start3A_165, %dma_start3A_166] : memref<2x4x64x65xf32, #tpu.memory_space<vmem>> -> memref<1x4x64x64xf32, #tpu.memory_space<vmem>>
            %dma_start3A_168 = tpu.memref_squeeze %dma_start3A_167 : memref<1x4x64x64xf32, #tpu.memory_space<vmem>> -> memref<4x64x64xf32, #tpu.memory_space<vmem>>
            tpu.enqueue_dma source(%dma_start3A_168 : memref<4x64x64xf32, #tpu.memory_space<vmem>>) target(%dma_start3A_163 : memref<4x64x64xf32, #tpu.memory_space<hbm>>) target_semaphore(%run_scoped3A_153 : memref<!tpu.dma_semaphore, #tpu.memory_space<semaphore_mem>>)
            %dma_wait3A = arith.constant 0 : i32
            %dma_wait3A_169 = arith.constant 0 : i32
            %dma_wait3A_170 = arith.constant 0 : i32
            %dma_wait3A_171 = tpu.memref_slice %arg7[%run_scoped3A_151, %dma_wait3A, %dma_wait3A_169, %dma_wait3A_170] : memref<2x4x64x65xf32, #tpu.memory_space<vmem>> -> memref<1x4x64x64xf32, #tpu.memory_space<vmem>>
            %dma_wait3A_172 = tpu.memref_squeeze %dma_wait3A_171 : memref<1x4x64x64xf32, #tpu.memory_space<vmem>> -> memref<4x64x64xf32, #tpu.memory_space<vmem>>
            %dma_wait3A_173 = arith.constant 0 : i32
            %dma_wait3A_174 = tpu.memref_slice %arg4[%run_scoped3A_152, %and3A_15, %dma_wait3A_173, %mul3A_62, %mul3A_60] : memref<4x4x4x512x512xf32, #tpu.memory_space<hbm>> -> memref<1x1x4x64x64xf32, #tpu.memory_space<hbm>>
            %dma_wait3A_175 = tpu.memref_squeeze %dma_wait3A_174 : memref<1x1x4x64x64xf32, #tpu.memory_space<hbm>> -> memref<4x64x64xf32, #tpu.memory_space<hbm>>
            %dma_wait3A_176 = arith.constant 0 : i32
            %dma_wait3A_177 = tpu.memref_slice %arg4[%run_scoped3A_152, %and3A_15, %dma_wait3A_176, %mul3A_62, %mul3A_60] : memref<4x4x4x512x512xf32, #tpu.memory_space<hbm>> -> memref<1x1x4x64x64xf32, #tpu.memory_space<hbm>>
            %dma_wait3A_178 = tpu.memref_squeeze %dma_wait3A_177 : memref<1x1x4x64x64xf32, #tpu.memory_space<hbm>> -> memref<4x64x64xf32, #tpu.memory_space<hbm>>
            %dma_wait3A_179 = arith.constant 0 : i32
            %dma_wait3A_180 = arith.constant 0 : i32
            %dma_wait3A_181 = arith.constant 0 : i32
            %dma_wait3A_182 = tpu.memref_slice %arg7[%run_scoped3A_151, %dma_wait3A_179, %dma_wait3A_180, %dma_wait3A_181] : memref<2x4x64x65xf32, #tpu.memory_space<vmem>> -> memref<1x4x64x64xf32, #tpu.memory_space<vmem>>
            %dma_wait3A_183 = tpu.memref_squeeze %dma_wait3A_182 : memref<1x4x64x64xf32, #tpu.memory_space<vmem>> -> memref<4x64x64xf32, #tpu.memory_space<vmem>>
            tpu.wait_dma2 semaphore(%run_scoped3A_153 : memref<!tpu.dma_semaphore, #tpu.memory_space<semaphore_mem>>) src(%dma_wait3A_183 : memref<4x64x64xf32, #tpu.memory_space<vmem>>) dst(%dma_wait3A_178 : memref<4x64x64xf32, #tpu.memory_space<hbm>>)
            tpu.yield
          }) : () -> ()
        } else {
        }
      } else {
      }
      %scan3A_14 = arith.constant 0 : i32
      scf.yield %scan3A_14 : i32
    }
    %scan3A_6 = arith.constant 5 : i32
    return
  }
}

</mosaic_0001>

<sc_bundles>
// kernel: kernel.3.cloned.1.call-start
scs
__scs_entry_jumppad:
0x0: {  	(pc) =	sbr.rel $0x88, $3  }
0x1: {  	(tag) =	ssettag $0x0;
	lr =	simm.s32 $0x1  }
0x2: {  	[smem:$0x3F9F] =	sst lr;
	_ =	strace $0xD0000000  }
0x3: {  	_ = 	snop  }
0x4: {  	_ = 	snop  }
0x5: {  	_ = 	snop  }
0x6: {  	_ = 	snop  }
0x7: {  	_ = 	snop  }
__scs_overlays_trampoline_lowered:
0x8: {  	[smem:$0x3FAE] =	sst s0  }
0x9: {  	[smem:$0x3FAF] =	sst s1  }
0xa: {  	[smem:$0x3FB0] =	sst s2  }
0xb: {  	[smem:$0x3FB1] =	sst s3  }
0xc: {  	[smem:$0x3FB2] =	sst s4  }
0xd: {  	[smem:$0x3FB3] =	sst s5  }
0xe: {  	[smem:$0x3FB4] =	sst s6  }
0xf: {  	[smem:$0x3FB5] =	sst s7  }
0x10: {  	[smem:$0x3FB6] =	sst s8  }
0x11: {  	[smem:$0x3FB7] =	sst s9;
	s0 =	simm.s32 @!p0 $0x0  }
0x12: {  	s1 =	sld [smem:$0x3F9D];
	s0 =	simm.s32 @p0 $0x1  }
0x13: {  	[smem:$0x3FB8] =	sst s0;
	s0 =	simm.s32 @!p1 $0x0  }
0x14: {  	s2 =	sld [smem:$0x3F9C];
	s0 =	simm.s32 @p1 $0x1  }
0x15: {  	[smem:$0x3FB9] =	sst s0;
	s0 =	simm.s32 @!p2 $0x0  }
0x16: {  	s3 =	sld [smem:$0x3FDB];
	s0 =	simm.s32 @p2 $0x1  }
0x17: {  	s4 =	simm.s32 $0x1BF5;
	[smem:$0x3FBB] =	sst s0  }
0x18: {  	s0 =	sld [smem:$0x3F9E];
	_ =	swait.ge [sflag:s4], $0x0  }
0x19: {  	s7 =	sld [smem:$0x3F9F]  }
0x1a: {  	s8 =	sadd.s32 $0xFFFFE003, lr  }
0x1b: {  	s9 =	sadd.s32 $0xFFFFFEF7, lr;
	s5 =	simm.s32 $0xFFFFFFFF;
	p2 =	slt.u32 s8, $0xFFFFF086  }
0x1c: {  	p1 =	slt.u32 s9, $0xF7A;
	s5 =	simm.s32 @!p2 $0x0  }
0x1d: {  	s5 =	simm.s32 @p1 $0x1;
	p0 =	seq.s32 s7, s2  }
0x1e: {  	s7 =	smul.u32 @!p0 $0xF7A, s2;
	p2 =	seq.s32 @!p0 s5, $0x0  }
0x1f: {  	s9 =	smul.u32 $0xF7A, s1;
	s8 =	simm.s32 @!p0 $0x1BF5;
	p2 =	por !p2, p0  }
0x20: {  	[sflag:s8] =	ssyncset.s32 @!p0 $0xFFFFF086;
	s6 =	sadd.s32 @!p0 s3, s7;
	s7 =	simm.s32 @!p0 $0x108  }
0x21: {  	s3 =	sadd.s32 s3, s9;
	s6 =	sadd.s32 @!p0 $0x88, s6;
	s7 =	simm.s32 @p2 $0x1082  }
0x22: {  	[simem:s7], [sflag:s8] =	dma.local @!p0 [hbm:s6], $0xF7A  }
0x23: {  	s9 =	sor.u32 $0xD0000000, s2;
	s6 =	simm.s32 $0x108;
	_ =	swait.ge @!p0 [sflag:s8], $0x0  }
0x24: {  	s3 =	sadd.s32 $0x88, s3;
	s6 =	simm.s32 @!p1 $0x1082;
	[sflag:s4] =	ssyncset.s32 $0xFFFFF086  }
0x25: {  	[simem:s6], [sflag:s4] =	dma.local [hbm:s3], $0xF7A  }
0x26: {  	[smem:$0x3F9F] =	sst s1;
	(tag) =	ssettag s2;
	_ =	strace s9  }
0x27: {  	s1 =	sld [smem:$0x3FAF]  }
0x28: {  	s2 =	sld [smem:$0x3FB0]  }
0x29: {  	s4 =	sld [smem:$0x3FB2]  }
0x2a: {  	p0 =	seq.s32 s5, $0x0;
	s5 =	sld [smem:$0x3FB3]  }
0x2b: {  	s6 =	sld [smem:$0x3FB4]  }
0x2c: {  	s7 =	sld [smem:$0x3FB5]  }
0x2d: {  	s3 =	simm.s32 $0x108;
	s8 =	sld [smem:$0x3FB6]  }
0x2e: {  	s3 =	simm.s32 @!p0 $0x1082;
	s9 =	sld [smem:$0x3FB7]  }
0x2f: {  	lr =	sadd.s32 s0, s3;
	s0 =	sld [smem:$0x3FAE]  }
0x30: {  	s3 =	sld [smem:$0x3FB1]  }
0x31: {  	[smem:$0x3FBA] =	sst s10  }
0x32: {  	s10 =	sld [smem:$0x3FB8];
	_ =	sdelay $0x3  }
0x33: {  	p0 =	seq.s32 s10, $0x1;
	s10 =	sld [smem:$0x3FBA];
	_ =	sdelay $0x3  }
0x34: {  	[smem:$0x3FBA] =	sst s10  }
0x35: {  	s10 =	sld [smem:$0x3FB9];
	_ =	sdelay $0x3  }
0x36: {  	p1 =	seq.s32 s10, $0x1;
	s10 =	sld [smem:$0x3FBA];
	_ =	sdelay $0x3  }
0x37: {  	[smem:$0x3FBA] =	sst s10  }
0x38: {  	s10 =	sld [smem:$0x3FBB]  }
0x39: {  	_ = 	snop;
	(pc) =	sbr.ind lr, $3  }
0x3a: {  	_ = 	snop  }
0x3b: {  	_ = 	snop  }
0x3c: {  	p2 =	seq.s32 s10, $0x1;
	s10 =	sld [smem:$0x3FBA]  }
0x3d: {  	_ =	shalt  }
0x3e: {  	_ =	shalt  }
0x3f: {  	_ =	shalt  }
0x40: {  	_ =	shalt  }
0x41: {  	_ =	shalt  }
0x42: {  	_ =	shalt  }
0x43: {  	_ =	shalt  }
0x44: {  	_ =	shalt  }
0x45: {  	_ =	shalt  }
0x46: {  	_ =	shalt  }
0x47: {  	_ =	shalt  }
0x48: {  	_ =	shalt  }
0x49: {  	_ =	shalt  }
0x4a: {  	_ =	shalt  }
0x4b: {  	_ =	shalt  }
0x4c: {  	_ =	shalt  }
0x4d: {  	_ =	shalt  }
0x4e: {  	_ =	shalt  }
0x4f: {  	_ =	shalt  }
0x50: {  	_ =	shalt  }
0x51: {  	_ =	shalt  }
0x52: {  	_ =	shalt  }
0x53: {  	_ =	shalt  }
0x54: {  	_ =	shalt  }
0x55: {  	_ =	shalt  }
0x56: {  	_ =	shalt  }
0x57: {  	_ =	shalt  }
0x58: {  	_ =	shalt  }
0x59: {  	_ =	shalt  }
0x5a: {  	_ =	shalt  }
0x5b: {  	_ =	shalt  }
0x5c: {  	_ =	shalt  }
0x5d: {  	_ =	shalt  }
0x5e: {  	_ =	shalt  }
0x5f: {  	_ =	shalt  }
0x60: {  	_ =	shalt  }
0x61: {  	_ =	shalt  }
0x62: {  	_ =	shalt  }
0x63: {  	_ =	shalt  }
0x64: {  	_ =	shalt  }
0x65: {  	_ =	shalt  }
0x66: {  	_ =	shalt  }
0x67: {  	_ =	shalt  }
0x68: {  	_ =	shalt  }
0x69: {  	_ =	shalt  }
0x6a: {  	_ =	shalt  }
0x6b: {  	_ =	shalt  }
0x6c: {  	_ =	shalt  }
0x6d: {  	_ =	shalt  }
0x6e: {  	_ =	shalt  }
0x6f: {  	_ =	shalt  }
0x70: {  	_ =	shalt  }
0x71: {  	_ =	shalt  }
0x72: {  	_ =	shalt  }
0x73: {  	_ =	shalt  }
0x74: {  	_ =	shalt  }
0x75: {  	_ =	shalt  }
0x76: {  	_ =	shalt  }
0x77: {  	_ =	shalt  }
0x78: {  	_ =	shalt  }
0x79: {  	_ =	shalt  }
0x7a: {  	_ =	shalt  }
0x7b: {  	_ =	shalt  }
0x7c: {  	_ =	shalt  }
0x7d: {  	_ =	shalt  }
0x7e: {  	_ =	shalt  }
0x7f: {  	_ =	shalt  }
0x80: {  	_ =	shalt  }
0x81: {  	_ =	shalt  }
0x82: {  	_ =	shalt  }
0x83: {  	_ =	shalt  }
0x84: {  	_ =	shalt  }
0x85: {  	_ =	shalt  }
0x86: {  	_ =	shalt  }
0x87: {  	_ =	shalt  }
.Lfunc_end0:
.L_simem_size_0:
called_computation.1_lowered:
.L_overlay_start_0:
0x88: {  	s2 =	sld [smem:$0x3FD9]  }
0x89: {  	s3 =	sld [smem:$0x3FFE];
	_ =	sdelay $0x1  }
0x8a: {  	s1 =	srdreg.scid  }
0x8b: {  	s0 =	sand.u32 $0x1, s1  }
0x8c: {  	s14 =	sshll.u32 s0, $0xA;
	s2 =	sadd.s32 s3, s2  }
0x8d: {  	s2 =	sadd.s32 s2, s14  }
0x8e: {  	[smem:$0x3FC6] =	sst s2  }
0x8f: {  	_ = 	snop  }
0x90: {  	s2 =	sld [smem:$0x3FD0];
	_ =	sdelay $0x2  }
0x91: {  	s15 =	simm.s32 $0xA;
	s4 =	simm.s32 $0x10  }
0x92: {  	[smem:s4], [sflag:s15] =	dma.local [hbm:s2], $0x1  }
0x93: {  	_ =	swait.eq [sflag:s15], $0x1  }
0x94: {  	[sflag:s15] =	ssyncset.done $0x0  }
0x95: {  	s16 =	sld [smem:$0x10];
	[sflag:s15] =	ssyncadd.s32 $0xFFFFFFFF  }
0x96: {  	s17 =	sld [smem:$0x11];
	(tm) =	ssettm $0x1  }
0x97: {  	s18 =	sld [smem:$0x3FFB];
	_ =	sdelay $0x3  }
0x98: {  	_ =	strace s18  }
0x99: {  	s4 =	sld [smem:$0x3FFC];
	_ =	sdelay $0x3  }
0x9a: {  	_ =	strace s4  }
0x9b: {  	s4 =	sld [smem:$0x3FFD];
	_ =	sdelay $0x3  }
0x9c: {  	_ =	strace s4  }
0x9d: {  	_ =	strace $0x8FFFFFFF  }
0x9e: {  	s19 =	sld [smem:$0x3FDB];
	_ =	sdelay $0x1  }
0x9f: {  	s5 =	simm.s32 $_scs_section_size  }
0xa0: {  	s6 =	simm.s32 $_size__tile_overlayer_lowered;
	s7 =	simm.s32 $_tile_overlayer_lowered  }
0xa1: {  	s22 =	simm.s32 $0x1BFF;
	s21 =	sshll.u32 s7, $0x1;
	s4 =	sadd.s32 s5, s19  }
0xa2: {  	s8 =	simm.s32 $0x0;
	s20 =	sshll.u32 s6, $0x1;
	s6 =	sadd.s32 s21, s4  }
0xa3: {  	[timem:s8], [sflag:s22] =	dma.local [hbm:s6], s20  }
0xa4: {  	_ =	swait.ge [sflag:s22], s20  }
0xa5: {  	s5 =	ssub.s32 $0x0, s20;
	[sflag:s22] =	ssyncset.done $0x0  }
0xa6: {  	[sflag:s22] =	ssyncadd.s32 s5;
	_ =	sdelay $0x1  }
0xa7: {  	s23 =	simm.s32 $0x1B8B  }
0xa8: {  	_ =	swait.ge [sflag:s23], $0x1  }
0xa9: {  	[sflag:s23] =	ssyncset.done $0x0  }
0xaa: {  	s25 =	simm.s32 $0x1B8E;
	s24 =	sld [smem:$0x3FFE];
	[sflag:s23] =	ssyncadd.s32 $0xFFFFFFFF  }
0xab: {  	s26 =	simm.s32 $execute0_lowered;
	[smem:$0x3FD2] =	sst s25  }
0xac: {  	s6 =	sshll.u32 s26, $0x1;
	_ =	strace $0x80000049;
	[dreg:$0x1] =	wrdreg $0xFFFFFFFF  }
0xad: {  	s28 =	simm.s32 $_size_execute0_lowered;
	s4 =	sadd.s32 s4, s6;
	[dreg:$0x0] =	wrdreg $0x0  }
0xae: {  	s6 =	sshll.u32 s28, $0x1;
	[dreg:$0x2] =	wrdreg s4  }
0xaf: {  	[dreg:$0x3] =	wrdreg s6  }
0xb0: {  	[dreg:$0x4] =	wrdreg $0xC0  }
0xb1: {  	_ =	task [dreg:s8], $0x5FFFF  }
0xb2: {  	[dreg:$0x1] =	wrdreg $0xFFFFFFFF  }
0xb3: {  	[dreg:$0x0] =	wrdreg $0x60  }
0xb4: {  	[dreg:$0x2] =	wrdreg s16  }
0xb5: {  	[dreg:$0x3] =	wrdreg s24  }
0xb6: {  	[dreg:$0x4] =	wrdreg s17  }
0xb7: {  	[dreg:$0x5] =	wrdreg $0x9  }
0xb8: {  	_ =	task.clear_ibuf [dreg:s8], $0x6FFFF;
	_ =	strace $0x90000049  }
0xb9: {  	s29 =	simm.s32 $0x9;
	_ =	strace $0x8000004B  }
0xba: {  	_ =	swait.ge [sflag:s29], $0x1  }
0xbb: {  	[sflag:s29] =	ssyncadd.s32 $0xFFFFFFFF  }
0xbc: {  	_ =	strace $0x9000004B  }
0xbd: {  	_ =	sfence  }
0xbe: {  	s30 =	sld [smem:$0x0];
	_ =	sdelay $0x2  }
0xbf: {  	s31 =	sshll.u32 s1, $0xD;
	s1 =	sshrl.u32 s1, $0x2  }
0xc0: {  	s3 =	sand.u32 $0x4000, s31;
	s1 =	sadd.s32 s1, s30  }
0xc1: {  	s0 =	sor.u32 s3, s0;
	s1 =	sshll.u32 s1, $0x11  }
0xc2: {  	s0 =	sor.u32 s1, s0  }
0xc3: {  	s0 =	sadd.s32 $0x8F2B, s0  }
0xc4: {  	[sflag:s0] =	ssyncadd.remote.s32 $0x1  }
0xc5: {  	_ =	sfence.sel $0xFFFF  }
0xc6: {  	[dreg:$0x0] =	wrdreg $0xFFFFFFFF;
	(pc) =	sbr.abs _section_cstart, $3  }
0xc7: {  	[dreg:$0x1] =	wrdreg $0xFFFFFFFF  }
0xc8: {  	_ =	task.clear_ibuf [dreg:s8], $0x2FFFF;
	_ =	strace $0x9FFFFFFF  }
0xc9: {  	(tm) =	ssettm $0x7FFFFFFF  }
tec
execute0_lowered:
.L_overlay_start_1:
0x0: {  	(tag) =	ssettag $0x1  }
0x1: {  	s1 =	rddreg [dreg:$0x0]  }
0x2: {  	s0 =	rddreg [dreg:$0x1]  }
0x3: {  	s3 =	rddreg [dreg:$0x2]  }
0x4: {  	s2 =	srdreg.scid;
	s5 =	stileid.u32;
	s4 =	simm.s32 $0x0  }
0x5: {  	s14 =	simm.s32 $0x2;
	s15 =	simm.s32 $0x40;
	s16 =	simm.s32 $0x200  }
0x6: {  	s17 =	simm.s32 $0x1000;
	s18 =	simm.s32 $0x2000;
	s19 =	simm.s32 $0x3000  }
0x7: {  	s20 =	simm.s32 $0x11000;
	s21 =	simm.s32 $0x12000;
	s22 =	simm.s32 $0x13000  }
0x8: {  	s23 =	simm.s32 $0x14000;
	s2 =	sand.u32 $0x1, s2;
	s5 =	sshll.u32 s5, $0x1  }
0x9: {  	[smem:$0x7FF] =	sst s4;
	s7 =	sadd.s32 $0xE00, s0;
	s8 =	sadd.s32 $0x80E00, s0  }
.Ltmp0:
0xa: {  	s5 =	sor.u32 s2, s5;
	s2 =	ssub.s32 $0x2, s2;
	(pc) =	sbr.rel .LBB2_1-.Ltmp0, $4  }
0xb: {  	_ =	strace $0x8000004A;
	s6 =	sshll.u32 s5, $0x14;
	s9 =	sshrl.u32 s2, $0x1  }
0xc: {  	[dreg:$0x4] =	wrdreg s7;
	s7 =	sand.u32 $0x300000, s6;
	s31 =	ssub.s32 s2, s9  }
0xd: {  	s2 =	simm.s32 $0x0;
	s9 =	sor.u32 $0x400000, s7;
	s0 =	smax.u32 s31, $0x1  }
0xe: {  	s10 =	sor.u32 $0x800000, s7;
	s11 =	sor.u32 $0xC00000, s7;
	[dreg:$0x5] =	wrdreg s0  }
.LBB2_94:
0xf: {  	s2 =	rddreg [dreg:$0x6]  }
0x10: {  	s0 =	rddreg [dreg:$0x5];
	s2 =	sadd.s32 $0x1, s2  }
0x11: {  	p0 =	sne.s32 s2, s0  }
.Ltmp1:
0x12: {  	_ = 	snop;
	(pc) =	sbr.rel @!p0 .LBB2_95-.Ltmp1, $1  }
0x13: {  	_ =	sdelay $0x3  }
.LBB2_1:
.Ltmp2:
0x14: {  	(pc) =	sbr.rel .LBB2_2-.Ltmp2, $2  }
0x15: {  	_ =	sdelay $0x2  }
0x16: {  	[dreg:$0x6] =	wrdreg s2;
	s25 =	simm.s32 $0x0  }
.LBB2_93:
0x17: {  	s25 =	sadd.s32 $0x1, s25  }
0x18: {  	p0 =	sne.s32 s25, $0x5  }
.Ltmp3:
0x19: {  	_ = 	snop;
	(pc) =	sbr.rel @!p0 .LBB2_94-.Ltmp3, $1  }
0x1a: {  	_ =	sdelay $0x3  }
.LBB2_2:
0x1b: {  	s0 =	sshll.u32 s25, $0x5  }
0x1c: {  	s0 =	sor.u32 s5, s0  }
0x1d: {  	p0 =	sgt.u32 s0, $0x8F  }
.Ltmp4:
0x1e: {  	_ = 	snop;
	(pc) =	sbr.rel @p0 .LBB2_93-.Ltmp4, $1  }
0x1f: {  	_ =	sdelay $0x3  }
0x20: {  	p0 =	sne.s32 s25, $0x0;
	s2 =	simm.s32 $0xFFFFFFF8  }
0x21: {  	s28 =	simm.s32 $0x1;
	p1 =	sgt.u32 s0, $0x3B;
	s2 =	simm.s32 @!p0 $0x0  }
0x22: {  	s28 =	simm.s32 @!p0 $0x0;
	p0 =	sgt.u32 s0, $0x53;
	s2 =	simm.s32 @p1 $0xFFFFFFF1  }
0x23: {  	s28 =	simm.s32 @p1 $0x2;
	p1 =	sgt.u32 s0, $0x67;
	s2 =	simm.s32 @p0 $0xFFFFFFEB  }
0x24: {  	s28 =	simm.s32 @p0 $0x3;
	p0 =	sgt.u32 s0, $0x77;
	s2 =	simm.s32 @p1 $0xFFFFFFE6  }
0x25: {  	s28 =	simm.s32 @p1 $0x4;
	p1 =	sgt.u32 s0, $0x83;
	s2 =	simm.s32 @p0 $0xFFFFFFE2  }
0x26: {  	s28 =	simm.s32 @p0 $0x5;
	p0 =	sgt.u32 s0, $0x8B;
	s2 =	simm.s32 @p1 $0xFFFFFFDF  }
0x27: {  	s6 =	sshrl.u32 s0, $0x2;
	s28 =	simm.s32 @p1 $0x6;
	s2 =	simm.s32 @p0 $0xFFFFFFDD  }
0x28: {  	s28 =	simm.s32 @p0 $0x7;
	s30 =	sadd.s32 s6, s2  }
0x29: {  	s12 =	sshll.u32 s28, $0xF;
	s26 =	sadd.s32 s28, s30  }
0x2a: {  	s0 =	sadd.s32 s7, s12;
	s13 =	sshll.u32 s26, $0x6  }
0x2b: {  	s29 =	sadd.s32 s13, s0  }
0x2c: {  	s24 =	rddreg [dreg:$0x4];
	s31 =	sshrl.u32 s29, $0x3  }
0x2d: {  	s2 =	simm.s32 $0x8000;
	s0 =	sadd.s32 s24, s31  }
0x2e: {  	s12 =	simm.s32 $0x40;
	s24 =	simm.s32 $0x8048;
	s13 =	sadd.s32 $0x0, s0  }
.LBB2_4:
0x2f: {  	[tilespmem:s2], [sflag:$0x2] =	stream.linear.gather [hbm4b:s13+s4], $0x40, $0x38;
	[tilespmem:$0x19000] =	vst v63  }
0x30: {  	s6 =	smov.u32 s12;
	s2 =	smov.u32 s24;
	p0 =	sne.s32 s12, $0xFC0  }
.Ltmp5:
0x31: {  	s12 =	sadd.s32 $0x40, s12;
	(pc) =	sbr.rel @p0 .LBB2_4-.Ltmp5, $2  }
0x32: {  	_ =	sdelay $0x2  }
0x33: {  	s24 =	sadd.s32 $0x48, s24;
	s13 =	sadd.s32 s6, s0  }
0x34: {  	[tilespmem:s2], [sflag:$0x2] =	stream.linear.gather [hbm4b:s13+s4], $0x40, $0x38;
	[tilespmem:$0x19000] =	vst v63  }
0x35: {  	s2 =	sadd.s32 $0x8000, s0;
	s12 =	simm.s32 $0x9200  }
0x36: {  	s24 =	simm.s32 $0x40;
	s13 =	simm.s32 $0x9248;
	s6 =	sadd.s32 $0x0, s2  }
.LBB2_6:
0x37: {  	[tilespmem:s12], [sflag:$0x2] =	stream.linear.gather [hbm4b:s6+s4], $0x40, $0x38;
	[tilespmem:$0x19000] =	vst v63  }
0x38: {  	s6 =	smov.u32 s24;
	s12 =	smov.u32 s13;
	p0 =	sne.s32 s24, $0xFC0  }
.Ltmp6:
0x39: {  	s24 =	sadd.s32 $0x40, s24;
	(pc) =	sbr.rel @p0 .LBB2_6-.Ltmp6, $2  }
0x3a: {  	_ =	sdelay $0x2  }
0x3b: {  	s13 =	sadd.s32 $0x48, s13;
	s6 =	sadd.s32 s6, s2  }
0x3c: {  	[tilespmem:s12], [sflag:$0x2] =	stream.linear.gather [hbm4b:s6+s4], $0x40, $0x38;
	[tilespmem:$0x19000] =	vst v63  }
0x3d: {  	s2 =	sadd.s32 $0x10000, s0;
	s12 =	simm.s32 $0xA400  }
0x3e: {  	s24 =	simm.s32 $0x40;
	s13 =	simm.s32 $0xA448;
	s6 =	sadd.s32 $0x0, s2  }
.LBB2_8:
0x3f: {  	[tilespmem:s12], [sflag:$0x2] =	stream.linear.gather [hbm4b:s6+s4], $0x40, $0x38;
	[tilespmem:$0x19000] =	vst v63  }
0x40: {  	s6 =	smov.u32 s24;
	s12 =	smov.u32 s13;
	p0 =	sne.s32 s24, $0xFC0  }
.Ltmp7:
0x41: {  	s24 =	sadd.s32 $0x40, s24;
	(pc) =	sbr.rel @p0 .LBB2_8-.Ltmp7, $2  }
0x42: {  	_ =	sdelay $0x2  }
0x43: {  	s13 =	sadd.s32 $0x48, s13;
	s6 =	sadd.s32 s6, s2  }
0x44: {  	[tilespmem:s12], [sflag:$0x2] =	stream.linear.gather [hbm4b:s6+s4], $0x40, $0x38;
	[tilespmem:$0x19000] =	vst v63  }
0x45: {  	s0 =	sadd.s32 $0x18000, s0;
	s2 =	simm.s32 $0xB600  }
0x46: {  	s12 =	simm.s32 $0x40;
	s13 =	simm.s32 $0xB648;
	s6 =	sadd.s32 $0x0, s0  }
.LBB2_10:
0x47: {  	[tilespmem:s2], [sflag:$0x2] =	stream.linear.gather [hbm4b:s6+s4], $0x40, $0x38;
	[tilespmem:$0x19000] =	vst v63  }
0x48: {  	s6 =	smov.u32 s12;
	s2 =	smov.u32 s13;
	p0 =	sne.s32 s12, $0xFC0  }
.Ltmp8:
0x49: {  	s12 =	sadd.s32 $0x40, s12;
	(pc) =	sbr.rel @p0 .LBB2_10-.Ltmp8, $2  }
0x4a: {  	_ =	sdelay $0x2  }
0x4b: {  	s13 =	sadd.s32 $0x48, s13;
	s6 =	sadd.s32 s6, s0  }
0x4c: {  	p0 =	seq.s32 s30, $0x0  }
.Ltmp9:
0x4d: {  	_ = 	snop;
	(pc) =	sbr.rel @p0 .LBB2_21-.Ltmp9, $4  }
0x4e: {  	[tilespmem:s2], [sflag:$0x2] =	stream.linear.gather [hbm4b:s6+s4], $0x40, $0x38;
	[tilespmem:$0x19000] =	vst v63  }
0x4f: {  	_ =	swait.ge [sflag:s14], $0x4000  }
0x50: {  	[sflag:s14] =	ssyncset.done $0x0  }
0x51: {  	s28 =	sshll.u32 s28, $0x6;
	[sflag:s14] =	ssyncadd.s32 $0xFFFFC000  }
0x52: {  	s0 =	sshll.u32 s26, $0xF;
	s2 =	sadd.s32 s7, s28  }
0x53: {  	s0 =	sadd.s32 s0, s2  }
0x54: {  	s30 =	rddreg [dreg:$0x4];
	s0 =	sshrl.u32 s0, $0x3  }
0x55: {  	s12 =	simm.s32 $0x40;
	s0 =	sadd.s32 s30, s0  }
0x56: {  	s13 =	simm.s32 $0xC848;
	s2 =	simm.s32 $0xC800;
	s6 =	sadd.s32 $0x0, s0  }
.LBB2_13:
0x57: {  	[tilespmem:s2], [sflag:$0x2] =	stream.linear.gather [hbm4b:s6+s4], $0x40, $0x38;
	[tilespmem:$0x19000] =	vst v63  }
0x58: {  	s6 =	smov.u32 s12;
	s2 =	smov.u32 s13;
	p1 =	sne.s32 s12, $0xFC0  }
.Ltmp10:
0x59: {  	s12 =	sadd.s32 $0x40, s12;
	(pc) =	sbr.rel @p1 .LBB2_13-.Ltmp10, $2  }
0x5a: {  	_ =	sdelay $0x2  }
0x5b: {  	s13 =	sadd.s32 $0x48, s13;
	s6 =	sadd.s32 s6, s0  }
0x5c: {  	[tilespmem:s2], [sflag:$0x2] =	stream.linear.gather [hbm4b:s6+s4], $0x40, $0x38;
	[tilespmem:$0x19000] =	vst v63  }
0x5d: {  	s2 =	sadd.s32 $0x8000, s0;
	s12 =	simm.s32 $0xDA00  }
0x5e: {  	s24 =	simm.s32 $0x40;
	s13 =	simm.s32 $0xDA48;
	s6 =	sadd.s32 $0x0, s2  }
.LBB2_15:
0x5f: {  	[tilespmem:s12], [sflag:$0x2] =	stream.linear.gather [hbm4b:s6+s4], $0x40, $0x38;
	[tilespmem:$0x19000] =	vst v63  }
0x60: {  	s6 =	smov.u32 s24;
	s12 =	smov.u32 s13;
	p1 =	sne.s32 s24, $0xFC0  }
.Ltmp11:
0x61: {  	s24 =	sadd.s32 $0x40, s24;
	(pc) =	sbr.rel @p1 .LBB2_15-.Ltmp11, $2  }
0x62: {  	_ =	sdelay $0x2  }
0x63: {  	s13 =	sadd.s32 $0x48, s13;
	s6 =	sadd.s32 s6, s2  }
0x64: {  	[tilespmem:s12], [sflag:$0x2] =	stream.linear.gather [hbm4b:s6+s4], $0x40, $0x38;
	[tilespmem:$0x19000] =	vst v63  }
0x65: {  	s2 =	sadd.s32 $0x10000, s0;
	s12 =	simm.s32 $0xEC00  }
0x66: {  	s24 =	simm.s32 $0x40;
	s13 =	simm.s32 $0xEC48;
	s6 =	sadd.s32 $0x0, s2  }
.LBB2_17:
0x67: {  	[tilespmem:s12], [sflag:$0x2] =	stream.linear.gather [hbm4b:s6+s4], $0x40, $0x38;
	[tilespmem:$0x19000] =	vst v63  }
0x68: {  	s6 =	smov.u32 s24;
	s12 =	smov.u32 s13;
	p1 =	sne.s32 s24, $0xFC0  }
.Ltmp12:
0x69: {  	s24 =	sadd.s32 $0x40, s24;
	(pc) =	sbr.rel @p1 .LBB2_17-.Ltmp12, $2  }
0x6a: {  	_ =	sdelay $0x2  }
0x6b: {  	s13 =	sadd.s32 $0x48, s13;
	s6 =	sadd.s32 s6, s2  }
0x6c: {  	[tilespmem:s12], [sflag:$0x2] =	stream.linear.gather [hbm4b:s6+s4], $0x40, $0x38;
	[tilespmem:$0x19000] =	vst v63  }
0x6d: {  	s0 =	sadd.s32 $0x18000, s0;
	s2 =	simm.s32 $0xFE00  }
0x6e: {  	s12 =	simm.s32 $0x40;
	s13 =	simm.s32 $0xFE48;
	s6 =	sadd.s32 $0x0, s0  }
.LBB2_19:
0x6f: {  	[tilespmem:s2], [sflag:$0x2] =	stream.linear.gather [hbm4b:s6+s4], $0x40, $0x38;
	[tilespmem:$0x19000] =	vst v63  }
0x70: {  	s6 =	smov.u32 s12;
	s2 =	smov.u32 s13;
	p1 =	sne.s32 s12, $0xFC0  }
.Ltmp13:
0x71: {  	s12 =	sadd.s32 $0x40, s12;
	(pc) =	sbr.rel @p1 .LBB2_19-.Ltmp13, $2  }
0x72: {  	_ =	sdelay $0x2  }
0x73: {  	s13 =	sadd.s32 $0x48, s13;
	s6 =	sadd.s32 s6, s0  }
0x74: {  	[tilespmem:s2], [sflag:$0x2] =	stream.linear.gather [hbm4b:s6+s4], $0x40, $0x38;
	[tilespmem:$0x19000] =	vst v63  }
0x75: {  	_ =	swait.ge [sflag:s14], $0x4000  }
0x76: {  	[sflag:s14] =	ssyncset.done $0x0  }
0x77: {  	[sflag:s14] =	ssyncadd.s32 $0xFFFFC000  }
.LBB2_21:
0x78: {  	s0 =	sadd.s32 s1, s31  }
0x79: {  	[tilespmem:s4], [sflag:$0x2] =	stream.strided.gather [hbm4b:s0+s15], $0x1000, s16, s15, $0x38;
	[tilespmem:$0x19000] =	vst v63  }
0x7a: {  	s2 =	sadd.s32 $0x8000, s0  }
0x7b: {  	[tilespmem:s17], [sflag:$0x2] =	stream.strided.gather [hbm4b:s2+s15], $0x1000, s16, s15, $0x38;
	[tilespmem:$0x19000] =	vst v63  }
0x7c: {  	s24 =	sadd.s32 $0x10000, s0  }
0x7d: {  	[tilespmem:s18], [sflag:$0x2] =	stream.strided.gather [hbm4b:s24+s15], $0x1000, s16, s15, $0x38;
	[tilespmem:$0x19000] =	vst v63  }
0x7e: {  	s0 =	sadd.s32 $0x18000, s0  }
0x7f: {  	[tilespmem:s19], [sflag:$0x2] =	stream.strided.gather [hbm4b:s0+s15], $0x1000, s16, s15, $0x38;
	[tilespmem:$0x19000] =	vst v63  }
0x80: {  	s30 =	sshll.u32 @!p0 s26, $0xF;
	s0 =	sadd.s32 @!p0 s7, s28  }
0x81: {  	s6 =	simm.s32 @!p0 $0x40;
	_ =	swait.ge [sflag:s14], $0x4000;
	s0 =	sadd.s32 @!p0 s30, s0  }
0x82: {  	s12 =	simm.s32 @!p0 $0x200;
	[sflag:s14] =	ssyncset.done $0x0;
	s0 =	sshrl.u32 @!p0 s0, $0x3  }
0x83: {  	s13 =	simm.s32 @!p0 $0x4000;
	[sflag:s14] =	ssyncadd.s32 $0xFFFFC000;
	s2 =	sadd.s32 @!p0 s1, s0  }
0x84: {  	[tilespmem:s13], [sflag:$0x2] =	stream.strided.gather @!p0 [hbm4b:s2+s6], $0x1000, s12, s6, $0x38;
	[tilespmem:$0x19000] =	vst v63  }
0x85: {  	s24 =	simm.s32 @!p0 $0x5000;
	s13 =	sadd.s32 @!p0 $0x8000, s2  }
0x86: {  	[tilespmem:s24], [sflag:$0x2] =	stream.strided.gather @!p0 [hbm4b:s13+s6], $0x1000, s12, s6, $0x38;
	[tilespmem:$0x19000] =	vst v63  }
0x87: {  	s13 =	sadd.s32 @!p0 $0x10000, s2;
	s24 =	simm.s32 @!p0 $0x6000  }
0x88: {  	[tilespmem:s24], [sflag:$0x2] =	stream.strided.gather @!p0 [hbm4b:s13+s6], $0x1000, s12, s6, $0x38;
	[tilespmem:$0x19000] =	vst v63  }
0x89: {  	s2 =	sadd.s32 @!p0 $0x18000, s2;
	s13 =	simm.s32 @!p0 $0x7000  }
0x8a: {  	[tilespmem:s13], [sflag:$0x2] =	stream.strided.gather @!p0 [hbm4b:s2+s6], $0x1000, s12, s6, $0x38;
	[tilespmem:$0x19000] =	vst v63  }
0x8b: {  	s2 =	simm.s32 @!p0 $0x2  }
0x8c: {  	_ =	swait.ge @!p0 [sflag:s2], $0x4000  }
0x8d: {  	[sflag:s2] =	ssyncset.done @!p0 $0x0  }
0x8e: {  	s13 =	sadd.s32 s8, s31;
	[sflag:s2] =	ssyncadd.s32 @!p0 $0xFFFFC000  }
0x8f: {  	[hbm4b:s13+s15] =	stream.strided.scatter [tilespmem:s20], [sflag:$0x2], $0x1000, s16, s15, $0x38;
	[tilespmem:$0x19000] =	vst v63  }
0x90: {  	s24 =	sadd.s32 $0x8000, s13  }
0x91: {  	[hbm4b:s24+s15] =	stream.strided.scatter [tilespmem:s21], [sflag:$0x2], $0x1000, s16, s15, $0x38;
	[tilespmem:$0x19000] =	vst v63  }
0x92: {  	s24 =	sadd.s32 $0x10000, s13  }
0x93: {  	[hbm4b:s24+s15] =	stream.strided.scatter [tilespmem:s22], [sflag:$0x2], $0x1000, s16, s15, $0x38;
	[tilespmem:$0x19000] =	vst v63  }
0x94: {  	s13 =	sadd.s32 $0x18000, s13  }
0x95: {  	[hbm4b:s13+s15] =	stream.strided.scatter [tilespmem:s23], [sflag:$0x2], $0x1000, s16, s15, $0x38;
	[tilespmem:$0x19000] =	vst v63  }
0x96: {  	_ =	swait.ge [sflag:s14], $0x4000  }
0x97: {  	[sflag:s14] =	ssyncset.done $0x0  }
0x98: {  	s0 =	sadd.s32 @!p0 s8, s0;
	s13 =	simm.s32 @!p0 $0x15000;
	[sflag:s14] =	ssyncadd.s32 $0xFFFFC000  }
0x99: {  	[hbm4b:s0+s6] =	stream.strided.scatter @!p0 [tilespmem:s13], [sflag:$0x2], $0x1000, s12, s6, $0x38;
	[tilespmem:$0x19000] =	vst v63  }
0x9a: {  	s24 =	simm.s32 @!p0 $0x16000;
	s13 =	sadd.s32 @!p0 $0x8000, s0  }
0x9b: {  	[hbm4b:s13+s6] =	stream.strided.scatter @!p0 [tilespmem:s24], [sflag:$0x2], $0x1000, s12, s6, $0x38;
	[tilespmem:$0x19000] =	vst v63  }
0x9c: {  	s13 =	sadd.s32 @!p0 $0x10000, s0;
	s24 =	simm.s32 @!p0 $0x17000  }
0x9d: {  	[hbm4b:s13+s6] =	stream.strided.scatter @!p0 [tilespmem:s24], [sflag:$0x2], $0x1000, s12, s6, $0x38;
	[tilespmem:$0x19000] =	vst v63  }
0x9e: {  	s0 =	sadd.s32 @!p0 $0x18000, s0;
	s13 =	simm.s32 @!p0 $0x18000  }
0x9f: {  	[hbm4b:s0+s6] =	stream.strided.scatter @!p0 [tilespmem:s13], [sflag:$0x2], $0x1000, s12, s6, $0x38;
	[tilespmem:$0x19000] =	vst v63  }
0xa0: {  	s0 =	sadd.s32 s3, s31;
	_ =	swait.ge @!p0 [sflag:s2], $0x4000  }
0xa1: {  	s12 =	simm.s32 $0x40;
	s13 =	simm.s32 $0x8048;
	[sflag:s2] =	ssyncset.done @!p0 $0x0  }
0xa2: {  	s6 =	sadd.s32 $0x0, s0;
	[sflag:s2] =	ssyncadd.s32 @!p0 $0xFFFFC000;
	s2 =	simm.s32 $0x8000  }
.LBB2_22:
0xa3: {  	[hbm4b:s6+s4] =	stream.linear.scatter [tilespmem:s2], [sflag:$0x2], $0x40, $0x38;
	[tilespmem:$0x19000] =	vst v63  }
0xa4: {  	s6 =	smov.u32 s12;
	s2 =	smov.u32 s13;
	p1 =	sne.s32 s12, $0xFC0  }
.Ltmp14:
0xa5: {  	s12 =	sadd.s32 $0x40, s12;
	(pc) =	sbr.rel @p1 .LBB2_22-.Ltmp14, $2  }
0xa6: {  	_ =	sdelay $0x2  }
0xa7: {  	s13 =	sadd.s32 $0x48, s13;
	s6 =	sadd.s32 s6, s0  }
0xa8: {  	[hbm4b:s6+s4] =	stream.linear.scatter [tilespmem:s2], [sflag:$0x2], $0x40, $0x38;
	[tilespmem:$0x19000] =	vst v63  }
0xa9: {  	s2 =	sadd.s32 $0x8000, s0;
	s12 =	simm.s32 $0x9200  }
0xaa: {  	s24 =	simm.s32 $0x40;
	s13 =	simm.s32 $0x9248;
	s6 =	sadd.s32 $0x0, s2  }
.LBB2_24:
0xab: {  	[hbm4b:s6+s4] =	stream.linear.scatter [tilespmem:s12], [sflag:$0x2], $0x40, $0x38;
	[tilespmem:$0x19000] =	vst v63  }
0xac: {  	s6 =	smov.u32 s24;
	s12 =	smov.u32 s13;
	p1 =	sne.s32 s24, $0xFC0  }
.Ltmp15:
0xad: {  	s24 =	sadd.s32 $0x40, s24;
	(pc) =	sbr.rel @p1 .LBB2_24-.Ltmp15, $2  }
0xae: {  	_ =	sdelay $0x2  }
0xaf: {  	s13 =	sadd.s32 $0x48, s13;
	s6 =	sadd.s32 s6, s2  }
0xb0: {  	[hbm4b:s6+s4] =	stream.linear.scatter [tilespmem:s12], [sflag:$0x2], $0x40, $0x38;
	[tilespmem:$0x19000] =	vst v63  }
0xb1: {  	s2 =	sadd.s32 $0x10000, s0;
	s12 =	simm.s32 $0xA400  }
0xb2: {  	s24 =	simm.s32 $0x40;
	s13 =	simm.s32 $0xA448;
	s6 =	sadd.s32 $0x0, s2  }
.LBB2_26:
0xb3: {  	[hbm4b:s6+s4] =	stream.linear.scatter [tilespmem:s12], [sflag:$0x2], $0x40, $0x38;
	[tilespmem:$0x19000] =	vst v63  }
0xb4: {  	s6 =	smov.u32 s24;
	s12 =	smov.u32 s13;
	p1 =	sne.s32 s24, $0xFC0  }
.Ltmp16:
0xb5: {  	s24 =	sadd.s32 $0x40, s24;
	(pc) =	sbr.rel @p1 .LBB2_26-.Ltmp16, $2  }
0xb6: {  	_ =	sdelay $0x2  }
0xb7: {  	s13 =	sadd.s32 $0x48, s13;
	s6 =	sadd.s32 s6, s2  }
0xb8: {  	[hbm4b:s6+s4] =	stream.linear.scatter [tilespmem:s12], [sflag:$0x2], $0x40, $0x38;
	[tilespmem:$0x19000] =	vst v63  }
0xb9: {  	s0 =	sadd.s32 $0x18000, s0;
	s2 =	simm.s32 $0xB600  }
0xba: {  	s12 =	simm.s32 $0x40;
	s13 =	simm.s32 $0xB648;
	s6 =	sadd.s32 $0x0, s0  }
.LBB2_28:
0xbb: {  	[hbm4b:s6+s4] =	stream.linear.scatter [tilespmem:s2], [sflag:$0x2], $0x40, $0x38;
	[tilespmem:$0x19000] =	vst v63  }
0xbc: {  	s6 =	smov.u32 s12;
	s2 =	smov.u32 s13;
	p1 =	sne.s32 s12, $0xFC0  }
.Ltmp17:
0xbd: {  	s12 =	sadd.s32 $0x40, s12;
	(pc) =	sbr.rel @p1 .LBB2_28-.Ltmp17, $2  }
0xbe: {  	_ =	sdelay $0x2  }
0xbf: {  	s13 =	sadd.s32 $0x48, s13;
	s6 =	sadd.s32 s6, s0  }
.Ltmp18:
0xc0: {  	(pc) =	sbr.rel @p0 .LBB2_39-.Ltmp18, $4  }
0xc1: {  	[hbm4b:s6+s4] =	stream.linear.scatter [tilespmem:s2], [sflag:$0x2], $0x40, $0x38;
	[tilespmem:$0x19000] =	vst v63  }
0xc2: {  	_ =	swait.ge [sflag:s14], $0x4000  }
0xc3: {  	[sflag:s14] =	ssyncset.done $0x0  }
0xc4: {  	[sflag:s14] =	ssyncadd.s32 $0xFFFFC000  }
0xc5: {  	s0 =	sshll.u32 s26, $0xF;
	s2 =	sadd.s32 s7, s28  }
0xc6: {  	s0 =	sadd.s32 s0, s2  }
0xc7: {  	s0 =	sshrl.u32 s0, $0x3  }
0xc8: {  	s12 =	simm.s32 $0x40;
	s0 =	sadd.s32 s3, s0  }
0xc9: {  	s13 =	simm.s32 $0xC848;
	s2 =	simm.s32 $0xC800;
	s6 =	sadd.s32 $0x0, s0  }
.LBB2_31:
0xca: {  	[hbm4b:s6+s4] =	stream.linear.scatter [tilespmem:s2], [sflag:$0x2], $0x40, $0x38;
	[tilespmem:$0x19000] =	vst v63  }
0xcb: {  	s6 =	smov.u32 s12;
	s2 =	smov.u32 s13;
	p1 =	sne.s32 s12, $0xFC0  }
.Ltmp19:
0xcc: {  	s12 =	sadd.s32 $0x40, s12;
	(pc) =	sbr.rel @p1 .LBB2_31-.Ltmp19, $2  }
0xcd: {  	_ =	sdelay $0x2  }
0xce: {  	s13 =	sadd.s32 $0x48, s13;
	s6 =	sadd.s32 s6, s0  }
0xcf: {  	[hbm4b:s6+s4] =	stream.linear.scatter [tilespmem:s2], [sflag:$0x2], $0x40, $0x38;
	[tilespmem:$0x19000] =	vst v63  }
0xd0: {  	s2 =	sadd.s32 $0x8000, s0;
	s12 =	simm.s32 $0xDA00  }
0xd1: {  	s24 =	simm.s32 $0x40;
	s13 =	simm.s32 $0xDA48;
	s6 =	sadd.s32 $0x0, s2  }
.LBB2_33:
0xd2: {  	[hbm4b:s6+s4] =	stream.linear.scatter [tilespmem:s12], [sflag:$0x2], $0x40, $0x38;
	[tilespmem:$0x19000] =	vst v63  }
0xd3: {  	s6 =	smov.u32 s24;
	s12 =	smov.u32 s13;
	p1 =	sne.s32 s24, $0xFC0  }
.Ltmp20:
0xd4: {  	s24 =	sadd.s32 $0x40, s24;
	(pc) =	sbr.rel @p1 .LBB2_33-.Ltmp20, $2  }
0xd5: {  	_ =	sdelay $0x2  }
0xd6: {  	s13 =	sadd.s32 $0x48, s13;
	s6 =	sadd.s32 s6, s2  }
0xd7: {  	[hbm4b:s6+s4] =	stream.linear.scatter [tilespmem:s12], [sflag:$0x2], $0x40, $0x38;
	[tilespmem:$0x19000] =	vst v63  }
0xd8: {  	s2 =	sadd.s32 $0x10000, s0;
	s12 =	simm.s32 $0xEC00  }
0xd9: {  	s24 =	simm.s32 $0x40;
	s13 =	simm.s32 $0xEC48;
	s6 =	sadd.s32 $0x0, s2  }
.LBB2_35:
0xda: {  	[hbm4b:s6+s4] =	stream.linear.scatter [tilespmem:s12], [sflag:$0x2], $0x40, $0x38;
	[tilespmem:$0x19000] =	vst v63  }
0xdb: {  	s6 =	smov.u32 s24;
	s12 =	smov.u32 s13;
	p1 =	sne.s32 s24, $0xFC0  }
.Ltmp21:
0xdc: {  	s24 =	sadd.s32 $0x40, s24;
	(pc) =	sbr.rel @p1 .LBB2_35-.Ltmp21, $2  }
0xdd: {  	_ =	sdelay $0x2  }
0xde: {  	s13 =	sadd.s32 $0x48, s13;
	s6 =	sadd.s32 s6, s2  }
0xdf: {  	[hbm4b:s6+s4] =	stream.linear.scatter [tilespmem:s12], [sflag:$0x2], $0x40, $0x38;
	[tilespmem:$0x19000] =	vst v63  }
0xe0: {  	s0 =	sadd.s32 $0x18000, s0;
	s2 =	simm.s32 $0xFE00  }
0xe1: {  	s12 =	simm.s32 $0x40;
	s13 =	simm.s32 $0xFE48;
	s6 =	sadd.s32 $0x0, s0  }
.LBB2_37:
0xe2: {  	[hbm4b:s6+s4] =	stream.linear.scatter [tilespmem:s2], [sflag:$0x2], $0x40, $0x38;
	[tilespmem:$0x19000] =	vst v63  }
0xe3: {  	s6 =	smov.u32 s12;
	s2 =	smov.u32 s13;
	p1 =	sne.s32 s12, $0xFC0  }
.Ltmp22:
0xe4: {  	s12 =	sadd.s32 $0x40, s12;
	(pc) =	sbr.rel @p1 .LBB2_37-.Ltmp22, $2  }
0xe5: {  	_ =	sdelay $0x2  }
0xe6: {  	s13 =	sadd.s32 $0x48, s13;
	s6 =	sadd.s32 s6, s0  }
0xe7: {  	[hbm4b:s6+s4] =	stream.linear.scatter [tilespmem:s2], [sflag:$0x2], $0x40, $0x38;
	[tilespmem:$0x19000] =	vst v63  }
0xe8: {  	_ =	swait.ge [sflag:s14], $0x4000  }
0xe9: {  	[sflag:s14] =	ssyncset.done $0x0  }
0xea: {  	[sflag:s14] =	ssyncadd.s32 $0xFFFFC000  }
.LBB2_39:
0xeb: {  	s0 =	sadd.s32 $0x400000, s29  }
0xec: {  	s0 =	sshrl.u32 s0, $0x3  }
0xed: {  	s2 =	sadd.s32 s1, s0  }
0xee: {  	[tilespmem:s4], [sflag:$0x2] =	stream.strided.gather [hbm4b:s2+s15], $0x1000, s16, s15, $0x38;
	[tilespmem:$0x19000] =	vst v63  }
0xef: {  	s6 =	sadd.s32 $0x8000, s2  }
0xf0: {  	[tilespmem:s17], [sflag:$0x2] =	stream.strided.gather [hbm4b:s6+s15], $0x1000, s16, s15, $0x38;
	[tilespmem:$0x19000] =	vst v63  }
0xf1: {  	s31 =	sadd.s32 $0x10000, s2  }
0xf2: {  	[tilespmem:s18], [sflag:$0x2] =	stream.strided.gather [hbm4b:s31+s15], $0x1000, s16, s15, $0x38;
	[tilespmem:$0x19000] =	vst v63  }
0xf3: {  	s2 =	sadd.s32 $0x18000, s2  }
0xf4: {  	[tilespmem:s19], [sflag:$0x2] =	stream.strided.gather [hbm4b:s2+s15], $0x1000, s16, s15, $0x38;
	[tilespmem:$0x19000] =	vst v63  }
0xf5: {  	s2 =	sadd.s32 @!p0 s9, s28  }
0xf6: {  	s12 =	simm.s32 @!p0 $0x40;
	_ =	swait.ge [sflag:s14], $0x4000;
	s2 =	sadd.s32 @!p0 s30, s2  }
0xf7: {  	s13 =	simm.s32 @!p0 $0x200;
	[sflag:s14] =	ssyncset.done $0x0;
	s2 =	sshrl.u32 @!p0 s2, $0x3  }
0xf8: {  	s24 =	simm.s32 @!p0 $0x4000;
	[sflag:s14] =	ssyncadd.s32 $0xFFFFC000;
	s6 =	sadd.s32 @!p0 s1, s2  }
0xf9: {  	[tilespmem:s24], [sflag:$0x2] =	stream.strided.gather @!p0 [hbm4b:s6+s12], $0x1000, s13, s12, $0x38;
	[tilespmem:$0x19000] =	vst v63  }
0xfa: {  	s31 =	simm.s32 @!p0 $0x5000;
	s24 =	sadd.s32 @!p0 $0x8000, s6  }
0xfb: {  	[tilespmem:s31], [sflag:$0x2] =	stream.strided.gather @!p0 [hbm4b:s24+s12], $0x1000, s13, s12, $0x38;
	[tilespmem:$0x19000] =	vst v63  }
0xfc: {  	s24 =	sadd.s32 @!p0 $0x10000, s6;
	s31 =	simm.s32 @!p0 $0x6000  }
0xfd: {  	[tilespmem:s31], [sflag:$0x2] =	stream.strided.gather @!p0 [hbm4b:s24+s12], $0x1000, s13, s12, $0x38;
	[tilespmem:$0x19000] =	vst v63  }
0xfe: {  	s6 =	sadd.s32 @!p0 $0x18000, s6;
	s24 =	simm.s32 @!p0 $0x7000  }
0xff: {  	[tilespmem:s24], [sflag:$0x2] =	stream.strided.gather @!p0 [hbm4b:s6+s12], $0x1000, s13, s12, $0x38;
	[tilespmem:$0x19000] =	vst v63  }
0x100: {  	s6 =	simm.s32 @!p0 $0x2  }
0x101: {  	_ =	swait.ge @!p0 [sflag:s6], $0x4000  }
0x102: {  	[sflag:s6] =	ssyncset.done @!p0 $0x0  }
0x103: {  	s24 =	sadd.s32 s8, s0;
	[sflag:s6] =	ssyncadd.s32 @!p0 $0xFFFFC000  }
0x104: {  	[hbm4b:s24+s15] =	stream.strided.scatter [tilespmem:s20], [sflag:$0x2], $0x1000, s16, s15, $0x38;
	[tilespmem:$0x19000] =	vst v63  }
0x105: {  	s31 =	sadd.s32 $0x8000, s24  }
0x106: {  	[hbm4b:s31+s15] =	stream.strided.scatter [tilespmem:s21], [sflag:$0x2], $0x1000, s16, s15, $0x38;
	[tilespmem:$0x19000] =	vst v63  }
0x107: {  	s31 =	sadd.s32 $0x10000, s24  }
0x108: {  	[hbm4b:s31+s15] =	stream.strided.scatter [tilespmem:s22], [sflag:$0x2], $0x1000, s16, s15, $0x38;
	[tilespmem:$0x19000] =	vst v63  }
0x109: {  	s24 =	sadd.s32 $0x18000, s24  }
0x10a: {  	[hbm4b:s24+s15] =	stream.strided.scatter [tilespmem:s23], [sflag:$0x2], $0x1000, s16, s15, $0x38;
	[tilespmem:$0x19000] =	vst v63  }
0x10b: {  	_ =	swait.ge [sflag:s14], $0x4000  }
0x10c: {  	[sflag:s14] =	ssyncset.done $0x0  }
0x10d: {  	s2 =	sadd.s32 @!p0 s8, s2;
	s24 =	simm.s32 @!p0 $0x15000;
	[sflag:s14] =	ssyncadd.s32 $0xFFFFC000  }
0x10e: {  	[hbm4b:s2+s12] =	stream.strided.scatter @!p0 [tilespmem:s24], [sflag:$0x2], $0x1000, s13, s12, $0x38;
	[tilespmem:$0x19000] =	vst v63  }
0x10f: {  	s31 =	simm.s32 @!p0 $0x16000;
	s24 =	sadd.s32 @!p0 $0x8000, s2  }
0x110: {  	[hbm4b:s24+s12] =	stream.strided.scatter @!p0 [tilespmem:s31], [sflag:$0x2], $0x1000, s13, s12, $0x38;
	[tilespmem:$0x19000] =	vst v63  }
0x111: {  	s24 =	sadd.s32 @!p0 $0x10000, s2;
	s31 =	simm.s32 @!p0 $0x17000  }
0x112: {  	[hbm4b:s24+s12] =	stream.strided.scatter @!p0 [tilespmem:s31], [sflag:$0x2], $0x1000, s13, s12, $0x38;
	[tilespmem:$0x19000] =	vst v63  }
0x113: {  	s2 =	sadd.s32 @!p0 $0x18000, s2;
	s24 =	simm.s32 @!p0 $0x18000  }
0x114: {  	[hbm4b:s2+s12] =	stream.strided.scatter @!p0 [tilespmem:s24], [sflag:$0x2], $0x1000, s13, s12, $0x38;
	[tilespmem:$0x19000] =	vst v63  }
0x115: {  	s0 =	sadd.s32 s3, s0;
	_ =	swait.ge @!p0 [sflag:s6], $0x4000  }
0x116: {  	s2 =	simm.s32 $0x8000;
	s12 =	simm.s32 $0x40;
	[sflag:s6] =	ssyncset.done @!p0 $0x0  }
0x117: {  	s13 =	simm.s32 $0x8048;
	[sflag:s6] =	ssyncadd.s32 @!p0 $0xFFFFC000;
	s6 =	sadd.s32 $0x0, s0  }
.LBB2_40:
0x118: {  	[hbm4b:s6+s4] =	stream.linear.scatter [tilespmem:s2], [sflag:$0x2], $0x40, $0x38;
	[tilespmem:$0x19000] =	vst v63  }
0x119: {  	s6 =	smov.u32 s12;
	s2 =	smov.u32 s13;
	p1 =	sne.s32 s12, $0xFC0  }
.Ltmp23:
0x11a: {  	s12 =	sadd.s32 $0x40, s12;
	(pc) =	sbr.rel @p1 .LBB2_40-.Ltmp23, $2  }
0x11b: {  	_ =	sdelay $0x2  }
0x11c: {  	s13 =	sadd.s32 $0x48, s13;
	s6 =	sadd.s32 s6, s0  }
0x11d: {  	[hbm4b:s6+s4] =	stream.linear.scatter [tilespmem:s2], [sflag:$0x2], $0x40, $0x38;
	[tilespmem:$0x19000] =	vst v63  }
0x11e: {  	s2 =	sadd.s32 $0x8000, s0;
	s12 =	simm.s32 $0x9200  }
0x11f: {  	s24 =	simm.s32 $0x40;
	s13 =	simm.s32 $0x9248;
	s6 =	sadd.s32 $0x0, s2  }
.LBB2_42:
0x120: {  	[hbm4b:s6+s4] =	stream.linear.scatter [tilespmem:s12], [sflag:$0x2], $0x40, $0x38;
	[tilespmem:$0x19000] =	vst v63  }
0x121: {  	s6 =	smov.u32 s24;
	s12 =	smov.u32 s13;
	p1 =	sne.s32 s24, $0xFC0  }
.Ltmp24:
0x122: {  	s24 =	sadd.s32 $0x40, s24;
	(pc) =	sbr.rel @p1 .LBB2_42-.Ltmp24, $2  }
0x123: {  	_ =	sdelay $0x2  }
0x124: {  	s13 =	sadd.s32 $0x48, s13;
	s6 =	sadd.s32 s6, s2  }
0x125: {  	[hbm4b:s6+s4] =	stream.linear.scatter [tilespmem:s12], [sflag:$0x2], $0x40, $0x38;
	[tilespmem:$0x19000] =	vst v63  }
0x126: {  	s2 =	sadd.s32 $0x10000, s0;
	s12 =	simm.s32 $0xA400  }
0x127: {  	s24 =	simm.s32 $0x40;
	s13 =	simm.s32 $0xA448;
	s6 =	sadd.s32 $0x0, s2  }
.LBB2_44:
0x128: {  	[hbm4b:s6+s4] =	stream.linear.scatter [tilespmem:s12], [sflag:$0x2], $0x40, $0x38;
	[tilespmem:$0x19000] =	vst v63  }
0x129: {  	s6 =	smov.u32 s24;
	s12 =	smov.u32 s13;
	p1 =	sne.s32 s24, $0xFC0  }
.Ltmp25:
0x12a: {  	s24 =	sadd.s32 $0x40, s24;
	(pc) =	sbr.rel @p1 .LBB2_44-.Ltmp25, $2  }
0x12b: {  	_ =	sdelay $0x2  }
0x12c: {  	s13 =	sadd.s32 $0x48, s13;
	s6 =	sadd.s32 s6, s2  }
0x12d: {  	[hbm4b:s6+s4] =	stream.linear.scatter [tilespmem:s12], [sflag:$0x2], $0x40, $0x38;
	[tilespmem:$0x19000] =	vst v63  }
0x12e: {  	s0 =	sadd.s32 $0x18000, s0;
	s2 =	simm.s32 $0xB600  }
0x12f: {  	s12 =	simm.s32 $0x40;
	s13 =	simm.s32 $0xB648;
	s6 =	sadd.s32 $0x0, s0  }
.LBB2_46:
0x130: {  	[hbm4b:s6+s4] =	stream.linear.scatter [tilespmem:s2], [sflag:$0x2], $0x40, $0x38;
	[tilespmem:$0x19000] =	vst v63  }
0x131: {  	s6 =	smov.u32 s12;
	s2 =	smov.u32 s13;
	p1 =	sne.s32 s12, $0xFC0  }
.Ltmp26:
0x132: {  	s12 =	sadd.s32 $0x40, s12;
	(pc) =	sbr.rel @p1 .LBB2_46-.Ltmp26, $2  }
0x133: {  	_ =	sdelay $0x2  }
0x134: {  	s13 =	sadd.s32 $0x48, s13;
	s6 =	sadd.s32 s6, s0  }
.Ltmp27:
0x135: {  	(pc) =	sbr.rel @p0 .LBB2_57-.Ltmp27, $4  }
0x136: {  	[hbm4b:s6+s4] =	stream.linear.scatter [tilespmem:s2], [sflag:$0x2], $0x40, $0x38;
	[tilespmem:$0x19000] =	vst v63  }
0x137: {  	_ =	swait.ge [sflag:s14], $0x4000  }
0x138: {  	[sflag:s14] =	ssyncset.done $0x0  }
0x139: {  	[sflag:s14] =	ssyncadd.s32 $0xFFFFC000  }
0x13a: {  	s0 =	sshll.u32 s26, $0xF;
	s2 =	sadd.s32 s9, s28  }
0x13b: {  	s0 =	sadd.s32 s0, s2  }
0x13c: {  	s0 =	sshrl.u32 s0, $0x3  }
0x13d: {  	s12 =	simm.s32 $0x40;
	s0 =	sadd.s32 s3, s0  }
0x13e: {  	s13 =	simm.s32 $0xC848;
	s2 =	simm.s32 $0xC800;
	s6 =	sadd.s32 $0x0, s0  }
.LBB2_49:
0x13f: {  	[hbm4b:s6+s4] =	stream.linear.scatter [tilespmem:s2], [sflag:$0x2], $0x40, $0x38;
	[tilespmem:$0x19000] =	vst v63  }
0x140: {  	s6 =	smov.u32 s12;
	s2 =	smov.u32 s13;
	p1 =	sne.s32 s12, $0xFC0  }
.Ltmp28:
0x141: {  	s12 =	sadd.s32 $0x40, s12;
	(pc) =	sbr.rel @p1 .LBB2_49-.Ltmp28, $2  }
0x142: {  	_ =	sdelay $0x2  }
0x143: {  	s13 =	sadd.s32 $0x48, s13;
	s6 =	sadd.s32 s6, s0  }
0x144: {  	[hbm4b:s6+s4] =	stream.linear.scatter [tilespmem:s2], [sflag:$0x2], $0x40, $0x38;
	[tilespmem:$0x19000] =	vst v63  }
0x145: {  	s2 =	sadd.s32 $0x8000, s0;
	s12 =	simm.s32 $0xDA00  }
0x146: {  	s24 =	simm.s32 $0x40;
	s13 =	simm.s32 $0xDA48;
	s6 =	sadd.s32 $0x0, s2  }
.LBB2_51:
0x147: {  	[hbm4b:s6+s4] =	stream.linear.scatter [tilespmem:s12], [sflag:$0x2], $0x40, $0x38;
	[tilespmem:$0x19000] =	vst v63  }
0x148: {  	s6 =	smov.u32 s24;
	s12 =	smov.u32 s13;
	p1 =	sne.s32 s24, $0xFC0  }
.Ltmp29:
0x149: {  	s24 =	sadd.s32 $0x40, s24;
	(pc) =	sbr.rel @p1 .LBB2_51-.Ltmp29, $2  }
0x14a: {  	_ =	sdelay $0x2  }
0x14b: {  	s13 =	sadd.s32 $0x48, s13;
	s6 =	sadd.s32 s6, s2  }
0x14c: {  	[hbm4b:s6+s4] =	stream.linear.scatter [tilespmem:s12], [sflag:$0x2], $0x40, $0x38;
	[tilespmem:$0x19000] =	vst v63  }
0x14d: {  	s2 =	sadd.s32 $0x10000, s0;
	s12 =	simm.s32 $0xEC00  }
0x14e: {  	s24 =	simm.s32 $0x40;
	s13 =	simm.s32 $0xEC48;
	s6 =	sadd.s32 $0x0, s2  }
.LBB2_53:
0x14f: {  	[hbm4b:s6+s4] =	stream.linear.scatter [tilespmem:s12], [sflag:$0x2], $0x40, $0x38;
	[tilespmem:$0x19000] =	vst v63  }
0x150: {  	s6 =	smov.u32 s24;
	s12 =	smov.u32 s13;
	p1 =	sne.s32 s24, $0xFC0  }
.Ltmp30:
0x151: {  	s24 =	sadd.s32 $0x40, s24;
	(pc) =	sbr.rel @p1 .LBB2_53-.Ltmp30, $2  }
0x152: {  	_ =	sdelay $0x2  }
0x153: {  	s13 =	sadd.s32 $0x48, s13;
	s6 =	sadd.s32 s6, s2  }
0x154: {  	[hbm4b:s6+s4] =	stream.linear.scatter [tilespmem:s12], [sflag:$0x2], $0x40, $0x38;
	[tilespmem:$0x19000] =	vst v63  }
0x155: {  	s0 =	sadd.s32 $0x18000, s0;
	s2 =	simm.s32 $0xFE00  }
0x156: {  	s12 =	simm.s32 $0x40;
	s13 =	simm.s32 $0xFE48;
	s6 =	sadd.s32 $0x0, s0  }
.LBB2_55:
0x157: {  	[hbm4b:s6+s4] =	stream.linear.scatter [tilespmem:s2], [sflag:$0x2], $0x40, $0x38;
	[tilespmem:$0x19000] =	vst v63  }
0x158: {  	s6 =	smov.u32 s12;
	s2 =	smov.u32 s13;
	p1 =	sne.s32 s12, $0xFC0  }
.Ltmp31:
0x159: {  	s12 =	sadd.s32 $0x40, s12;
	(pc) =	sbr.rel @p1 .LBB2_55-.Ltmp31, $2  }
0x15a: {  	_ =	sdelay $0x2  }
0x15b: {  	s13 =	sadd.s32 $0x48, s13;
	s6 =	sadd.s32 s6, s0  }
0x15c: {  	[hbm4b:s6+s4] =	stream.linear.scatter [tilespmem:s2], [sflag:$0x2], $0x40, $0x38;
	[tilespmem:$0x19000] =	vst v63  }
0x15d: {  	_ =	swait.ge [sflag:s14], $0x4000  }
0x15e: {  	[sflag:s14] =	ssyncset.done $0x0  }
0x15f: {  	[sflag:s14] =	ssyncadd.s32 $0xFFFFC000  }
.LBB2_57:
0x160: {  	s0 =	sadd.s32 $0x800000, s29  }
0x161: {  	s0 =	sshrl.u32 s0, $0x3  }
0x162: {  	s2 =	sadd.s32 s1, s0  }
0x163: {  	[tilespmem:s4], [sflag:$0x2] =	stream.strided.gather [hbm4b:s2+s15], $0x1000, s16, s15, $0x38;
	[tilespmem:$0x19000] =	vst v63  }
0x164: {  	s6 =	sadd.s32 $0x8000, s2  }
0x165: {  	[tilespmem:s17], [sflag:$0x2] =	stream.strided.gather [hbm4b:s6+s15], $0x1000, s16, s15, $0x38;
	[tilespmem:$0x19000] =	vst v63  }
0x166: {  	s31 =	sadd.s32 $0x10000, s2  }
0x167: {  	[tilespmem:s18], [sflag:$0x2] =	stream.strided.gather [hbm4b:s31+s15], $0x1000, s16, s15, $0x38;
	[tilespmem:$0x19000] =	vst v63  }
0x168: {  	s2 =	sadd.s32 $0x18000, s2  }
0x169: {  	[tilespmem:s19], [sflag:$0x2] =	stream.strided.gather [hbm4b:s2+s15], $0x1000, s16, s15, $0x38;
	[tilespmem:$0x19000] =	vst v63  }
0x16a: {  	s2 =	sadd.s32 @!p0 s10, s28  }
0x16b: {  	s12 =	simm.s32 @!p0 $0x40;
	_ =	swait.ge [sflag:s14], $0x4000;
	s2 =	sadd.s32 @!p0 s30, s2  }
0x16c: {  	s13 =	simm.s32 @!p0 $0x200;
	[sflag:s14] =	ssyncset.done $0x0;
	s2 =	sshrl.u32 @!p0 s2, $0x3  }
0x16d: {  	s24 =	simm.s32 @!p0 $0x4000;
	[sflag:s14] =	ssyncadd.s32 $0xFFFFC000;
	s6 =	sadd.s32 @!p0 s1, s2  }
0x16e: {  	[tilespmem:s24], [sflag:$0x2] =	stream.strided.gather @!p0 [hbm4b:s6+s12], $0x1000, s13, s12, $0x38;
	[tilespmem:$0x19000] =	vst v63  }
0x16f: {  	s31 =	simm.s32 @!p0 $0x5000;
	s24 =	sadd.s32 @!p0 $0x8000, s6  }
0x170: {  	[tilespmem:s31], [sflag:$0x2] =	stream.strided.gather @!p0 [hbm4b:s24+s12], $0x1000, s13, s12, $0x38;
	[tilespmem:$0x19000] =	vst v63  }
0x171: {  	s24 =	sadd.s32 @!p0 $0x10000, s6;
	s31 =	simm.s32 @!p0 $0x6000  }
0x172: {  	[tilespmem:s31], [sflag:$0x2] =	stream.strided.gather @!p0 [hbm4b:s24+s12], $0x1000, s13, s12, $0x38;
	[tilespmem:$0x19000] =	vst v63  }
0x173: {  	s6 =	sadd.s32 @!p0 $0x18000, s6;
	s24 =	simm.s32 @!p0 $0x7000  }
0x174: {  	[tilespmem:s24], [sflag:$0x2] =	stream.strided.gather @!p0 [hbm4b:s6+s12], $0x1000, s13, s12, $0x38;
	[tilespmem:$0x19000] =	vst v63  }
0x175: {  	s6 =	simm.s32 @!p0 $0x2  }
0x176: {  	_ =	swait.ge @!p0 [sflag:s6], $0x4000  }
0x177: {  	[sflag:s6] =	ssyncset.done @!p0 $0x0  }
0x178: {  	s24 =	sadd.s32 s8, s0;
	[sflag:s6] =	ssyncadd.s32 @!p0 $0xFFFFC000  }
0x179: {  	[hbm4b:s24+s15] =	stream.strided.scatter [tilespmem:s20], [sflag:$0x2], $0x1000, s16, s15, $0x38;
	[tilespmem:$0x19000] =	vst v63  }
0x17a: {  	s31 =	sadd.s32 $0x8000, s24  }
0x17b: {  	[hbm4b:s31+s15] =	stream.strided.scatter [tilespmem:s21], [sflag:$0x2], $0x1000, s16, s15, $0x38;
	[tilespmem:$0x19000] =	vst v63  }
0x17c: {  	s31 =	sadd.s32 $0x10000, s24  }
0x17d: {  	[hbm4b:s31+s15] =	stream.strided.scatter [tilespmem:s22], [sflag:$0x2], $0x1000, s16, s15, $0x38;
	[tilespmem:$0x19000] =	vst v63  }
0x17e: {  	s24 =	sadd.s32 $0x18000, s24  }
0x17f: {  	[hbm4b:s24+s15] =	stream.strided.scatter [tilespmem:s23], [sflag:$0x2], $0x1000, s16, s15, $0x38;
	[tilespmem:$0x19000] =	vst v63  }
0x180: {  	_ =	swait.ge [sflag:s14], $0x4000  }
0x181: {  	[sflag:s14] =	ssyncset.done $0x0  }
0x182: {  	s2 =	sadd.s32 @!p0 s8, s2;
	s24 =	simm.s32 @!p0 $0x15000;
	[sflag:s14] =	ssyncadd.s32 $0xFFFFC000  }
0x183: {  	[hbm4b:s2+s12] =	stream.strided.scatter @!p0 [tilespmem:s24], [sflag:$0x2], $0x1000, s13, s12, $0x38;
	[tilespmem:$0x19000] =	vst v63  }
0x184: {  	s31 =	simm.s32 @!p0 $0x16000;
	s24 =	sadd.s32 @!p0 $0x8000, s2  }
0x185: {  	[hbm4b:s24+s12] =	stream.strided.scatter @!p0 [tilespmem:s31], [sflag:$0x2], $0x1000, s13, s12, $0x38;
	[tilespmem:$0x19000] =	vst v63  }
0x186: {  	s24 =	sadd.s32 @!p0 $0x10000, s2;
	s31 =	simm.s32 @!p0 $0x17000  }
0x187: {  	[hbm4b:s24+s12] =	stream.strided.scatter @!p0 [tilespmem:s31], [sflag:$0x2], $0x1000, s13, s12, $0x38;
	[tilespmem:$0x19000] =	vst v63  }
0x188: {  	s2 =	sadd.s32 @!p0 $0x18000, s2;
	s24 =	simm.s32 @!p0 $0x18000  }
0x189: {  	[hbm4b:s2+s12] =	stream.strided.scatter @!p0 [tilespmem:s24], [sflag:$0x2], $0x1000, s13, s12, $0x38;
	[tilespmem:$0x19000] =	vst v63  }
0x18a: {  	s0 =	sadd.s32 s3, s0;
	_ =	swait.ge @!p0 [sflag:s6], $0x4000  }
0x18b: {  	s2 =	simm.s32 $0x8000;
	s12 =	simm.s32 $0x40;
	[sflag:s6] =	ssyncset.done @!p0 $0x0  }
0x18c: {  	s13 =	simm.s32 $0x8048;
	[sflag:s6] =	ssyncadd.s32 @!p0 $0xFFFFC000;
	s6 =	sadd.s32 $0x0, s0  }
.LBB2_58:
0x18d: {  	[hbm4b:s6+s4] =	stream.linear.scatter [tilespmem:s2], [sflag:$0x2], $0x40, $0x38;
	[tilespmem:$0x19000] =	vst v63  }
0x18e: {  	s6 =	smov.u32 s12;
	s2 =	smov.u32 s13;
	p1 =	sne.s32 s12, $0xFC0  }
.Ltmp32:
0x18f: {  	s12 =	sadd.s32 $0x40, s12;
	(pc) =	sbr.rel @p1 .LBB2_58-.Ltmp32, $2  }
0x190: {  	_ =	sdelay $0x2  }
0x191: {  	s13 =	sadd.s32 $0x48, s13;
	s6 =	sadd.s32 s6, s0  }
0x192: {  	[hbm4b:s6+s4] =	stream.linear.scatter [tilespmem:s2], [sflag:$0x2], $0x40, $0x38;
	[tilespmem:$0x19000] =	vst v63  }
0x193: {  	s2 =	sadd.s32 $0x8000, s0;
	s12 =	simm.s32 $0x9200  }
0x194: {  	s24 =	simm.s32 $0x40;
	s13 =	simm.s32 $0x9248;
	s6 =	sadd.s32 $0x0, s2  }
.LBB2_60:
0x195: {  	[hbm4b:s6+s4] =	stream.linear.scatter [tilespmem:s12], [sflag:$0x2], $0x40, $0x38;
	[tilespmem:$0x19000] =	vst v63  }
0x196: {  	s6 =	smov.u32 s24;
	s12 =	smov.u32 s13;
	p1 =	sne.s32 s24, $0xFC0  }
.Ltmp33:
0x197: {  	s24 =	sadd.s32 $0x40, s24;
	(pc) =	sbr.rel @p1 .LBB2_60-.Ltmp33, $2  }
0x198: {  	_ =	sdelay $0x2  }
0x199: {  	s13 =	sadd.s32 $0x48, s13;
	s6 =	sadd.s32 s6, s2  }
0x19a: {  	[hbm4b:s6+s4] =	stream.linear.scatter [tilespmem:s12], [sflag:$0x2], $0x40, $0x38;
	[tilespmem:$0x19000] =	vst v63  }
0x19b: {  	s2 =	sadd.s32 $0x10000, s0;
	s12 =	simm.s32 $0xA400  }
0x19c: {  	s24 =	simm.s32 $0x40;
	s13 =	simm.s32 $0xA448;
	s6 =	sadd.s32 $0x0, s2  }
.LBB2_62:
0x19d: {  	[hbm4b:s6+s4] =	stream.linear.scatter [tilespmem:s12], [sflag:$0x2], $0x40, $0x38;
	[tilespmem:$0x19000] =	vst v63  }
0x19e: {  	s6 =	smov.u32 s24;
	s12 =	smov.u32 s13;
	p1 =	sne.s32 s24, $0xFC0  }
.Ltmp34:
0x19f: {  	s24 =	sadd.s32 $0x40, s24;
	(pc) =	sbr.rel @p1 .LBB2_62-.Ltmp34, $2  }
0x1a0: {  	_ =	sdelay $0x2  }
0x1a1: {  	s13 =	sadd.s32 $0x48, s13;
	s6 =	sadd.s32 s6, s2  }
0x1a2: {  	[hbm4b:s6+s4] =	stream.linear.scatter [tilespmem:s12], [sflag:$0x2], $0x40, $0x38;
	[tilespmem:$0x19000] =	vst v63  }
0x1a3: {  	s0 =	sadd.s32 $0x18000, s0;
	s2 =	simm.s32 $0xB600  }
0x1a4: {  	s12 =	simm.s32 $0x40;
	s13 =	simm.s32 $0xB648;
	s6 =	sadd.s32 $0x0, s0  }
.LBB2_64:
0x1a5: {  	[hbm4b:s6+s4] =	stream.linear.scatter [tilespmem:s2], [sflag:$0x2], $0x40, $0x38;
	[tilespmem:$0x19000] =	vst v63  }
0x1a6: {  	s6 =	smov.u32 s12;
	s2 =	smov.u32 s13;
	p1 =	sne.s32 s12, $0xFC0  }
.Ltmp35:
0x1a7: {  	s12 =	sadd.s32 $0x40, s12;
	(pc) =	sbr.rel @p1 .LBB2_64-.Ltmp35, $2  }
0x1a8: {  	_ =	sdelay $0x2  }
0x1a9: {  	s13 =	sadd.s32 $0x48, s13;
	s6 =	sadd.s32 s6, s0  }
.Ltmp36:
0x1aa: {  	(pc) =	sbr.rel @p0 .LBB2_75-.Ltmp36, $4  }
0x1ab: {  	[hbm4b:s6+s4] =	stream.linear.scatter [tilespmem:s2], [sflag:$0x2], $0x40, $0x38;
	[tilespmem:$0x19000] =	vst v63  }
0x1ac: {  	_ =	swait.ge [sflag:s14], $0x4000  }
0x1ad: {  	[sflag:s14] =	ssyncset.done $0x0  }
0x1ae: {  	[sflag:s14] =	ssyncadd.s32 $0xFFFFC000  }
0x1af: {  	s0 =	sshll.u32 s26, $0xF;
	s2 =	sadd.s32 s10, s28  }
0x1b0: {  	s0 =	sadd.s32 s0, s2  }
0x1b1: {  	s0 =	sshrl.u32 s0, $0x3  }
0x1b2: {  	s12 =	simm.s32 $0x40;
	s0 =	sadd.s32 s3, s0  }
0x1b3: {  	s13 =	simm.s32 $0xC848;
	s2 =	simm.s32 $0xC800;
	s6 =	sadd.s32 $0x0, s0  }
.LBB2_67:
0x1b4: {  	[hbm4b:s6+s4] =	stream.linear.scatter [tilespmem:s2], [sflag:$0x2], $0x40, $0x38;
	[tilespmem:$0x19000] =	vst v63  }
0x1b5: {  	s6 =	smov.u32 s12;
	s2 =	smov.u32 s13;
	p1 =	sne.s32 s12, $0xFC0  }
.Ltmp37:
0x1b6: {  	s12 =	sadd.s32 $0x40, s12;
	(pc) =	sbr.rel @p1 .LBB2_67-.Ltmp37, $2  }
0x1b7: {  	_ =	sdelay $0x2  }
0x1b8: {  	s13 =	sadd.s32 $0x48, s13;
	s6 =	sadd.s32 s6, s0  }
0x1b9: {  	[hbm4b:s6+s4] =	stream.linear.scatter [tilespmem:s2], [sflag:$0x2], $0x40, $0x38;
	[tilespmem:$0x19000] =	vst v63  }
0x1ba: {  	s2 =	sadd.s32 $0x8000, s0;
	s12 =	simm.s32 $0xDA00  }
0x1bb: {  	s24 =	simm.s32 $0x40;
	s13 =	simm.s32 $0xDA48;
	s6 =	sadd.s32 $0x0, s2  }
.LBB2_69:
0x1bc: {  	[hbm4b:s6+s4] =	stream.linear.scatter [tilespmem:s12], [sflag:$0x2], $0x40, $0x38;
	[tilespmem:$0x19000] =	vst v63  }
0x1bd: {  	s6 =	smov.u32 s24;
	s12 =	smov.u32 s13;
	p1 =	sne.s32 s24, $0xFC0  }
.Ltmp38:
0x1be: {  	s24 =	sadd.s32 $0x40, s24;
	(pc) =	sbr.rel @p1 .LBB2_69-.Ltmp38, $2  }
0x1bf: {  	_ =	sdelay $0x2  }
0x1c0: {  	s13 =	sadd.s32 $0x48, s13;
	s6 =	sadd.s32 s6, s2  }
0x1c1: {  	[hbm4b:s6+s4] =	stream.linear.scatter [tilespmem:s12], [sflag:$0x2], $0x40, $0x38;
	[tilespmem:$0x19000] =	vst v63  }
0x1c2: {  	s2 =	sadd.s32 $0x10000, s0;
	s12 =	simm.s32 $0xEC00  }
0x1c3: {  	s24 =	simm.s32 $0x40;
	s13 =	simm.s32 $0xEC48;
	s6 =	sadd.s32 $0x0, s2  }
.LBB2_71:
0x1c4: {  	[hbm4b:s6+s4] =	stream.linear.scatter [tilespmem:s12], [sflag:$0x2], $0x40, $0x38;
	[tilespmem:$0x19000] =	vst v63  }
0x1c5: {  	s6 =	smov.u32 s24;
	s12 =	smov.u32 s13;
	p1 =	sne.s32 s24, $0xFC0  }
.Ltmp39:
0x1c6: {  	s24 =	sadd.s32 $0x40, s24;
	(pc) =	sbr.rel @p1 .LBB2_71-.Ltmp39, $2  }
0x1c7: {  	_ =	sdelay $0x2  }
0x1c8: {  	s13 =	sadd.s32 $0x48, s13;
	s6 =	sadd.s32 s6, s2  }
0x1c9: {  	[hbm4b:s6+s4] =	stream.linear.scatter [tilespmem:s12], [sflag:$0x2], $0x40, $0x38;
	[tilespmem:$0x19000] =	vst v63  }
0x1ca: {  	s0 =	sadd.s32 $0x18000, s0;
	s2 =	simm.s32 $0xFE00  }
0x1cb: {  	s12 =	simm.s32 $0x40;
	s13 =	simm.s32 $0xFE48;
	s6 =	sadd.s32 $0x0, s0  }
.LBB2_73:
0x1cc: {  	[hbm4b:s6+s4] =	stream.linear.scatter [tilespmem:s2], [sflag:$0x2], $0x40, $0x38;
	[tilespmem:$0x19000] =	vst v63  }
0x1cd: {  	s6 =	smov.u32 s12;
	s2 =	smov.u32 s13;
	p1 =	sne.s32 s12, $0xFC0  }
.Ltmp40:
0x1ce: {  	s12 =	sadd.s32 $0x40, s12;
	(pc) =	sbr.rel @p1 .LBB2_73-.Ltmp40, $2  }
0x1cf: {  	_ =	sdelay $0x2  }
0x1d0: {  	s13 =	sadd.s32 $0x48, s13;
	s6 =	sadd.s32 s6, s0  }
0x1d1: {  	[hbm4b:s6+s4] =	stream.linear.scatter [tilespmem:s2], [sflag:$0x2], $0x40, $0x38;
	[tilespmem:$0x19000] =	vst v63  }
0x1d2: {  	_ =	swait.ge [sflag:s14], $0x4000  }
0x1d3: {  	[sflag:s14] =	ssyncset.done $0x0  }
0x1d4: {  	[sflag:s14] =	ssyncadd.s32 $0xFFFFC000  }
.LBB2_75:
0x1d5: {  	s0 =	sadd.s32 $0xC00000, s29  }
0x1d6: {  	s0 =	sshrl.u32 s0, $0x3  }
0x1d7: {  	s2 =	sadd.s32 s1, s0  }
0x1d8: {  	[tilespmem:s4], [sflag:$0x2] =	stream.strided.gather [hbm4b:s2+s15], $0x1000, s16, s15, $0x38;
	[tilespmem:$0x19000] =	vst v63  }
0x1d9: {  	s6 =	sadd.s32 $0x8000, s2  }
0x1da: {  	[tilespmem:s17], [sflag:$0x2] =	stream.strided.gather [hbm4b:s6+s15], $0x1000, s16, s15, $0x38;
	[tilespmem:$0x19000] =	vst v63  }
0x1db: {  	s29 =	sadd.s32 $0x10000, s2  }
0x1dc: {  	[tilespmem:s18], [sflag:$0x2] =	stream.strided.gather [hbm4b:s29+s15], $0x1000, s16, s15, $0x38;
	[tilespmem:$0x19000] =	vst v63  }
0x1dd: {  	s2 =	sadd.s32 $0x18000, s2  }
0x1de: {  	[tilespmem:s19], [sflag:$0x2] =	stream.strided.gather [hbm4b:s2+s15], $0x1000, s16, s15, $0x38;
	[tilespmem:$0x19000] =	vst v63  }
0x1df: {  	s2 =	sadd.s32 @!p0 s11, s28  }
0x1e0: {  	s12 =	simm.s32 @!p0 $0x40;
	_ =	swait.ge [sflag:s14], $0x4000;
	s2 =	sadd.s32 @!p0 s30, s2  }
0x1e1: {  	s13 =	simm.s32 @!p0 $0x200;
	[sflag:s14] =	ssyncset.done $0x0;
	s2 =	sshrl.u32 @!p0 s2, $0x3  }
0x1e2: {  	s24 =	simm.s32 @!p0 $0x4000;
	[sflag:s14] =	ssyncadd.s32 $0xFFFFC000;
	s6 =	sadd.s32 @!p0 s1, s2  }
0x1e3: {  	[tilespmem:s24], [sflag:$0x2] =	stream.strided.gather @!p0 [hbm4b:s6+s12], $0x1000, s13, s12, $0x38;
	[tilespmem:$0x19000] =	vst v63  }
0x1e4: {  	s29 =	simm.s32 @!p0 $0x5000;
	s24 =	sadd.s32 @!p0 $0x8000, s6  }
0x1e5: {  	[tilespmem:s29], [sflag:$0x2] =	stream.strided.gather @!p0 [hbm4b:s24+s12], $0x1000, s13, s12, $0x38;
	[tilespmem:$0x19000] =	vst v63  }
0x1e6: {  	s24 =	sadd.s32 @!p0 $0x10000, s6;
	s29 =	simm.s32 @!p0 $0x6000  }
0x1e7: {  	[tilespmem:s29], [sflag:$0x2] =	stream.strided.gather @!p0 [hbm4b:s24+s12], $0x1000, s13, s12, $0x38;
	[tilespmem:$0x19000] =	vst v63  }
0x1e8: {  	s6 =	sadd.s32 @!p0 $0x18000, s6;
	s24 =	simm.s32 @!p0 $0x7000  }
0x1e9: {  	[tilespmem:s24], [sflag:$0x2] =	stream.strided.gather @!p0 [hbm4b:s6+s12], $0x1000, s13, s12, $0x38;
	[tilespmem:$0x19000] =	vst v63  }
0x1ea: {  	s6 =	simm.s32 @!p0 $0x2  }
0x1eb: {  	_ =	swait.ge @!p0 [sflag:s6], $0x4000  }
0x1ec: {  	[sflag:s6] =	ssyncset.done @!p0 $0x0  }
0x1ed: {  	s24 =	sadd.s32 s8, s0;
	[sflag:s6] =	ssyncadd.s32 @!p0 $0xFFFFC000  }
0x1ee: {  	[hbm4b:s24+s15] =	stream.strided.scatter [tilespmem:s20], [sflag:$0x2], $0x1000, s16, s15, $0x38;
	[tilespmem:$0x19000] =	vst v63  }
0x1ef: {  	s30 =	sadd.s32 $0x8000, s24  }
0x1f0: {  	[hbm4b:s30+s15] =	stream.strided.scatter [tilespmem:s21], [sflag:$0x2], $0x1000, s16, s15, $0x38;
	[tilespmem:$0x19000] =	vst v63  }
0x1f1: {  	s31 =	sadd.s32 $0x10000, s24  }
0x1f2: {  	[hbm4b:s31+s15] =	stream.strided.scatter [tilespmem:s22], [sflag:$0x2], $0x1000, s16, s15, $0x38;
	[tilespmem:$0x19000] =	vst v63  }
0x1f3: {  	s24 =	sadd.s32 $0x18000, s24  }
0x1f4: {  	[hbm4b:s24+s15] =	stream.strided.scatter [tilespmem:s23], [sflag:$0x2], $0x1000, s16, s15, $0x38;
	[tilespmem:$0x19000] =	vst v63  }
0x1f5: {  	_ =	swait.ge [sflag:s14], $0x4000  }
0x1f6: {  	[sflag:s14] =	ssyncset.done $0x0  }
0x1f7: {  	s2 =	sadd.s32 @!p0 s8, s2;
	s24 =	simm.s32 @!p0 $0x15000;
	[sflag:s14] =	ssyncadd.s32 $0xFFFFC000  }
0x1f8: {  	[hbm4b:s2+s12] =	stream.strided.scatter @!p0 [tilespmem:s24], [sflag:$0x2], $0x1000, s13, s12, $0x38;
	[tilespmem:$0x19000] =	vst v63  }
0x1f9: {  	s29 =	simm.s32 @!p0 $0x16000;
	s24 =	sadd.s32 @!p0 $0x8000, s2  }
0x1fa: {  	[hbm4b:s24+s12] =	stream.strided.scatter @!p0 [tilespmem:s29], [sflag:$0x2], $0x1000, s13, s12, $0x38;
	[tilespmem:$0x19000] =	vst v63  }
0x1fb: {  	s24 =	sadd.s32 @!p0 $0x10000, s2;
	s29 =	simm.s32 @!p0 $0x17000  }
0x1fc: {  	[hbm4b:s24+s12] =	stream.strided.scatter @!p0 [tilespmem:s29], [sflag:$0x2], $0x1000, s13, s12, $0x38;
	[tilespmem:$0x19000] =	vst v63  }
0x1fd: {  	s2 =	sadd.s32 @!p0 $0x18000, s2;
	s24 =	simm.s32 @!p0 $0x18000  }
0x1fe: {  	[hbm4b:s2+s12] =	stream.strided.scatter @!p0 [tilespmem:s24], [sflag:$0x2], $0x1000, s13, s12, $0x38;
	[tilespmem:$0x19000] =	vst v63  }
0x1ff: {  	s0 =	sadd.s32 s3, s0;
	_ =	swait.ge @!p0 [sflag:s6], $0x4000  }
0x200: {  	s2 =	simm.s32 $0x8000;
	s12 =	simm.s32 $0x40;
	[sflag:s6] =	ssyncset.done @!p0 $0x0  }
0x201: {  	s13 =	simm.s32 $0x8048;
	[sflag:s6] =	ssyncadd.s32 @!p0 $0xFFFFC000;
	s6 =	sadd.s32 $0x0, s0  }
.LBB2_76:
0x202: {  	[hbm4b:s6+s4] =	stream.linear.scatter [tilespmem:s2], [sflag:$0x2], $0x40, $0x38;
	[tilespmem:$0x19000] =	vst v63  }
0x203: {  	s6 =	smov.u32 s12;
	s2 =	smov.u32 s13;
	p1 =	sne.s32 s12, $0xFC0  }
.Ltmp41:
0x204: {  	s12 =	sadd.s32 $0x40, s12;
	(pc) =	sbr.rel @p1 .LBB2_76-.Ltmp41, $2  }
0x205: {  	_ =	sdelay $0x2  }
0x206: {  	s13 =	sadd.s32 $0x48, s13;
	s6 =	sadd.s32 s6, s0  }
0x207: {  	[hbm4b:s6+s4] =	stream.linear.scatter [tilespmem:s2], [sflag:$0x2], $0x40, $0x38;
	[tilespmem:$0x19000] =	vst v63  }
0x208: {  	s2 =	sadd.s32 $0x8000, s0;
	s12 =	simm.s32 $0x9200  }
0x209: {  	s24 =	simm.s32 $0x40;
	s13 =	simm.s32 $0x9248;
	s6 =	sadd.s32 $0x0, s2  }
.LBB2_78:
0x20a: {  	[hbm4b:s6+s4] =	stream.linear.scatter [tilespmem:s12], [sflag:$0x2], $0x40, $0x38;
	[tilespmem:$0x19000] =	vst v63  }
0x20b: {  	s6 =	smov.u32 s24;
	s12 =	smov.u32 s13;
	p1 =	sne.s32 s24, $0xFC0  }
.Ltmp42:
0x20c: {  	s24 =	sadd.s32 $0x40, s24;
	(pc) =	sbr.rel @p1 .LBB2_78-.Ltmp42, $2  }
0x20d: {  	_ =	sdelay $0x2  }
0x20e: {  	s13 =	sadd.s32 $0x48, s13;
	s6 =	sadd.s32 s6, s2  }
0x20f: {  	[hbm4b:s6+s4] =	stream.linear.scatter [tilespmem:s12], [sflag:$0x2], $0x40, $0x38;
	[tilespmem:$0x19000] =	vst v63  }
0x210: {  	s2 =	sadd.s32 $0x10000, s0;
	s12 =	simm.s32 $0xA400  }
0x211: {  	s24 =	simm.s32 $0x40;
	s13 =	simm.s32 $0xA448;
	s6 =	sadd.s32 $0x0, s2  }
.LBB2_80:
0x212: {  	[hbm4b:s6+s4] =	stream.linear.scatter [tilespmem:s12], [sflag:$0x2], $0x40, $0x38;
	[tilespmem:$0x19000] =	vst v63  }
0x213: {  	s6 =	smov.u32 s24;
	s12 =	smov.u32 s13;
	p1 =	sne.s32 s24, $0xFC0  }
.Ltmp43:
0x214: {  	s24 =	sadd.s32 $0x40, s24;
	(pc) =	sbr.rel @p1 .LBB2_80-.Ltmp43, $2  }
0x215: {  	_ =	sdelay $0x2  }
0x216: {  	s13 =	sadd.s32 $0x48, s13;
	s6 =	sadd.s32 s6, s2  }
0x217: {  	[hbm4b:s6+s4] =	stream.linear.scatter [tilespmem:s12], [sflag:$0x2], $0x40, $0x38;
	[tilespmem:$0x19000] =	vst v63  }
0x218: {  	s0 =	sadd.s32 $0x18000, s0;
	s2 =	simm.s32 $0xB600  }
0x219: {  	s12 =	simm.s32 $0x40;
	s13 =	simm.s32 $0xB648;
	s6 =	sadd.s32 $0x0, s0  }
.LBB2_82:
0x21a: {  	[hbm4b:s6+s4] =	stream.linear.scatter [tilespmem:s2], [sflag:$0x2], $0x40, $0x38;
	[tilespmem:$0x19000] =	vst v63  }
0x21b: {  	s6 =	smov.u32 s12;
	s2 =	smov.u32 s13;
	p1 =	sne.s32 s12, $0xFC0  }
.Ltmp44:
0x21c: {  	s12 =	sadd.s32 $0x40, s12;
	(pc) =	sbr.rel @p1 .LBB2_82-.Ltmp44, $2  }
0x21d: {  	_ =	sdelay $0x2  }
0x21e: {  	s13 =	sadd.s32 $0x48, s13;
	s6 =	sadd.s32 s6, s0  }
.Ltmp45:
0x21f: {  	(pc) =	sbr.rel @p0 .LBB2_93-.Ltmp45, $4  }
0x220: {  	[hbm4b:s6+s4] =	stream.linear.scatter [tilespmem:s2], [sflag:$0x2], $0x40, $0x38;
	[tilespmem:$0x19000] =	vst v63  }
0x221: {  	_ =	swait.ge [sflag:s14], $0x4000  }
0x222: {  	[sflag:s14] =	ssyncset.done $0x0  }
0x223: {  	[sflag:s14] =	ssyncadd.s32 $0xFFFFC000  }
0x224: {  	s0 =	sshll.u32 s26, $0xF;
	s2 =	sadd.s32 s11, s28  }
0x225: {  	s0 =	sadd.s32 s0, s2  }
0x226: {  	s0 =	sshrl.u32 s0, $0x3  }
0x227: {  	s12 =	simm.s32 $0x40;
	s0 =	sadd.s32 s3, s0  }
0x228: {  	s13 =	simm.s32 $0xC848;
	s2 =	simm.s32 $0xC800;
	s6 =	sadd.s32 $0x0, s0  }
.LBB2_85:
0x229: {  	[hbm4b:s6+s4] =	stream.linear.scatter [tilespmem:s2], [sflag:$0x1], $0x40, $0x38;
	[tilespmem:$0x19000] =	vst v63  }
0x22a: {  	s6 =	smov.u32 s12;
	s2 =	smov.u32 s13;
	p0 =	sne.s32 s12, $0xFC0  }
.Ltmp46:
0x22b: {  	s12 =	sadd.s32 $0x40, s12;
	(pc) =	sbr.rel @p0 .LBB2_85-.Ltmp46, $2  }
0x22c: {  	_ =	sdelay $0x2  }
0x22d: {  	s13 =	sadd.s32 $0x48, s13;
	s6 =	sadd.s32 s6, s0  }
0x22e: {  	[hbm4b:s6+s4] =	stream.linear.scatter [tilespmem:s2], [sflag:$0x1], $0x40, $0x38;
	[tilespmem:$0x19000] =	vst v63  }
0x22f: {  	s2 =	sadd.s32 $0x8000, s0;
	s12 =	simm.s32 $0xDA00  }
0x230: {  	s24 =	simm.s32 $0x40;
	s13 =	simm.s32 $0xDA48;
	s6 =	sadd.s32 $0x0, s2  }
.LBB2_87:
0x231: {  	[hbm4b:s6+s4] =	stream.linear.scatter [tilespmem:s12], [sflag:$0x1], $0x40, $0x38;
	[tilespmem:$0x19000] =	vst v63  }
0x232: {  	s6 =	smov.u32 s24;
	s12 =	smov.u32 s13;
	p0 =	sne.s32 s24, $0xFC0  }
.Ltmp47:
0x233: {  	s24 =	sadd.s32 $0x40, s24;
	(pc) =	sbr.rel @p0 .LBB2_87-.Ltmp47, $2  }
0x234: {  	_ =	sdelay $0x2  }
0x235: {  	s13 =	sadd.s32 $0x48, s13;
	s6 =	sadd.s32 s6, s2  }
0x236: {  	[hbm4b:s6+s4] =	stream.linear.scatter [tilespmem:s12], [sflag:$0x1], $0x40, $0x38;
	[tilespmem:$0x19000] =	vst v63  }
0x237: {  	s2 =	sadd.s32 $0x10000, s0;
	s12 =	simm.s32 $0xEC00  }
0x238: {  	s24 =	simm.s32 $0x40;
	s13 =	simm.s32 $0xEC48;
	s6 =	sadd.s32 $0x0, s2  }
.LBB2_89:
0x239: {  	[hbm4b:s6+s4] =	stream.linear.scatter [tilespmem:s12], [sflag:$0x1], $0x40, $0x38;
	[tilespmem:$0x19000] =	vst v63  }
0x23a: {  	s6 =	smov.u32 s24;
	s12 =	smov.u32 s13;
	p0 =	sne.s32 s24, $0xFC0  }
.Ltmp48:
0x23b: {  	s24 =	sadd.s32 $0x40, s24;
	(pc) =	sbr.rel @p0 .LBB2_89-.Ltmp48, $2  }
0x23c: {  	_ =	sdelay $0x2  }
0x23d: {  	s13 =	sadd.s32 $0x48, s13;
	s6 =	sadd.s32 s6, s2  }
0x23e: {  	[hbm4b:s6+s4] =	stream.linear.scatter [tilespmem:s12], [sflag:$0x1], $0x40, $0x38;
	[tilespmem:$0x19000] =	vst v63  }
0x23f: {  	s0 =	sadd.s32 $0x18000, s0;
	s2 =	simm.s32 $0xFE00  }
0x240: {  	s12 =	simm.s32 $0x40;
	s13 =	simm.s32 $0xFE48;
	s6 =	sadd.s32 $0x0, s0  }
.LBB2_91:
0x241: {  	[hbm4b:s6+s4] =	stream.linear.scatter [tilespmem:s2], [sflag:$0x1], $0x40, $0x38;
	[tilespmem:$0x19000] =	vst v63  }
0x242: {  	s6 =	smov.u32 s12;
	s2 =	smov.u32 s13;
	p0 =	sne.s32 s12, $0xFC0  }
.Ltmp49:
0x243: {  	s12 =	sadd.s32 $0x40, s12;
	(pc) =	sbr.rel @p0 .LBB2_91-.Ltmp49, $2  }
0x244: {  	_ =	sdelay $0x2  }
0x245: {  	s13 =	sadd.s32 $0x48, s13;
	s6 =	sadd.s32 s6, s0  }
0x246: {  	[hbm4b:s6+s4] =	stream.linear.scatter [tilespmem:s2], [sflag:$0x1], $0x40, $0x38;
	[tilespmem:$0x19000] =	vst v63  }
.Ltmp50:
0x247: {  	_ = 	snop;
	(pc) =	sbr.rel .LBB2_93-.Ltmp50, $4  }
0x248: {  	s0 =	simm.s32 $0x1  }
0x249: {  	_ =	swait.ge [sflag:s0], $0x4000  }
0x24a: {  	[sflag:s0] =	ssyncset.done $0x0  }
0x24b: {  	[sflag:s0] =	ssyncadd.s32 $0xFFFFC000  }
.LBB2_95:
0x24c: {  	_ =	sfence.sel $0x180000  }
0x24d: {  	[bflag:$0x0] =	sbarrier.arrive $0xFFFF  }
0x24e: {  	_ =	strace $0x9000004A  }
0x24f: {  	s0 =	stileid.u32;
	[bflag:$0x2] =	sbarrier.arrive $0xFFFF  }
0x250: {  	p0 =	sne.s32 s0, $0x0;
	s0 =	rddreg [dreg:$0x3]  }
0x251: {  	s0 =	sadd.s32 @!p0 $0x100000, s0  }
0x252: {  	[sflag:s0] =	ssyncadd.tile.s32 @!p0 $0x1;
	_ =	shalt  }
.Lfunc_end2:
_tile_overlayer_lowered:
.L_overlay_start_2:
0x253: {  	(tag) =	ssettag $0x2  }
0x254: {  	s0 =	rddreg [dreg:$0x0];
	s2 =	stileid.u32  }
0x255: {  	s1 =	rddreg [dreg:$0x1];
	p0 =	sne.s32 s2, $0x0  }
0x256: {  	s3 =	rddreg [dreg:$0x2];
	[bflag:$0x3] =	sbarrier.arrive $0xFFFF;
	s2 =	simm.s32 @!p0 $0x1C01  }
0x257: {  	[timem:s3], [sflag:s2] =	dma.local @!p0 [hbm:s0], s1  }
0x258: {  	s0 =	simm.s32 @!p0 $0x1  }
0x259: {  	_ =	swait.ge @!p0 [sflag:s0], s1  }
0x25a: {  	s1 =	ssub.s32 @!p0 $0x0, s1;
	[sflag:s0] =	ssyncset.done @!p0 $0x0  }
0x25b: {  	[sflag:s0] =	ssyncadd.s32 @!p0 s1  }
0x25c: {  	[bflag:$0x3] =	sbarrier.arrive $0xFFFF  }
0x25d: {  	_ =	shalt  }

// kernel: sparse-core-data-format-call.cloned.1.call-start
scs
called_computation_lowered:
.L_overlay_start_0:
0x0: {  	s2 =	sld [smem:$0x3FD9]  }
0x1: {  	s3 =	sld [smem:$0x3FFE];
	_ =	sdelay $0x1  }
0x2: {  	s1 =	srdreg.scid  }
0x3: {  	s0 =	sand.u32 $0x1, s1  }
0x4: {  	s16 =	sshll.u32 s0, $0xA;
	s2 =	sadd.s32 s3, s2  }
0x5: {  	s2 =	sadd.s32 s2, s16  }
0x6: {  	[smem:$0x3FC6] =	sst s2  }
0x7: {  	_ = 	snop  }
0x8: {  	s2 =	sld [smem:$0x3FD0];
	_ =	sdelay $0x2  }
0x9: {  	s4 =	simm.s32 $0xA;
	s5 =	simm.s32 $0x10;
	s17 =	sld [smem:$0x3FC9]  }
0xa: {  	[smem:s5], [sflag:s4] =	dma.local [hbm:s2], $0x1  }
0xb: {  	_ =	swait.eq [sflag:s4], $0x1  }
0xc: {  	[sflag:s4] =	ssyncset.done $0x0  }
0xd: {  	[sflag:s4] =	ssyncadd.s32 $0xFFFFFFFF  }
0xe: {  	s18 =	sld [smem:$0x10];
	(tm) =	ssettm $0x1  }
0xf: {  	s19 =	sld [smem:$0x3FFB];
	_ =	sdelay $0x3  }
0x10: {  	_ =	strace s19  }
0x11: {  	s4 =	sld [smem:$0x3FFC];
	_ =	sdelay $0x3  }
0x12: {  	_ =	strace s4  }
0x13: {  	s4 =	sld [smem:$0x3FFD];
	_ =	sdelay $0x3  }
0x14: {  	_ =	strace s4  }
0x15: {  	_ =	strace $0x8FFFFFFF  }
0x16: {  	s20 =	sld [smem:$0x3FDB];
	_ =	sdelay $0x1  }
0x17: {  	s21 =	simm.s32 $_scs_section_size  }
0x18: {  	s6 =	simm.s32 $_size__tile_overlayer_lowered;
	s7 =	simm.s32 $_tile_overlayer_lowered  }
0x19: {  	s24 =	simm.s32 $0x1BFF;
	s23 =	sshll.u32 s7, $0x1;
	s4 =	sadd.s32 s21, s20  }
0x1a: {  	s8 =	simm.s32 $0x0;
	s22 =	sshll.u32 s6, $0x1;
	s6 =	sadd.s32 s23, s4  }
0x1b: {  	[timem:s8], [sflag:s24] =	dma.local [hbm:s6], s22  }
0x1c: {  	_ =	swait.ge [sflag:s24], s22  }
0x1d: {  	s5 =	ssub.s32 $0x0, s22;
	[sflag:s24] =	ssyncset.done $0x0  }
0x1e: {  	[sflag:s24] =	ssyncadd.s32 s5;
	_ =	sdelay $0x1  }
0x1f: {  	s25 =	simm.s32 $0x1B8B  }
0x20: {  	_ =	swait.ge [sflag:s25], $0x1  }
0x21: {  	[sflag:s25] =	ssyncset.done $0x0  }
0x22: {  	s26 =	simm.s32 $0x1B8E;
	[sflag:s25] =	ssyncadd.s32 $0xFFFFFFFF  }
0x23: {  	s27 =	simm.s32 $execute0_lowered;
	[smem:$0x3FD2] =	sst s26  }
0x24: {  	s5 =	sshll.u32 s27, $0x1;
	_ =	strace $0x80000046;
	[dreg:$0x1] =	wrdreg $0xFFFFFFFF  }
0x25: {  	s28 =	simm.s32 $_size_execute0_lowered;
	s4 =	sadd.s32 s4, s5;
	[dreg:$0x0] =	wrdreg $0x0  }
0x26: {  	s5 =	sshll.u32 s28, $0x1;
	[dreg:$0x2] =	wrdreg s4  }
0x27: {  	[dreg:$0x3] =	wrdreg s5  }
0x28: {  	[dreg:$0x4] =	wrdreg $0xC0  }
0x29: {  	_ =	task [dreg:s8], $0x5FFFF  }
0x2a: {  	[dreg:$0x1] =	wrdreg $0xFFFFFFFF  }
0x2b: {  	[dreg:$0x0] =	wrdreg $0x60  }
0x2c: {  	[dreg:$0x2] =	wrdreg s17  }
0x2d: {  	[dreg:$0x3] =	wrdreg s18  }
0x2e: {  	[dreg:$0x4] =	wrdreg $0x9  }
0x2f: {  	_ =	task.clear_ibuf [dreg:s8], $0x5FFFF;
	_ =	strace $0x90000046  }
0x30: {  	s29 =	simm.s32 $0x9;
	_ =	strace $0x80000048  }
0x31: {  	_ =	swait.ge [sflag:s29], $0x1  }
0x32: {  	[sflag:s29] =	ssyncadd.s32 $0xFFFFFFFF  }
0x33: {  	_ =	strace $0x90000048  }
0x34: {  	_ =	sfence  }
0x35: {  	s30 =	sld [smem:$0x0];
	_ =	sdelay $0x2  }
0x36: {  	s31 =	sshll.u32 s1, $0xD;
	s1 =	sshrl.u32 s1, $0x2  }
0x37: {  	s3 =	sand.u32 $0x4000, s31;
	s1 =	sadd.s32 s1, s30  }
0x38: {  	s0 =	sor.u32 s3, s0;
	s1 =	sshll.u32 s1, $0x11  }
0x39: {  	s0 =	sor.u32 s1, s0  }
0x3a: {  	s0 =	sadd.s32 $0x8F2B, s0  }
0x3b: {  	[sflag:s0] =	ssyncadd.remote.s32 $0x1  }
0x3c: {  	_ =	sfence.sel $0xFFFF  }
0x3d: {  	[dreg:$0x0] =	wrdreg $0xFFFFFFFF;
	(pc) =	sbr.abs _section_cstart, $3  }
0x3e: {  	[dreg:$0x1] =	wrdreg $0xFFFFFFFF  }
0x3f: {  	_ =	task.clear_ibuf [dreg:s8], $0x2FFFF;
	_ =	strace $0x9FFFFFFF  }
0x40: {  	(tm) =	ssettm $0x7FFFFFFF  }
0x41: {  	_ =	shalt  }
tec
execute0_lowered:
.L_overlay_start_1:
0x0: {  	(tag) =	ssettag $0x1  }
0x1: {  	s0 =	srdreg.scid  }
0x2: {  	s1 =	sshll.u32 s0, $0x4  }
0x3: {  	s2 =	rddreg [dreg:$0x0];
	s0 =	stileid.u32;
	s1 =	sand.u32 $0x10, s1  }
0x4: {  	s4 =	rddreg [dreg:$0x1];
	s1 =	sor.u32 s0, s1  }
0x5: {  	s7 =	simm.s32 $0x1;
	s8 =	simm.s32 $0x2;
	s3 =	sshll.u32 s1, $0x2  }
0x6: {  	s9 =	simm.s32 $0x0;
	s12 =	simm.s32 $0x0;
	s6 =	ssub.s32 $0x1000, s3  }
.Ltmp0:
0x7: {  	s11 =	simm.s32 $0x0;
	s5 =	sand.u32 $0x7C, s6;
	(pc) =	sbr.rel .LBB1_1-.Ltmp0, $4  }
0x8: {  	s1 =	rddreg [dreg:$0x2];
	_ =	strace $0x80000047;
	p0 =	sne.s32 s5, $0x0  }
0x9: {  	s6 =	sshrl.u32 s6, $0x7;
	s5 =	simm.s32 $0x1;
	s7 =	simm.s32 @!p0 $0x0  }
0xa: {  	s10 =	smov.u32 s3;
	[sflag:s5] =	ssyncpa.u1 $0x0;
	s6 =	sadd.s32 s7, s6  }
0xb: {  	[sflag:s8] =	ssyncpa.u1 $0x0;
	s8 =	simm.s32 $0x0;
	s7 =	sadd.s32 $0x1, s6  }
.LBB1_9:
0xc: {  	s14 =	sadd.s32 $0x80, s10  }
0xd: {  	p1 =	sgt.s32 s14, $0xFFF  }
0xe: {  	s14 =	smov.u32 @p1 s3;
	p1 =	sne.s32 s11, s7  }
.Ltmp1:
0xf: {  	p0 =	slt.u32 s11, $0x2;
	(pc) =	sbr.rel @!p1 .LBB1_10-.Ltmp1, $4  }
0x10: {  	s13 =	simm.s32 @!p0 $0x2  }
0x11: {  	s15 =	sadd.s32 $0x1, s11;
	_ =	swait.ge @!p0 [sflag:s13], $0x4000  }
0x12: {  	s12 =	smov.u32 s10;
	s9 =	sadd.s32 $0x4000, s9;
	[sflag:s13] =	ssyncset.done @!p0 $0x0  }
0x13: {  	s11 =	smov.u32 s15;
	s10 =	smov.u32 s14;
	[sflag:s13] =	ssyncadd.s32 @!p0 $0xFFFFC000  }
.LBB1_1:
0x14: {  	p0 =	sge.u32 s11, s6  }
0x15: {  	s13 =	sxor.u32 @!p0 $0xFFFFFFFF, s11  }
0x16: {  	s31 =	sadd.s32 $0xFFFFFFFF, s11;
	s14 =	sshll.u32 @!p0 s10, $0x9;
	s13 =	sshll.u32 @!p0 s13, $0xE  }
0x17: {  	s15 =	simm.s32 @!p0 $0x0;
	s14 =	sadd.s32 @!p0 s2, s14;
	s13 =	sand.u32 @!p0 $0x4000, s13  }
0x18: {  	[tilespmem:s13], [sflag:$0x1] =	stream.linear.gather @!p0 [hbm4b:s14+s15], $0x4000, $0x38;
	[tilespmem:$0x10000] =	vst v63  }
0x19: {  	p0 =	sge.u32 s31, s6  }
.Ltmp2:
0x1a: {  	_ = 	snop;
	(pc) =	sbr.rel @p0 .LBB1_9-.Ltmp2, $1  }
0x1b: {  	_ =	sdelay $0x3  }
0x1c: {  	s14 =	sand.u32 $0x4000, s9  }
0x1d: {  	_ =	swait.ge [sflag:s5], $0x4000;
	s15 =	sshll.u32 s11, $0xE;
	s16 =	simm.s32 $0x0  }
0x1e: {  	s13 =	sor.u32 $0x40, s14;
	[sflag:s5] =	ssyncset.done $0x0;
	s15 =	sand.u32 $0x4000, s15  }
0x1f: {  	s14 =	sor.u32 $0x8040, s14;
	[sflag:s5] =	ssyncadd.s32 $0xFFFFC000;
	s15 =	sor.u32 $0x8000, s15  }
.LBB1_3:
0x20: {  	s17 =	smov.u32 s14;
	s18 =	smov.u32 s13;
	s19 =	simm.s32 $0x0  }
.LBB1_4:
0x21: {  	v0 =	vmov s17;
	v2 =	vld [tilespmem:s18+$0x30]  }
0x22: {  	v4 =	vld [tilespmem:s18+$0xFFFFFFD0]  }
0x23: {  	v6 =	vld [tilespmem:s18+$0xFFFFFFE0]  }
0x24: {  	v7 =	vld [tilespmem:s18+$0xFFFFFFF0]  }
0x25: {  	s20 =	simm.s32 $0x0;
	v1 =	vld [tilespmem:s18+$0x0]  }
0x26: {  	v3 =	vld [tilespmem:s18+$0x10];
	[tilespmem:v0+s20+$0x30 ss:$0x1] =	vst.idx.msk $0xffff, v2  }
0x27: {  	v5 =	vld [tilespmem:s18+$0x20];
	[tilespmem:v0+s20+$0xFFFFFFD0 ss:$0x1] =	vst.idx.msk $0xffff, v4  }
0x28: {  	s21 =	sadd.s32 $0x80, s18;
	v2 =	vld [tilespmem:s18+$0xFFFFFFC0];
	[tilespmem:v0+s20+$0xFFFFFFE0 ss:$0x1] =	vst.idx.msk $0xffff, v6  }
0x29: {  	s22 =	simm.s32 $0x800;
	s23 =	simm.s32 $0x1000;
	v4 =	vld [tilespmem:s21+$0x30];
	[tilespmem:v0+s20+$0xFFFFFFF0 ss:$0x1] =	vst.idx.msk $0xffff, v7  }
.LBB1_5:
0x2a: {  	p0 =	sne.s32 s23, $0x3800;
	v6 =	vld [tilespmem:s21+$0xFFFFFFD0];
	[tilespmem:v0+s20+$0x0 ss:$0x1] =	vst.idx.msk $0xffff, v1  }
0x2b: {  	v7 =	vld [tilespmem:s21+$0xFFFFFFE0];
	[tilespmem:v0+s20+$0x10 ss:$0x1] =	vst.idx.msk $0xffff, v3  }
0x2c: {  	v8 =	vld [tilespmem:s21+$0xFFFFFFF0];
	[tilespmem:v0+s20+$0x20 ss:$0x1] =	vst.idx.msk $0xffff, v5  }
.Ltmp3:
0x2d: {  	v1 =	vld [tilespmem:s21+$0x0];
	[tilespmem:v0+s20+$0xFFFFFFC0 ss:$0x1] =	vst.idx.msk $0xffff, v2;
	s20 =	sshra.s32 s22, $0x2;
	s22 =	smov.u32 s23;
	(pc) =	sbr.rel @p0 .LBB1_5-.Ltmp3, $4  }
0x2e: {  	v3 =	vld [tilespmem:s21+$0x10];
	[tilespmem:v0+s20+$0x30 ss:$0x1] =	vst.idx.msk $0xffff, v4  }
0x2f: {  	[tilespmem:v0+s20+$0xFFFFFFD0 ss:$0x1] =	vst.idx.msk $0xffff, v6;
	v5 =	vld [tilespmem:s21+$0x20]  }
0x30: {  	v2 =	vld [tilespmem:s21+$0xFFFFFFC0];
	[tilespmem:v0+s20+$0xFFFFFFE0 ss:$0x1] =	vst.idx.msk $0xffff, v7;
	s21 =	sadd.s32 $0x80, s21  }
0x31: {  	s23 =	sadd.s32 $0x800, s23;
	v4 =	vld [tilespmem:s21+$0x30];
	[tilespmem:v0+s20+$0xFFFFFFF0 ss:$0x1] =	vst.idx.msk $0xffff, v8  }
0x32: {  	_ =	sdelay $0x3  }
0x33: {  	v6 =	vld [tilespmem:s21+$0xFFFFFFD0];
	[tilespmem:v0+s20+$0x0 ss:$0x1] =	vst.idx.msk $0xffff, v1  }
0x34: {  	v58 =	vld [tilespmem:s21+$0xFFFFFFE0];
	[tilespmem:v0+s20+$0x10 ss:$0x1] =	vst.idx.msk $0xffff, v3  }
0x35: {  	v59 =	vld [tilespmem:s21+$0xFFFFFFF0];
	[tilespmem:v0+s20+$0x20 ss:$0x1] =	vst.idx.msk $0xffff, v5  }
0x36: {  	s22 =	sshra.s32 s22, $0x2;
	v60 =	vld [tilespmem:s21+$0x0];
	[tilespmem:v0+s20+$0xFFFFFFC0 ss:$0x1] =	vst.idx.msk $0xffff, v2  }
0x37: {  	v61 =	vld [tilespmem:s21+$0x10];
	[tilespmem:v0+s22+$0x30 ss:$0x1] =	vst.idx.msk $0xffff, v4  }
0x38: {  	v62 =	vld [tilespmem:s21+$0x20];
	s19 =	sadd.s32 $0x1, s19;
	[tilespmem:v0+s22+$0xFFFFFFD0 ss:$0x1] =	vst.idx.msk $0xffff, v6  }
0x39: {  	v63 =	vld [tilespmem:s21+$0xFFFFFFC0];
	p0 =	sne.s32 s19, $0x4;
	[tilespmem:v0+s22+$0xFFFFFFE0 ss:$0x1] =	vst.idx.msk $0xffff, v58  }
.Ltmp4:
0x3a: {  	[tilespmem:v0+s22+$0xFFFFFFF0 ss:$0x1] =	vst.idx.msk $0xffff, v59;
	(pc) =	sbr.rel @p0 .LBB1_4-.Ltmp4, $4  }
0x3b: {  	[tilespmem:v0+s22+$0x0 ss:$0x1] =	vst.idx.msk $0xffff, v60  }
0x3c: {  	[tilespmem:v0+s22+$0x10 ss:$0x1] =	vst.idx.msk $0xffff, v61  }
0x3d: {  	[tilespmem:v0+s22+$0x20 ss:$0x1] =	vst.idx.msk $0xffff, v62  }
0x3e: {  	s18 =	sadd.s32 $0x400, s18;
	s17 =	sadd.s32 $0x80, s17;
	[tilespmem:v0+s22+$0xFFFFFFC0 ss:$0x1] =	vst.idx.msk $0xffff, v63  }
0x3f: {  	s16 =	sadd.s32 $0x1, s16  }
0x40: {  	p0 =	sne.s32 s16, $0x4  }
.Ltmp5:
0x41: {  	_ = 	snop;
	(pc) =	sbr.rel @p0 .LBB1_3-.Ltmp5, $2  }
0x42: {  	_ =	sdelay $0x2  }
0x43: {  	s13 =	sadd.s32 $0x1000, s13;
	s14 =	sadd.s32 $0x1000, s14  }
.Ltmp6:
0x44: {  	(pc) =	sbr.rel .LBB1_9-.Ltmp6, $4  }
0x45: {  	_ = 	snop  }
0x46: {  	s12 =	sshll.u32 s12, $0x9  }
0x47: {  	s12 =	sadd.s32 s4, s12  }
0x48: {  	[hbm4b:s12+s8] =	stream.linear.scatter [tilespmem:s15], [sflag:$0x2], $0x4000, $0x38;
	[tilespmem:$0x10000] =	vst v63  }
.LBB1_10:
0x49: {  	_ =	sfence.sel $0x180000  }
0x4a: {  	s2 =	simm.s32 $0x1;
	[bflag:$0x0] =	sbarrier.arrive $0xFFFF  }
0x4b: {  	s31 =	simm.s32 $0x2;
	[sflag:s2] =	ssyncpa.u1 $0x1  }
0x4c: {  	[sflag:s31] =	ssyncpa.u1 $0x1  }
0x4d: {  	p0 =	sne.s32 s0, $0x0;
	_ =	strace $0x90000047  }
0x4e: {  	s0 =	sadd.s32 @!p0 $0x100000, s1;
	[bflag:$0x2] =	sbarrier.arrive $0xFFFF  }
0x4f: {  	[sflag:s0] =	ssyncadd.tile.s32 @!p0 $0x1;
	_ =	shalt  }
.Lfunc_end1:
_tile_overlayer_lowered:
.L_overlay_start_2:
0x50: {  	(tag) =	ssettag $0x2  }
0x51: {  	s0 =	rddreg [dreg:$0x0];
	s2 =	stileid.u32  }
0x52: {  	s1 =	rddreg [dreg:$0x1];
	p0 =	sne.s32 s2, $0x0  }
0x53: {  	s3 =	rddreg [dreg:$0x2];
	[bflag:$0x3] =	sbarrier.arrive $0xFFFF;
	s2 =	simm.s32 @!p0 $0x1C01  }
0x54: {  	[timem:s3], [sflag:s2] =	dma.local @!p0 [hbm:s0], s1  }
0x55: {  	s0 =	simm.s32 @!p0 $0x1  }
0x56: {  	_ =	swait.ge @!p0 [sflag:s0], s1  }
0x57: {  	s1 =	ssub.s32 @!p0 $0x0, s1;
	[sflag:s0] =	ssyncset.done @!p0 $0x0  }
0x58: {  	[sflag:s0] =	ssyncadd.s32 @!p0 s1  }
0x59: {  	[bflag:$0x3] =	sbarrier.arrive $0xFFFF  }
0x5a: {  	_ =	shalt  }

</sc_bundles>
